<compile_context>
chip_gen: v7x
topology: tpu7x:2x2x1
jax: 0.10.2.dev20260603
libtpu: 0.0.44.dev20260713+nightly
codegen_flags: <defaults>
</compile_context>

<pallas_src>
import functools

import jax
import jax.numpy as jnp
from jax import lax
from jax.experimental import pallas as pl
from jax.experimental.pallas import tpu as pltpu
from jax.experimental.pallas import tpu_sc as plsc

B = 16384
D = 32
L = 16
NCOLS = 7813
COLS_PER_W = 248
CHUNK_COLS = 4
CHUNK_V = CHUNK_COLS * 128
NCHUNK = COLS_PER_W // CHUNK_COLS
MAXCOL0 = NCOLS - CHUNK_COLS
LISTCAP = 1024
CLCAP = 128
IDXCHUNK = 1024
QROWS = 256


@functools.cache
def _build_gather(nw, nc):
    mesh = plsc.VectorSubcoreMesh(core_axis_name="c", subcore_axis_name="s")
    row_t = jax.ShapeDtypeStruct((B, D), jnp.float32)

    @functools.partial(
        pl.kernel,
        out_type=(row_t, row_t),
        mesh=mesh,
        compiler_params=pltpu.CompilerParams(
            needs_layout_passes=False, disable_bounds_checks=True),
        scratch_types=[
            pltpu.VMEM((IDXCHUNK,), jnp.int32),
            pltpu.VMEM((LISTCAP + L,), jnp.int32),
            pltpu.VMEM((LISTCAP + L,), jnp.int32),
            pltpu.VMEM((LISTCAP + L,), jnp.int32),
            pltpu.VMEM((LISTCAP + L,), jnp.int32),
            pltpu.VMEM((D, CHUNK_V), jnp.float32),
            pltpu.VMEM((D, CHUNK_V), jnp.float32),
            pltpu.VMEM((D, CHUNK_V), jnp.float32),
            pltpu.VMEM((D, CHUNK_V), jnp.float32),
            pltpu.VMEM((CLCAP + L,), jnp.int32),
            pltpu.VMEM((CLCAP + L,), jnp.int32),
            pltpu.VMEM((CLCAP, D), jnp.float32),
            pltpu.VMEM((NCHUNK + 2 + L,), jnp.int32),
            pltpu.VMEM((NCHUNK + 2 + L,), jnp.int32),
            pltpu.SemaphoreType.DMA,
            pltpu.SemaphoreType.DMA,
            pltpu.SemaphoreType.DMA,
        ],
    )
    def gather(c_hbm, t_hbm, cemb_hbm, temb_hbm, rowsc_hbm, rowst_hbm,
               idxbuf, lcc, lcb, ltc, ltb, chunkc, chunkt, chunkc2, chunkt2,
               clc, clb, stage, cntc, cntt, gsema, gsemb, ssem):
        wid = lax.axis_index("s") * nc + lax.axis_index("c")
        lo = wid * COLS_PER_W
        iota = lax.iota(jnp.int32, L)

        def build_list(idx_hbm, list_c, list_b):
            def outer(j, n):
                pltpu.sync_copy(idx_hbm.at[pl.ds(j * IDXCHUNK, IDXCHUNK)],
                                idxbuf)

                def inner(k, n):
                    c = idxbuf[pl.ds(k * L, L)]
                    bvec = j * IDXCHUNK + k * L + iota
                    colv = lax.shift_right_logical(c, 7)
                    m = (colv >= lo) & (colv < lo + COLS_PER_W)
                    off = jnp.minimum(n, LISTCAP - L)
                    plsc.store_compressed(list_c.at[pl.ds(off, L)], c, mask=m)
                    plsc.store_compressed(list_b.at[pl.ds(off, L)], bvec,
                                          mask=m)
                    return n + plsc.all_reduce_population_count(m)[0]

                return lax.fori_loop(0, IDXCHUNK // L, inner, n)

            return lax.fori_loop(0, B // IDXCHUNK, outer, 0)

        n_c = jnp.minimum(build_list(c_hbm, lcc, lcb), LISTCAP)
        n_t = jnp.minimum(build_list(t_hbm, ltc, ltb), LISTCAP)

        def build_hist(list_c, n, cnt):
            zero = jnp.zeros((L,), jnp.int32)
            for z in range((NCHUNK + 2 + L) // L):
                cnt[pl.ds(z * L, L)] = zero

            def histstep(k, carry):
                c = list_c[pl.ds(k * L, L)]
                ch = lax.shift_right_logical(
                    lax.shift_right_logical(c, 7) - lo, 2)
                ch = jnp.clip(ch, 0, NCHUNK - 1)
                valid = (k * L + iota) < n
                plsc.addupdate_scatter(cnt, [ch],
                                       jnp.ones((L,), jnp.int32), mask=valid)
                return carry

            lax.fori_loop(0, (n + L - 1) // L, histstep, 0)

        build_hist(lcc, n_c, cntc)
        build_hist(ltc, n_t, cntt)

        def cnt_at(cnt, k):
            return cnt[pl.ds(k, L)][0]

        def process(chunk, list_c, list_b, n, rows_hbm, col0):
            def filt(k, m):
                c = list_c[pl.ds(k * L, L)]
                b = list_b[pl.ds(k * L, L)]
                colv = lax.shift_right_logical(c, 7)
                msk = ((colv >= col0) & (colv < col0 + CHUNK_COLS)
                       & ((k * L + iota) < n))
                off = jnp.minimum(m, CLCAP - L)
                plsc.store_compressed(clc.at[pl.ds(off, L)], c, mask=msk)
                plsc.store_compressed(clb.at[pl.ds(off, L)], b, mask=msk)
                return m + plsc.all_reduce_population_count(msk)[0]

            m = lax.fori_loop(0, (n + L - 1) // L, filt, 0)
            m = jnp.minimum(m, CLCAP)

            def ext(e, carry):
                cval = clc[pl.ds(e, L)][0]
                bval = clb[pl.ds(e, L)][0]
                q = jnp.zeros((L,), jnp.int32) + (cval - col0 * 128)
                lo16 = plsc.load_gather(chunk, [iota, q])
                hi16 = plsc.load_gather(chunk, [iota + L, q])
                stage[e, pl.ds(0, L)] = lo16
                stage[e, pl.ds(L, L)] = hi16
                pltpu.async_copy(stage.at[e], rows_hbm.at[bval], ssem)
                return carry

            lax.fori_loop(0, m, ext, 0)

            def drain(e, carry):
                pltpu.make_async_copy(stage.at[0], rows_hbm.at[0],
                                      ssem).wait()
                return carry

            lax.fori_loop(0, m, drain, 0)

        def vstart(k):
            col0 = jnp.minimum(lo + k * CHUNK_COLS, MAXCOL0)
            return pl.multiple_of(col0 * 128, 128), col0

        def issue_chunk(k, cbuf, tbuf, sem):
            v0, _ = vstart(k)

            @pl.when(cnt_at(cntc, k) > 0)
            def _():
                pltpu.async_copy(cemb_hbm.at[:, pl.ds(v0, CHUNK_V)], cbuf,
                                 sem)

            @pl.when(cnt_at(cntt, k) > 0)
            def _():
                pltpu.async_copy(temb_hbm.at[:, pl.ds(v0, CHUNK_V)], tbuf,
                                 sem)

        def wait_process(k, cbuf, tbuf, sem):
            v0, col0 = vstart(k)

            @pl.when(cnt_at(cntc, k) > 0)
            def _():
                pltpu.make_async_copy(cemb_hbm.at[:, pl.ds(v0, CHUNK_V)],
                                      cbuf, sem).wait()
                process(cbuf, lcc, lcb, n_c, rowsc_hbm, col0)

            @pl.when(cnt_at(cntt, k) > 0)
            def _():
                pltpu.make_async_copy(temb_hbm.at[:, pl.ds(v0, CHUNK_V)],
                                      tbuf, sem).wait()
                process(tbuf, ltc, ltb, n_t, rowst_hbm, col0)

        issue_chunk(0, chunkc, chunkt, gsema)

        def chunk_pair(j, carry):
            k0 = j * 2
            issue_chunk(k0 + 1, chunkc2, chunkt2, gsemb)
            wait_process(k0, chunkc, chunkt, gsema)

            @pl.when(k0 + 2 < NCHUNK)
            def _():
                issue_chunk(k0 + 2, chunkc, chunkt, gsema)

            wait_process(k0 + 1, chunkc2, chunkt2, gsemb)
            return carry

        lax.fori_loop(0, NCHUNK // 2, chunk_pair, 0)

    return gather


@functools.cache
def _build_dot(nw, nc, bpw):
    ngroups = bpw // L
    mesh = plsc.VectorSubcoreMesh(core_axis_name="c", subcore_axis_name="s")

    @functools.partial(
        pl.kernel,
        out_type=jax.ShapeDtypeStruct((B,), jnp.float32),
        mesh=mesh,
        compiler_params=pltpu.CompilerParams(needs_layout_passes=False),
        scratch_types=[
            pltpu.VMEM((QROWS, D), jnp.float32),
            pltpu.VMEM((QROWS, D), jnp.float32),
            pltpu.VMEM((QROWS,), jnp.float32),
        ],
    )
    def dot(rowsc_hbm, rowst_hbm, out_hbm, crow, trow, scores):
        wid = lax.axis_index("s") * nc + lax.axis_index("c")
        base = wid * bpw
        iota = lax.iota(jnp.int32, L)

        def qstep(q, carry):
            qb = base + q * QROWS
            pltpu.sync_copy(rowsc_hbm.at[pl.ds(qb, QROWS)], crow)
            pltpu.sync_copy(rowst_hbm.at[pl.ds(qb, QROWS)], trow)

            def group(g, carry2):
                acc = jnp.zeros((L,), jnp.float32)
                for i in range(L):
                    b = g * L + i
                    c_lo = crow[b, pl.ds(0, L)]
                    c_hi = crow[b, pl.ds(L, L)]
                    t_lo = trow[b, pl.ds(0, L)]
                    t_hi = trow[b, pl.ds(L, L)]
                    s = jnp.sum(c_lo * t_lo + c_hi * t_hi)
                    acc = jnp.where(iota == i, s, acc)
                scores[pl.ds(g * L, L)] = acc
                return carry2

            lax.fori_loop(0, QROWS // L, group, 0)
            pltpu.sync_copy(scores, out_hbm.at[pl.ds(qb, QROWS)])
            return carry

        lax.fori_loop(0, bpw // QROWS, qstep, 0)

    return dot


def kernel(center_idx, target_idx, in_emb, out_emb):
    info = plsc.get_sparse_core_info()
    nw = info.num_cores * info.num_subcores
    g = _build_gather(nw, info.num_cores)
    d = _build_dot(nw, info.num_cores, B // nw)
    rowsc, rowst = g(center_idx, target_idx, in_emb.T, out_emb.T)
    return d(rowsc, rowst)

# --- scband reference (transcript-rebuilt; emitter-appended) ---
"""Pipeline reference for scband-product2-vec-6725918786203 (READ-ONLY COPY).

The authoritative reference and input builder live on the scoring server;
editing this copy changes nothing except your own understanding.
"""

import jax, jax.numpy as jnp
import numpy as np

VOCAB = 1000000
EMB = 32
BATCH = 16384

def setup_inputs(seed: int = 0) -> dict:
    key = jax.random.key(seed)
    k1, k2, k3, k4 = jax.random.split(key, 4)
    center_idx = jax.random.randint(k1, (BATCH,), 0, VOCAB, dtype=jnp.int64) if jax.config.jax_enable_x64 else jax.random.randint(k1, (BATCH,), 0, VOCAB, dtype=jnp.int32)
    target_idx = jax.random.randint(k2, (BATCH,), 0, VOCAB, dtype=jnp.int32)
    center_idx = center_idx.astype(jnp.int32)
    in_emb = jax.random.normal(k3, (VOCAB, EMB), dtype=jnp.float32) * 0.02
    out_emb = jax.random.normal(k4, (VOCAB, EMB), dtype=jnp.float32) * 0.02
    return {"center_idx": center_idx, "target_idx": target_idx, "in_emb": in_emb, "out_emb": out_emb}

def reference(center_idx, target_idx, in_emb, out_emb):
    v_c = jnp.take(in_emb, center_idx, axis=0)
    v_t = jnp.take(out_emb, target_idx, axis=0)
    scores = jnp.sum(v_c * v_t, axis=1)
    return scores

if __name__ == "__main__":
    import jax
    _d = setup_inputs()
    print(jax.jit(kernel)(*tuple(_d.values())))

</pallas_src>

<mosaic_0001>
#map = affine_map<(d0, d1) -> (0)>
#map1 = affine_map<(d0, d1) -> (0, 0)>
module attributes {stable_mosaic.version = 14 : i64} {
  func.func @gather(%arg0: i32, %arg1: i32, %arg2: memref<16384xi32, #tpu.memory_space<hbm>>, %arg3: memref<16384xi32, #tpu.memory_space<hbm>>, %arg4: memref<32x1000000xf32, #tpu.memory_space<hbm>>, %arg5: memref<32x1000000xf32, #tpu.memory_space<hbm>>, %arg6: memref<16384x32xf32, #tpu.memory_space<hbm>>, %arg7: memref<16384x32xf32, #tpu.memory_space<hbm>>, %arg8: memref<1024xi32, #tpu.memory_space<vmem>>, %arg9: memref<1040xi32, #tpu.memory_space<vmem>>, %arg10: memref<1040xi32, #tpu.memory_space<vmem>>, %arg11: memref<1040xi32, #tpu.memory_space<vmem>>, %arg12: memref<1040xi32, #tpu.memory_space<vmem>>, %arg13: memref<32x512xf32, #tpu.memory_space<vmem>>, %arg14: memref<32x512xf32, #tpu.memory_space<vmem>>, %arg15: memref<32x512xf32, #tpu.memory_space<vmem>>, %arg16: memref<32x512xf32, #tpu.memory_space<vmem>>, %arg17: memref<144xi32, #tpu.memory_space<vmem>>, %arg18: memref<144xi32, #tpu.memory_space<vmem>>, %arg19: memref<128x32xf32, #tpu.memory_space<vmem>>, %arg20: memref<80xi32, #tpu.memory_space<vmem>>, %arg21: memref<80xi32, #tpu.memory_space<vmem>>, %arg22: memref<!tpu.dma_semaphore, #tpu.memory_space<semaphore_mem>>, %arg23: memref<!tpu.dma_semaphore, #tpu.memory_space<semaphore_mem>>, %arg24: memref<!tpu.dma_semaphore, #tpu.memory_space<semaphore_mem>>) attributes {dimension_semantics = [#tpu.dimension_semantics<core_parallel>, #tpu.dimension_semantics<subcore_parallel>], iteration_bounds = array<i64: 2, 16>, scalar_prefetch = 0 : i64, scratch_operands = 17 : i64, tpu.core_type = #tpu.core_type<sc_vector_subcore>, window_params = [{transform_indices = #map}, {transform_indices = #map}, {transform_indices = #map1}, {transform_indices = #map1}, {transform_indices = #map1}, {transform_indices = #map1}]} {
    %mul3A = arith.constant 2 : i32
    %mul3A_0 = arith.muli %arg1, %mul3A : i32
    %add3A = arith.addi %mul3A_0, %arg0 : i32
    %mul3A_1 = arith.constant 248 : i32
    %mul3A_2 = arith.muli %add3A, %mul3A_1 : i32
    %iota3A = tpu.iota {dimensions = array<i32: 0>} : vector<16xi32>
    %scan3A = arith.constant 0 : i32
    %scan3A_3 = arith.constant 0 : i32
    %scan3A_4 = arith.constant 16 : i32
    %scan3A_5 = arith.addi %scan3A_3, %scan3A_4 : i32
    %scan3A_6 = arith.constant 1 : i32
    %scan3A_7 = scf.for %scan3A_132 = %scan3A_3 to %scan3A_5 step %scan3A_6 iter_args(%scan3A_133 = %scan3A) -> (i32)  : i32 {
      %mul3A_134 = arith.constant 1024 : i32
      %mul3A_135 = arith.muli %scan3A_132, %mul3A_134 : i32
      "tpu.region"() ({
        %run_scoped3A = tpu.sem_alloc : memref<!tpu.dma_semaphore, #tpu.memory_space<semaphore_mem>>
        %dma_start3A = tpu.memref_slice %arg2[%mul3A_135] : memref<16384xi32, #tpu.memory_space<hbm>> -> memref<1024xi32, #tpu.memory_space<hbm>>
        %dma_start3A_142 = tpu.memref_slice %arg2[%mul3A_135] : memref<16384xi32, #tpu.memory_space<hbm>> -> memref<1024xi32, #tpu.memory_space<hbm>>
        tpu.enqueue_dma source(%dma_start3A_142 : memref<1024xi32, #tpu.memory_space<hbm>>) target(%arg8 : memref<1024xi32, #tpu.memory_space<vmem>>) target_semaphore(%run_scoped3A : memref<!tpu.dma_semaphore, #tpu.memory_space<semaphore_mem>>)
        %dma_wait3A = tpu.memref_slice %arg2[%mul3A_135] : memref<16384xi32, #tpu.memory_space<hbm>> -> memref<1024xi32, #tpu.memory_space<hbm>>
        %dma_wait3A_143 = tpu.memref_slice %arg2[%mul3A_135] : memref<16384xi32, #tpu.memory_space<hbm>> -> memref<1024xi32, #tpu.memory_space<hbm>>
        tpu.wait_dma2 semaphore(%run_scoped3A : memref<!tpu.dma_semaphore, #tpu.memory_space<semaphore_mem>>) src(%dma_wait3A_143 : memref<1024xi32, #tpu.memory_space<hbm>>) dst(%arg8 : memref<1024xi32, #tpu.memory_space<vmem>>)
        tpu.yield
      }) : () -> ()
      %scan3A_136 = arith.constant 0 : i32
      %scan3A_137 = arith.constant 64 : i32
      %scan3A_138 = arith.addi %scan3A_136, %scan3A_137 : i32
      %scan3A_139 = arith.constant 1 : i32
      %scan3A_140 = scf.for %scan3A_142 = %scan3A_136 to %scan3A_138 step %scan3A_139 iter_args(%scan3A_143 = %scan3A_133) -> (i32)  : i32 {
        %mul3A_144 = arith.constant 16 : i32
        %mul3A_145 = arith.muli %scan3A_142, %mul3A_144 : i32
        %get3A_146 = arith.index_cast %mul3A_145 : i32 to index
        %get3A_147 = tpu.vector_load %arg8[%get3A_146] {strides = array<i32>} : memref<1024xi32, #tpu.memory_space<vmem>>, vector<16xi32>,
        %mul3A_148 = arith.constant 1024 : i32
        %mul3A_149 = arith.muli %scan3A_132, %mul3A_148 : i32
        %mul3A_150 = arith.constant 16 : i32
        %mul3A_151 = arith.muli %scan3A_142, %mul3A_150 : i32
        %add3A_152 = arith.addi %mul3A_149, %mul3A_151 : i32
        %add3A_153 = vector.broadcast %add3A_152 : i32 to vector<16xi32>
        %add3A_154 = arith.addi %add3A_153, %iota3A : vector<16xi32>
        %shift_right_logical3A = arith.constant 7 : i32
        %shift_right_logical3A_155 = vector.broadcast %shift_right_logical3A : i32 to vector<16xi32>
        %shift_right_logical3A_156 = arith.shrui %get3A_147, %shift_right_logical3A_155 : vector<16xi32>
        %ge3A = vector.broadcast %mul3A_2 : i32 to vector<16xi32>
        %ge3A_157 = arith.cmpi sge, %shift_right_logical3A_156, %ge3A : vector<16xi32>
        %add3A_158 = arith.constant 248 : i32
        %add3A_159 = arith.addi %mul3A_2, %add3A_158 : i32
        %lt3A = vector.broadcast %add3A_159 : i32 to vector<16xi32>
        %lt3A_160 = arith.cmpi slt, %shift_right_logical3A_156, %lt3A : vector<16xi32>
        %and3A_161 = arith.andi %ge3A_157, %lt3A_160 : vector<16xi1>
        %min3A_162 = arith.constant 1008 : i32
        %min3A_163 = arith.minsi %scan3A_143, %min3A_162 : i32
        %swap3A_164 = arith.index_cast %min3A_163 : i32 to index
        %swap3A_165 = tpu.vector_load %arg9[%swap3A_164] masked %and3A_161 {strides = array<i32>} : memref<1040xi32, #tpu.memory_space<vmem>>, vector<16xi32>, vector<16xi1>
        tpu.vector_store %arg9[%swap3A_164], %get3A_147 masked %and3A_161 {strides = array<i32>} : memref<1040xi32, #tpu.memory_space<vmem>>, vector<16xi32>, vector<16xi1>
        %swap3A_166 = arith.index_cast %min3A_163 : i32 to index
        %swap3A_167 = tpu.vector_load %arg10[%swap3A_166] masked %and3A_161 {strides = array<i32>} : memref<1040xi32, #tpu.memory_space<vmem>>, vector<16xi32>, vector<16xi1>
        tpu.vector_store %arg10[%swap3A_166], %add3A_154 masked %and3A_161 {strides = array<i32>} : memref<1040xi32, #tpu.memory_space<vmem>>, vector<16xi32>, vector<16xi1>
        %all_reduce_population_count3A = tpu.all_reduce %and3A_161 {dim = 0 : i64, kind = #tpu.reduction_kind<sum>} : vector<16xi1> -> vector<16xi32>
        %slice3A_168 = vector.extract_strided_slice %all_reduce_population_count3A {offsets = [0], sizes = [1], strides = [1]} : vector<16xi32> to vector<1xi32>
        %squeeze3A_169 = vector.extract %slice3A_168[0] : i32 from vector<1xi32>
        %add3A_170 = arith.addi %scan3A_143, %squeeze3A_169 : i32
        scf.yield %add3A_170 : i32
      }
      %scan3A_141 = arith.constant 64 : i32
      scf.yield %scan3A_140 : i32
    }
    %scan3A_8 = arith.constant 16 : i32
    %min3A = arith.constant 1024 : i32
    %min3A_9 = arith.minsi %scan3A_7, %min3A : i32
    %scan3A_10 = arith.constant 0 : i32
    %scan3A_11 = arith.constant 0 : i32
    %scan3A_12 = arith.constant 16 : i32
    %scan3A_13 = arith.addi %scan3A_11, %scan3A_12 : i32
    %scan3A_14 = arith.constant 1 : i32
    %scan3A_15 = scf.for %scan3A_132 = %scan3A_11 to %scan3A_13 step %scan3A_14 iter_args(%scan3A_133 = %scan3A_10) -> (i32)  : i32 {
      %mul3A_134 = arith.constant 1024 : i32
      %mul3A_135 = arith.muli %scan3A_132, %mul3A_134 : i32
      "tpu.region"() ({
        %run_scoped3A = tpu.sem_alloc : memref<!tpu.dma_semaphore, #tpu.memory_space<semaphore_mem>>
        %dma_start3A = tpu.memref_slice %arg3[%mul3A_135] : memref<16384xi32, #tpu.memory_space<hbm>> -> memref<1024xi32, #tpu.memory_space<hbm>>
        %dma_start3A_142 = tpu.memref_slice %arg3[%mul3A_135] : memref<16384xi32, #tpu.memory_space<hbm>> -> memref<1024xi32, #tpu.memory_space<hbm>>
        tpu.enqueue_dma source(%dma_start3A_142 : memref<1024xi32, #tpu.memory_space<hbm>>) target(%arg8 : memref<1024xi32, #tpu.memory_space<vmem>>) target_semaphore(%run_scoped3A : memref<!tpu.dma_semaphore, #tpu.memory_space<semaphore_mem>>)
        %dma_wait3A = tpu.memref_slice %arg3[%mul3A_135] : memref<16384xi32, #tpu.memory_space<hbm>> -> memref<1024xi32, #tpu.memory_space<hbm>>
        %dma_wait3A_143 = tpu.memref_slice %arg3[%mul3A_135] : memref<16384xi32, #tpu.memory_space<hbm>> -> memref<1024xi32, #tpu.memory_space<hbm>>
        tpu.wait_dma2 semaphore(%run_scoped3A : memref<!tpu.dma_semaphore, #tpu.memory_space<semaphore_mem>>) src(%dma_wait3A_143 : memref<1024xi32, #tpu.memory_space<hbm>>) dst(%arg8 : memref<1024xi32, #tpu.memory_space<vmem>>)
        tpu.yield
      }) : () -> ()
      %scan3A_136 = arith.constant 0 : i32
      %scan3A_137 = arith.constant 64 : i32
      %scan3A_138 = arith.addi %scan3A_136, %scan3A_137 : i32
      %scan3A_139 = arith.constant 1 : i32
      %scan3A_140 = scf.for %scan3A_142 = %scan3A_136 to %scan3A_138 step %scan3A_139 iter_args(%scan3A_143 = %scan3A_133) -> (i32)  : i32 {
        %mul3A_144 = arith.constant 16 : i32
        %mul3A_145 = arith.muli %scan3A_142, %mul3A_144 : i32
        %get3A_146 = arith.index_cast %mul3A_145 : i32 to index
        %get3A_147 = tpu.vector_load %arg8[%get3A_146] {strides = array<i32>} : memref<1024xi32, #tpu.memory_space<vmem>>, vector<16xi32>,
        %mul3A_148 = arith.constant 1024 : i32
        %mul3A_149 = arith.muli %scan3A_132, %mul3A_148 : i32
        %mul3A_150 = arith.constant 16 : i32
        %mul3A_151 = arith.muli %scan3A_142, %mul3A_150 : i32
        %add3A_152 = arith.addi %mul3A_149, %mul3A_151 : i32
        %add3A_153 = vector.broadcast %add3A_152 : i32 to vector<16xi32>
        %add3A_154 = arith.addi %add3A_153, %iota3A : vector<16xi32>
        %shift_right_logical3A = arith.constant 7 : i32
        %shift_right_logical3A_155 = vector.broadcast %shift_right_logical3A : i32 to vector<16xi32>
        %shift_right_logical3A_156 = arith.shrui %get3A_147, %shift_right_logical3A_155 : vector<16xi32>
        %ge3A = vector.broadcast %mul3A_2 : i32 to vector<16xi32>
        %ge3A_157 = arith.cmpi sge, %shift_right_logical3A_156, %ge3A : vector<16xi32>
        %add3A_158 = arith.constant 248 : i32
        %add3A_159 = arith.addi %mul3A_2, %add3A_158 : i32
        %lt3A = vector.broadcast %add3A_159 : i32 to vector<16xi32>
        %lt3A_160 = arith.cmpi slt, %shift_right_logical3A_156, %lt3A : vector<16xi32>
        %and3A_161 = arith.andi %ge3A_157, %lt3A_160 : vector<16xi1>
        %min3A_162 = arith.constant 1008 : i32
        %min3A_163 = arith.minsi %scan3A_143, %min3A_162 : i32
        %swap3A_164 = arith.index_cast %min3A_163 : i32 to index
        %swap3A_165 = tpu.vector_load %arg11[%swap3A_164] masked %and3A_161 {strides = array<i32>} : memref<1040xi32, #tpu.memory_space<vmem>>, vector<16xi32>, vector<16xi1>
        tpu.vector_store %arg11[%swap3A_164], %get3A_147 masked %and3A_161 {strides = array<i32>} : memref<1040xi32, #tpu.memory_space<vmem>>, vector<16xi32>, vector<16xi1>
        %swap3A_166 = arith.index_cast %min3A_163 : i32 to index
        %swap3A_167 = tpu.vector_load %arg12[%swap3A_166] masked %and3A_161 {strides = array<i32>} : memref<1040xi32, #tpu.memory_space<vmem>>, vector<16xi32>, vector<16xi1>
        tpu.vector_store %arg12[%swap3A_166], %add3A_154 masked %and3A_161 {strides = array<i32>} : memref<1040xi32, #tpu.memory_space<vmem>>, vector<16xi32>, vector<16xi1>
        %all_reduce_population_count3A = tpu.all_reduce %and3A_161 {dim = 0 : i64, kind = #tpu.reduction_kind<sum>} : vector<16xi1> -> vector<16xi32>
        %slice3A_168 = vector.extract_strided_slice %all_reduce_population_count3A {offsets = [0], sizes = [1], strides = [1]} : vector<16xi32> to vector<1xi32>
        %squeeze3A_169 = vector.extract %slice3A_168[0] : i32 from vector<1xi32>
        %add3A_170 = arith.addi %scan3A_143, %squeeze3A_169 : i32
        scf.yield %add3A_170 : i32
      }
      %scan3A_141 = arith.constant 64 : i32
      scf.yield %scan3A_140 : i32
    }
    %scan3A_16 = arith.constant 16 : i32
    %min3A_17 = arith.constant 1024 : i32
    %min3A_18 = arith.minsi %scan3A_15, %min3A_17 : i32
    %broadcast_in_dim3A = arith.constant 0 : i32
    %broadcast_in_dim3A_19 = vector.broadcast %broadcast_in_dim3A : i32 to vector<16xi32>
    %swap3A = arith.constant 0 : index
    %swap3A_20 = tpu.vector_load %arg20[%swap3A] {strides = array<i32>} : memref<80xi32, #tpu.memory_space<vmem>>, vector<16xi32>,
    tpu.vector_store %arg20[%swap3A], %broadcast_in_dim3A_19 {strides = array<i32>} : memref<80xi32, #tpu.memory_space<vmem>>, vector<16xi32>,
    %swap3A_21 = arith.constant 16 : index
    %swap3A_22 = tpu.vector_load %arg20[%swap3A_21] {strides = array<i32>} : memref<80xi32, #tpu.memory_space<vmem>>, vector<16xi32>,
    tpu.vector_store %arg20[%swap3A_21], %broadcast_in_dim3A_19 {strides = array<i32>} : memref<80xi32, #tpu.memory_space<vmem>>, vector<16xi32>,
    %swap3A_23 = arith.constant 32 : index
    %swap3A_24 = tpu.vector_load %arg20[%swap3A_23] {strides = array<i32>} : memref<80xi32, #tpu.memory_space<vmem>>, vector<16xi32>,
    tpu.vector_store %arg20[%swap3A_23], %broadcast_in_dim3A_19 {strides = array<i32>} : memref<80xi32, #tpu.memory_space<vmem>>, vector<16xi32>,
    %swap3A_25 = arith.constant 48 : index
    %swap3A_26 = tpu.vector_load %arg20[%swap3A_25] {strides = array<i32>} : memref<80xi32, #tpu.memory_space<vmem>>, vector<16xi32>,
    tpu.vector_store %arg20[%swap3A_25], %broadcast_in_dim3A_19 {strides = array<i32>} : memref<80xi32, #tpu.memory_space<vmem>>, vector<16xi32>,
    %swap3A_27 = arith.constant 64 : index
    %swap3A_28 = tpu.vector_load %arg20[%swap3A_27] {strides = array<i32>} : memref<80xi32, #tpu.memory_space<vmem>>, vector<16xi32>,
    tpu.vector_store %arg20[%swap3A_27], %broadcast_in_dim3A_19 {strides = array<i32>} : memref<80xi32, #tpu.memory_space<vmem>>, vector<16xi32>,
    %add3A_29 = arith.constant 16 : i32
    %add3A_30 = arith.addi %min3A_9, %add3A_29 : i32
    %sub3A = arith.constant 1 : i32
    %sub3A_31 = arith.subi %add3A_30, %sub3A : i32
    %jit3A = arith.constant 16 : i32
    %div3A = arith.divsi %sub3A_31, %jit3A : i32
    %sign3A = arith.constant 0 : i32
    %sign3A_32 = arith.cmpi sgt, %sub3A_31, %sign3A : i32
    %sign3A_33 = arith.extui %sign3A_32 : i1 to i32
    %sign3A_34 = arith.constant 0 : i32
    %sign3A_35 = arith.cmpi slt, %sub3A_31, %sign3A_34 : i32
    %sign3A_36 = arith.extui %sign3A_35 : i1 to i32
    %sign3A_37 = arith.subi %sign3A_33, %sign3A_36 : i32
    %sign3A_38 = arith.constant 0 : i32
    %sign3A_39 = arith.cmpi sgt, %jit3A, %sign3A_38 : i32
    %sign3A_40 = arith.extui %sign3A_39 : i1 to i32
    %sign3A_41 = arith.constant 0 : i32
    %sign3A_42 = arith.cmpi slt, %jit3A, %sign3A_41 : i32
    %sign3A_43 = arith.extui %sign3A_42 : i1 to i32
    %sign3A_44 = arith.subi %sign3A_40, %sign3A_43 : i32
    %ne3A = arith.cmpi ne, %sign3A_37, %sign3A_44 : i32
    %rem3A = arith.remsi %sub3A_31, %jit3A : i32
    %ne3A_45 = arith.constant 0 : i32
    %ne3A_46 = arith.cmpi ne, %rem3A, %ne3A_45 : i32
    %and3A = arith.andi %ne3A, %ne3A_46 : i1
    %sub3A_47 = arith.constant 1 : i32
    %sub3A_48 = arith.subi %div3A, %sub3A_47 : i32
    %select_n3A = arith.select %and3A, %sub3A_48, %div3A : i32
    %while3A = arith.constant 0 : i32
    %while3A_49 = arith.constant 0 : i32
    %while3A_50 = arith.subi %select_n3A, %while3A_49 : i32
    %while3A_51 = arith.addi %while3A_49, %while3A_50 : i32
    %while3A_52 = arith.constant 1 : i32
    %while3A_53 = arith.divsi %while3A_50, %while3A_52 : i32
    %while3A_54 = arith.muli %while3A_53, %while3A_52 : i32
    %while3A_55 = arith.addi %while3A_49, %while3A_54 : i32
    %while3A_56 = arith.constant 1 : i32
    scf.for %while3A_132 = %while3A_49 to %while3A_55 step %while3A_56  : i32 {
      %mul3A_133 = arith.constant 16 : i32
      %mul3A_134 = arith.muli %while3A_132, %mul3A_133 : i32
      %get3A_135 = arith.index_cast %mul3A_134 : i32 to index
      %get3A_136 = tpu.vector_load %arg9[%get3A_135] {strides = array<i32>} : memref<1040xi32, #tpu.memory_space<vmem>>, vector<16xi32>,
      %shift_right_logical3A = arith.constant 7 : i32
      %shift_right_logical3A_137 = vector.broadcast %shift_right_logical3A : i32 to vector<16xi32>
      %shift_right_logical3A_138 = arith.shrui %get3A_136, %shift_right_logical3A_137 : vector<16xi32>
      %sub3A_139 = vector.broadcast %mul3A_2 : i32 to vector<16xi32>
      %sub3A_140 = arith.subi %shift_right_logical3A_138, %sub3A_139 : vector<16xi32>
      %shift_right_logical3A_141 = arith.constant 2 : i32
      %shift_right_logical3A_142 = vector.broadcast %shift_right_logical3A_141 : i32 to vector<16xi32>
      %shift_right_logical3A_143 = arith.shrui %sub3A_140, %shift_right_logical3A_142 : vector<16xi32>
      %jit3A_144 = arith.constant 0 : i32
      %jit3A_145 = arith.constant 61 : i32
      %max3A = vector.broadcast %jit3A_144 : i32 to vector<16xi32>
      %max3A_146 = arith.maxsi %max3A, %shift_right_logical3A_143 : vector<16xi32>
      %min3A_147 = vector.broadcast %jit3A_145 : i32 to vector<16xi32>
      %min3A_148 = arith.minsi %min3A_147, %max3A_146 : vector<16xi32>
      %mul3A_149 = arith.constant 16 : i32
      %mul3A_150 = arith.muli %while3A_132, %mul3A_149 : i32
      %add3A_151 = vector.broadcast %mul3A_150 : i32 to vector<16xi32>
      %add3A_152 = arith.addi %add3A_151, %iota3A : vector<16xi32>
      %lt3A = vector.broadcast %min3A_9 : i32 to vector<16xi32>
      %lt3A_153 = arith.cmpi slt, %add3A_152, %lt3A : vector<16xi32>
      %broadcast_in_dim3A_154 = arith.constant 1 : i32
      %broadcast_in_dim3A_155 = vector.broadcast %broadcast_in_dim3A_154 : i32 to vector<16xi32>
      tpu.vector_store_idx %arg20[%min3A_148], %broadcast_in_dim3A_155 masked %lt3A_153 {add = true} : memref<80xi32, #tpu.memory_space<vmem>>[vector<16xi32>], vector<16xi32>, vector<16xi1>
    }
    %while3A_57 = arith.constant 1 : i32
    scf.for %while3A_132 = %while3A_55 to %while3A_51 step %while3A_57  : i32 {
      %mul3A_133 = arith.constant 16 : i32
      %mul3A_134 = arith.muli %while3A_132, %mul3A_133 : i32
      %get3A_135 = arith.index_cast %mul3A_134 : i32 to index
      %get3A_136 = tpu.vector_load %arg9[%get3A_135] {strides = array<i32>} : memref<1040xi32, #tpu.memory_space<vmem>>, vector<16xi32>,
      %shift_right_logical3A = arith.constant 7 : i32
      %shift_right_logical3A_137 = vector.broadcast %shift_right_logical3A : i32 to vector<16xi32>
      %shift_right_logical3A_138 = arith.shrui %get3A_136, %shift_right_logical3A_137 : vector<16xi32>
      %sub3A_139 = vector.broadcast %mul3A_2 : i32 to vector<16xi32>
      %sub3A_140 = arith.subi %shift_right_logical3A_138, %sub3A_139 : vector<16xi32>
      %shift_right_logical3A_141 = arith.constant 2 : i32
      %shift_right_logical3A_142 = vector.broadcast %shift_right_logical3A_141 : i32 to vector<16xi32>
      %shift_right_logical3A_143 = arith.shrui %sub3A_140, %shift_right_logical3A_142 : vector<16xi32>
      %jit3A_144 = arith.constant 0 : i32
      %jit3A_145 = arith.constant 61 : i32
      %max3A = vector.broadcast %jit3A_144 : i32 to vector<16xi32>
      %max3A_146 = arith.maxsi %max3A, %shift_right_logical3A_143 : vector<16xi32>
      %min3A_147 = vector.broadcast %jit3A_145 : i32 to vector<16xi32>
      %min3A_148 = arith.minsi %min3A_147, %max3A_146 : vector<16xi32>
      %mul3A_149 = arith.constant 16 : i32
      %mul3A_150 = arith.muli %while3A_132, %mul3A_149 : i32
      %add3A_151 = vector.broadcast %mul3A_150 : i32 to vector<16xi32>
      %add3A_152 = arith.addi %add3A_151, %iota3A : vector<16xi32>
      %lt3A = vector.broadcast %min3A_9 : i32 to vector<16xi32>
      %lt3A_153 = arith.cmpi slt, %add3A_152, %lt3A : vector<16xi32>
      %broadcast_in_dim3A_154 = arith.constant 1 : i32
      %broadcast_in_dim3A_155 = vector.broadcast %broadcast_in_dim3A_154 : i32 to vector<16xi32>
      tpu.vector_store_idx %arg20[%min3A_148], %broadcast_in_dim3A_155 masked %lt3A_153 {add = true} : memref<80xi32, #tpu.memory_space<vmem>>[vector<16xi32>], vector<16xi32>, vector<16xi1>
    }
    %broadcast_in_dim3A_58 = arith.constant 0 : i32
    %broadcast_in_dim3A_59 = vector.broadcast %broadcast_in_dim3A_58 : i32 to vector<16xi32>
    %swap3A_60 = arith.constant 0 : index
    %swap3A_61 = tpu.vector_load %arg21[%swap3A_60] {strides = array<i32>} : memref<80xi32, #tpu.memory_space<vmem>>, vector<16xi32>,
    tpu.vector_store %arg21[%swap3A_60], %broadcast_in_dim3A_59 {strides = array<i32>} : memref<80xi32, #tpu.memory_space<vmem>>, vector<16xi32>,
    %swap3A_62 = arith.constant 16 : index
    %swap3A_63 = tpu.vector_load %arg21[%swap3A_62] {strides = array<i32>} : memref<80xi32, #tpu.memory_space<vmem>>, vector<16xi32>,
    tpu.vector_store %arg21[%swap3A_62], %broadcast_in_dim3A_59 {strides = array<i32>} : memref<80xi32, #tpu.memory_space<vmem>>, vector<16xi32>,
    %swap3A_64 = arith.constant 32 : index
    %swap3A_65 = tpu.vector_load %arg21[%swap3A_64] {strides = array<i32>} : memref<80xi32, #tpu.memory_space<vmem>>, vector<16xi32>,
    tpu.vector_store %arg21[%swap3A_64], %broadcast_in_dim3A_59 {strides = array<i32>} : memref<80xi32, #tpu.memory_space<vmem>>, vector<16xi32>,
    %swap3A_66 = arith.constant 48 : index
    %swap3A_67 = tpu.vector_load %arg21[%swap3A_66] {strides = array<i32>} : memref<80xi32, #tpu.memory_space<vmem>>, vector<16xi32>,
    tpu.vector_store %arg21[%swap3A_66], %broadcast_in_dim3A_59 {strides = array<i32>} : memref<80xi32, #tpu.memory_space<vmem>>, vector<16xi32>,
    %swap3A_68 = arith.constant 64 : index
    %swap3A_69 = tpu.vector_load %arg21[%swap3A_68] {strides = array<i32>} : memref<80xi32, #tpu.memory_space<vmem>>, vector<16xi32>,
    tpu.vector_store %arg21[%swap3A_68], %broadcast_in_dim3A_59 {strides = array<i32>} : memref<80xi32, #tpu.memory_space<vmem>>, vector<16xi32>,
    %add3A_70 = arith.constant 16 : i32
    %add3A_71 = arith.addi %min3A_18, %add3A_70 : i32
    %sub3A_72 = arith.constant 1 : i32
    %sub3A_73 = arith.subi %add3A_71, %sub3A_72 : i32
    %jit3A_74 = arith.constant 16 : i32
    %div3A_75 = arith.divsi %sub3A_73, %jit3A_74 : i32
    %sign3A_76 = arith.constant 0 : i32
    %sign3A_77 = arith.cmpi sgt, %sub3A_73, %sign3A_76 : i32
    %sign3A_78 = arith.extui %sign3A_77 : i1 to i32
    %sign3A_79 = arith.constant 0 : i32
    %sign3A_80 = arith.cmpi slt, %sub3A_73, %sign3A_79 : i32
    %sign3A_81 = arith.extui %sign3A_80 : i1 to i32
    %sign3A_82 = arith.subi %sign3A_78, %sign3A_81 : i32
    %sign3A_83 = arith.constant 0 : i32
    %sign3A_84 = arith.cmpi sgt, %jit3A_74, %sign3A_83 : i32
    %sign3A_85 = arith.extui %sign3A_84 : i1 to i32
    %sign3A_86 = arith.constant 0 : i32
    %sign3A_87 = arith.cmpi slt, %jit3A_74, %sign3A_86 : i32
    %sign3A_88 = arith.extui %sign3A_87 : i1 to i32
    %sign3A_89 = arith.subi %sign3A_85, %sign3A_88 : i32
    %ne3A_90 = arith.cmpi ne, %sign3A_82, %sign3A_89 : i32
    %rem3A_91 = arith.remsi %sub3A_73, %jit3A_74 : i32
    %ne3A_92 = arith.constant 0 : i32
    %ne3A_93 = arith.cmpi ne, %rem3A_91, %ne3A_92 : i32
    %and3A_94 = arith.andi %ne3A_90, %ne3A_93 : i1
    %sub3A_95 = arith.constant 1 : i32
    %sub3A_96 = arith.subi %div3A_75, %sub3A_95 : i32
    %select_n3A_97 = arith.select %and3A_94, %sub3A_96, %div3A_75 : i32
    %while3A_98 = arith.constant 0 : i32
    %while3A_99 = arith.constant 0 : i32
    %while3A_100 = arith.subi %select_n3A_97, %while3A_99 : i32
    %while3A_101 = arith.addi %while3A_99, %while3A_100 : i32
    %while3A_102 = arith.constant 1 : i32
    %while3A_103 = arith.divsi %while3A_100, %while3A_102 : i32
    %while3A_104 = arith.muli %while3A_103, %while3A_102 : i32
    %while3A_105 = arith.addi %while3A_99, %while3A_104 : i32
    %while3A_106 = arith.constant 1 : i32
    scf.for %while3A_132 = %while3A_99 to %while3A_105 step %while3A_106  : i32 {
      %mul3A_133 = arith.constant 16 : i32
      %mul3A_134 = arith.muli %while3A_132, %mul3A_133 : i32
      %get3A_135 = arith.index_cast %mul3A_134 : i32 to index
      %get3A_136 = tpu.vector_load %arg11[%get3A_135] {strides = array<i32>} : memref<1040xi32, #tpu.memory_space<vmem>>, vector<16xi32>,
      %shift_right_logical3A = arith.constant 7 : i32
      %shift_right_logical3A_137 = vector.broadcast %shift_right_logical3A : i32 to vector<16xi32>
      %shift_right_logical3A_138 = arith.shrui %get3A_136, %shift_right_logical3A_137 : vector<16xi32>
      %sub3A_139 = vector.broadcast %mul3A_2 : i32 to vector<16xi32>
      %sub3A_140 = arith.subi %shift_right_logical3A_138, %sub3A_139 : vector<16xi32>
      %shift_right_logical3A_141 = arith.constant 2 : i32
      %shift_right_logical3A_142 = vector.broadcast %shift_right_logical3A_141 : i32 to vector<16xi32>
      %shift_right_logical3A_143 = arith.shrui %sub3A_140, %shift_right_logical3A_142 : vector<16xi32>
      %jit3A_144 = arith.constant 0 : i32
      %jit3A_145 = arith.constant 61 : i32
      %max3A = vector.broadcast %jit3A_144 : i32 to vector<16xi32>
      %max3A_146 = arith.maxsi %max3A, %shift_right_logical3A_143 : vector<16xi32>
      %min3A_147 = vector.broadcast %jit3A_145 : i32 to vector<16xi32>
      %min3A_148 = arith.minsi %min3A_147, %max3A_146 : vector<16xi32>
      %mul3A_149 = arith.constant 16 : i32
      %mul3A_150 = arith.muli %while3A_132, %mul3A_149 : i32
      %add3A_151 = vector.broadcast %mul3A_150 : i32 to vector<16xi32>
      %add3A_152 = arith.addi %add3A_151, %iota3A : vector<16xi32>
      %lt3A = vector.broadcast %min3A_18 : i32 to vector<16xi32>
      %lt3A_153 = arith.cmpi slt, %add3A_152, %lt3A : vector<16xi32>
      %broadcast_in_dim3A_154 = arith.constant 1 : i32
      %broadcast_in_dim3A_155 = vector.broadcast %broadcast_in_dim3A_154 : i32 to vector<16xi32>
      tpu.vector_store_idx %arg21[%min3A_148], %broadcast_in_dim3A_155 masked %lt3A_153 {add = true} : memref<80xi32, #tpu.memory_space<vmem>>[vector<16xi32>], vector<16xi32>, vector<16xi1>
    }
    %while3A_107 = arith.constant 1 : i32
    scf.for %while3A_132 = %while3A_105 to %while3A_101 step %while3A_107  : i32 {
      %mul3A_133 = arith.constant 16 : i32
      %mul3A_134 = arith.muli %while3A_132, %mul3A_133 : i32
      %get3A_135 = arith.index_cast %mul3A_134 : i32 to index
      %get3A_136 = tpu.vector_load %arg11[%get3A_135] {strides = array<i32>} : memref<1040xi32, #tpu.memory_space<vmem>>, vector<16xi32>,
      %shift_right_logical3A = arith.constant 7 : i32
      %shift_right_logical3A_137 = vector.broadcast %shift_right_logical3A : i32 to vector<16xi32>
      %shift_right_logical3A_138 = arith.shrui %get3A_136, %shift_right_logical3A_137 : vector<16xi32>
      %sub3A_139 = vector.broadcast %mul3A_2 : i32 to vector<16xi32>
      %sub3A_140 = arith.subi %shift_right_logical3A_138, %sub3A_139 : vector<16xi32>
      %shift_right_logical3A_141 = arith.constant 2 : i32
      %shift_right_logical3A_142 = vector.broadcast %shift_right_logical3A_141 : i32 to vector<16xi32>
      %shift_right_logical3A_143 = arith.shrui %sub3A_140, %shift_right_logical3A_142 : vector<16xi32>
      %jit3A_144 = arith.constant 0 : i32
      %jit3A_145 = arith.constant 61 : i32
      %max3A = vector.broadcast %jit3A_144 : i32 to vector<16xi32>
      %max3A_146 = arith.maxsi %max3A, %shift_right_logical3A_143 : vector<16xi32>
      %min3A_147 = vector.broadcast %jit3A_145 : i32 to vector<16xi32>
      %min3A_148 = arith.minsi %min3A_147, %max3A_146 : vector<16xi32>
      %mul3A_149 = arith.constant 16 : i32
      %mul3A_150 = arith.muli %while3A_132, %mul3A_149 : i32
      %add3A_151 = vector.broadcast %mul3A_150 : i32 to vector<16xi32>
      %add3A_152 = arith.addi %add3A_151, %iota3A : vector<16xi32>
      %lt3A = vector.broadcast %min3A_18 : i32 to vector<16xi32>
      %lt3A_153 = arith.cmpi slt, %add3A_152, %lt3A : vector<16xi32>
      %broadcast_in_dim3A_154 = arith.constant 1 : i32
      %broadcast_in_dim3A_155 = vector.broadcast %broadcast_in_dim3A_154 : i32 to vector<16xi32>
      tpu.vector_store_idx %arg21[%min3A_148], %broadcast_in_dim3A_155 masked %lt3A_153 {add = true} : memref<80xi32, #tpu.memory_space<vmem>>[vector<16xi32>], vector<16xi32>, vector<16xi1>
    }
    %add3A_108 = arith.constant 0 : i32
    %add3A_109 = arith.addi %mul3A_2, %add3A_108 : i32
    %min3A_110 = arith.constant 7809 : i32
    %min3A_111 = arith.minsi %add3A_109, %min3A_110 : i32
    %mul3A_112 = arith.constant 128 : i32
    %mul3A_113 = arith.muli %min3A_111, %mul3A_112 : i32
    %multiple_of3A = tpu.assume_multiple %mul3A_113, 128 : i32
    %get3A = arith.constant 0 : index
    %get3A_114 = tpu.vector_load %arg20[%get3A] {strides = array<i32>} : memref<80xi32, #tpu.memory_space<vmem>>, vector<16xi32>,
    %slice3A = vector.extract_strided_slice %get3A_114 {offsets = [0], sizes = [1], strides = [1]} : vector<16xi32> to vector<1xi32>
    %squeeze3A = vector.extract %slice3A[0] : i32 from vector<1xi32>
    %gt3A = arith.constant 0 : i32
    %gt3A_115 = arith.cmpi sgt, %squeeze3A, %gt3A : i32
    %convert_element_type3A = arith.extui %gt3A_115 : i1 to i32
    %cond3A = arith.constant 0 : i32
    %cond3A_116 = arith.cmpi ne, %convert_element_type3A, %cond3A : i32
    scf.if %cond3A_116 {
      %dma_start3A = arith.constant 0 : i32
      %dma_start3A_132 = tpu.memref_slice %arg4[%dma_start3A, %multiple_of3A] : memref<32x1000000xf32, #tpu.memory_space<hbm>> -> memref<32x512xf32, #tpu.memory_space<hbm>>
      %dma_start3A_133 = arith.constant 0 : i32
      %dma_start3A_134 = tpu.memref_slice %arg4[%dma_start3A_133, %multiple_of3A] : memref<32x1000000xf32, #tpu.memory_space<hbm>> -> memref<32x512xf32, #tpu.memory_space<hbm>>
      tpu.enqueue_dma source(%dma_start3A_134 : memref<32x512xf32, #tpu.memory_space<hbm>>) target(%arg13 : memref<32x512xf32, #tpu.memory_space<vmem>>) target_semaphore(%arg22 : memref<!tpu.dma_semaphore, #tpu.memory_space<semaphore_mem>>)
    } else {
    }
    %get3A_117 = arith.constant 0 : index
    %get3A_118 = tpu.vector_load %arg21[%get3A_117] {strides = array<i32>} : memref<80xi32, #tpu.memory_space<vmem>>, vector<16xi32>,
    %slice3A_119 = vector.extract_strided_slice %get3A_118 {offsets = [0], sizes = [1], strides = [1]} : vector<16xi32> to vector<1xi32>
    %squeeze3A_120 = vector.extract %slice3A_119[0] : i32 from vector<1xi32>
    %gt3A_121 = arith.constant 0 : i32
    %gt3A_122 = arith.cmpi sgt, %squeeze3A_120, %gt3A_121 : i32
    %convert_element_type3A_123 = arith.extui %gt3A_122 : i1 to i32
    %cond3A_124 = arith.constant 0 : i32
    %cond3A_125 = arith.cmpi ne, %convert_element_type3A_123, %cond3A_124 : i32
    scf.if %cond3A_125 {
      %dma_start3A = arith.constant 0 : i32
      %dma_start3A_132 = tpu.memref_slice %arg5[%dma_start3A, %multiple_of3A] : memref<32x1000000xf32, #tpu.memory_space<hbm>> -> memref<32x512xf32, #tpu.memory_space<hbm>>
      %dma_start3A_133 = arith.constant 0 : i32
      %dma_start3A_134 = tpu.memref_slice %arg5[%dma_start3A_133, %multiple_of3A] : memref<32x1000000xf32, #tpu.memory_space<hbm>> -> memref<32x512xf32, #tpu.memory_space<hbm>>
      tpu.enqueue_dma source(%dma_start3A_134 : memref<32x512xf32, #tpu.memory_space<hbm>>) target(%arg14 : memref<32x512xf32, #tpu.memory_space<vmem>>) target_semaphore(%arg22 : memref<!tpu.dma_semaphore, #tpu.memory_space<semaphore_mem>>)
    } else {
    }
    %scan3A_126 = arith.constant 0 : i32
    %scan3A_127 = arith.constant 0 : i32
    %scan3A_128 = arith.constant 31 : i32
    %scan3A_129 = arith.addi %scan3A_127, %scan3A_128 : i32
    %scan3A_130 = arith.constant 1 : i32
    scf.for %scan3A_132 = %scan3A_127 to %scan3A_129 step %scan3A_130  : i32 {
      %mul3A_133 = arith.constant 2 : i32
      %mul3A_134 = arith.muli %scan3A_132, %mul3A_133 : i32
      %add3A_135 = arith.constant 1 : i32
      %add3A_136 = arith.addi %mul3A_134, %add3A_135 : i32
      %mul3A_137 = arith.constant 4 : i32
      %mul3A_138 = arith.muli %add3A_136, %mul3A_137 : i32
      %add3A_139 = arith.addi %mul3A_2, %mul3A_138 : i32
      %min3A_140 = arith.constant 7809 : i32
      %min3A_141 = arith.minsi %add3A_139, %min3A_140 : i32
      %mul3A_142 = arith.constant 128 : i32
      %mul3A_143 = arith.muli %min3A_141, %mul3A_142 : i32
      %multiple_of3A_144 = tpu.assume_multiple %mul3A_143, 128 : i32
      %get3A_145 = arith.index_cast %add3A_136 : i32 to index
      %get3A_146 = tpu.vector_load %arg20[%get3A_145] {strides = array<i32>} : memref<80xi32, #tpu.memory_space<vmem>>, vector<16xi32>,
      %slice3A_147 = vector.extract_strided_slice %get3A_146 {offsets = [0], sizes = [1], strides = [1]} : vector<16xi32> to vector<1xi32>
      %squeeze3A_148 = vector.extract %slice3A_147[0] : i32 from vector<1xi32>
      %gt3A_149 = arith.constant 0 : i32
      %gt3A_150 = arith.cmpi sgt, %squeeze3A_148, %gt3A_149 : i32
      %convert_element_type3A_151 = arith.extui %gt3A_150 : i1 to i32
      %cond3A_152 = arith.constant 0 : i32
      %cond3A_153 = arith.cmpi ne, %convert_element_type3A_151, %cond3A_152 : i32
      scf.if %cond3A_153 {
        %dma_start3A = arith.constant 0 : i32
        %dma_start3A_223 = tpu.memref_slice %arg4[%dma_start3A, %multiple_of3A_144] : memref<32x1000000xf32, #tpu.memory_space<hbm>> -> memref<32x512xf32, #tpu.memory_space<hbm>>
        %dma_start3A_224 = arith.constant 0 : i32
        %dma_start3A_225 = tpu.memref_slice %arg4[%dma_start3A_224, %multiple_of3A_144] : memref<32x1000000xf32, #tpu.memory_space<hbm>> -> memref<32x512xf32, #tpu.memory_space<hbm>>
        tpu.enqueue_dma source(%dma_start3A_225 : memref<32x512xf32, #tpu.memory_space<hbm>>) target(%arg15 : memref<32x512xf32, #tpu.memory_space<vmem>>) target_semaphore(%arg23 : memref<!tpu.dma_semaphore, #tpu.memory_space<semaphore_mem>>)
      } else {
      }
      %get3A_154 = arith.index_cast %add3A_136 : i32 to index
      %get3A_155 = tpu.vector_load %arg21[%get3A_154] {strides = array<i32>} : memref<80xi32, #tpu.memory_space<vmem>>, vector<16xi32>,
      %slice3A_156 = vector.extract_strided_slice %get3A_155 {offsets = [0], sizes = [1], strides = [1]} : vector<16xi32> to vector<1xi32>
      %squeeze3A_157 = vector.extract %slice3A_156[0] : i32 from vector<1xi32>
      %gt3A_158 = arith.constant 0 : i32
      %gt3A_159 = arith.cmpi sgt, %squeeze3A_157, %gt3A_158 : i32
      %convert_element_type3A_160 = arith.extui %gt3A_159 : i1 to i32
      %cond3A_161 = arith.constant 0 : i32
      %cond3A_162 = arith.cmpi ne, %convert_element_type3A_160, %cond3A_161 : i32
      scf.if %cond3A_162 {
        %dma_start3A = arith.constant 0 : i32
        %dma_start3A_223 = tpu.memref_slice %arg5[%dma_start3A, %multiple_of3A_144] : memref<32x1000000xf32, #tpu.memory_space<hbm>> -> memref<32x512xf32, #tpu.memory_space<hbm>>
        %dma_start3A_224 = arith.constant 0 : i32
        %dma_start3A_225 = tpu.memref_slice %arg5[%dma_start3A_224, %multiple_of3A_144] : memref<32x1000000xf32, #tpu.memory_space<hbm>> -> memref<32x512xf32, #tpu.memory_space<hbm>>
        tpu.enqueue_dma source(%dma_start3A_225 : memref<32x512xf32, #tpu.memory_space<hbm>>) target(%arg16 : memref<32x512xf32, #tpu.memory_space<vmem>>) target_semaphore(%arg23 : memref<!tpu.dma_semaphore, #tpu.memory_space<semaphore_mem>>)
      } else {
      }
      %mul3A_163 = arith.constant 4 : i32
      %mul3A_164 = arith.muli %mul3A_134, %mul3A_163 : i32
      %add3A_165 = arith.addi %mul3A_2, %mul3A_164 : i32
      %min3A_166 = arith.constant 7809 : i32
      %min3A_167 = arith.minsi %add3A_165, %min3A_166 : i32
      %mul3A_168 = arith.constant 128 : i32
      %mul3A_169 = arith.muli %min3A_167, %mul3A_168 : i32
      %multiple_of3A_170 = tpu.assume_multiple %mul3A_169, 128 : i32
      %get3A_171 = arith.index_cast %mul3A_134 : i32 to index
      %get3A_172 = tpu.vector_load %arg20[%get3A_171] {strides = array<i32>} : memref<80xi32, #tpu.memory_space<vmem>>, vector<16xi32>,
      %slice3A_173 = vector.extract_strided_slice %get3A_172 {offsets = [0], sizes = [1], strides = [1]} : vector<16xi32> to vector<1xi32>
      %squeeze3A_174 = vector.extract %slice3A_173[0] : i32 from vector<1xi32>
      %gt3A_175 = arith.constant 0 : i32
      %gt3A_176 = arith.cmpi sgt, %squeeze3A_174, %gt3A_175 : i32
      %convert_element_type3A_177 = arith.extui %gt3A_176 : i1 to i32
      %cond3A_178 = arith.constant 0 : i32
      %cond3A_179 = arith.cmpi ne, %convert_element_type3A_177, %cond3A_178 : i32
      scf.if %cond3A_179 {
        %dma_wait3A = arith.constant 0 : i32
        %dma_wait3A_223 = tpu.memref_slice %arg4[%dma_wait3A, %multiple_of3A_170] : memref<32x1000000xf32, #tpu.memory_space<hbm>> -> memref<32x512xf32, #tpu.memory_space<hbm>>
        %dma_wait3A_224 = arith.constant 0 : i32
        %dma_wait3A_225 = tpu.memref_slice %arg4[%dma_wait3A_224, %multiple_of3A_170] : memref<32x1000000xf32, #tpu.memory_space<hbm>> -> memref<32x512xf32, #tpu.memory_space<hbm>>
        tpu.wait_dma2 semaphore(%arg22 : memref<!tpu.dma_semaphore, #tpu.memory_space<semaphore_mem>>) src(%dma_wait3A_225 : memref<32x512xf32, #tpu.memory_space<hbm>>) dst(%arg13 : memref<32x512xf32, #tpu.memory_space<vmem>>)
        %add3A_226 = arith.constant 16 : i32
        %add3A_227 = arith.addi %min3A_9, %add3A_226 : i32
        %sub3A_228 = arith.constant 1 : i32
        %sub3A_229 = arith.subi %add3A_227, %sub3A_228 : i32
        %jit3A_230 = arith.constant 16 : i32
        %div3A_231 = arith.divsi %sub3A_229, %jit3A_230 : i32
        %sign3A_232 = arith.constant 0 : i32
        %sign3A_233 = arith.cmpi sgt, %sub3A_229, %sign3A_232 : i32
        %sign3A_234 = arith.extui %sign3A_233 : i1 to i32
        %sign3A_235 = arith.constant 0 : i32
        %sign3A_236 = arith.cmpi slt, %sub3A_229, %sign3A_235 : i32
        %sign3A_237 = arith.extui %sign3A_236 : i1 to i32
        %sign3A_238 = arith.subi %sign3A_234, %sign3A_237 : i32
        %sign3A_239 = arith.constant 0 : i32
        %sign3A_240 = arith.cmpi sgt, %jit3A_230, %sign3A_239 : i32
        %sign3A_241 = arith.extui %sign3A_240 : i1 to i32
        %sign3A_242 = arith.constant 0 : i32
        %sign3A_243 = arith.cmpi slt, %jit3A_230, %sign3A_242 : i32
        %sign3A_244 = arith.extui %sign3A_243 : i1 to i32
        %sign3A_245 = arith.subi %sign3A_241, %sign3A_244 : i32
        %ne3A_246 = arith.cmpi ne, %sign3A_238, %sign3A_245 : i32
        %rem3A_247 = arith.remsi %sub3A_229, %jit3A_230 : i32
        %ne3A_248 = arith.constant 0 : i32
        %ne3A_249 = arith.cmpi ne, %rem3A_247, %ne3A_248 : i32
        %and3A_250 = arith.andi %ne3A_246, %ne3A_249 : i1
        %sub3A_251 = arith.constant 1 : i32
        %sub3A_252 = arith.subi %div3A_231, %sub3A_251 : i32
        %select_n3A_253 = arith.select %and3A_250, %sub3A_252, %div3A_231 : i32
        %while3A_254 = arith.constant 0 : i32
        %while3A_255 = arith.constant 0 : i32
        %while3A_256 = arith.subi %select_n3A_253, %while3A_254 : i32
        %while3A_257 = arith.addi %while3A_254, %while3A_256 : i32
        %while3A_258 = arith.constant 1 : i32
        %while3A_259 = arith.divsi %while3A_256, %while3A_258 : i32
        %while3A_260 = arith.muli %while3A_259, %while3A_258 : i32
        %while3A_261 = arith.addi %while3A_254, %while3A_260 : i32
        %while3A_262 = arith.constant 1 : i32
        %while3A_263 = scf.for %while3A_288 = %while3A_254 to %while3A_261 step %while3A_262 iter_args(%while3A_289 = %while3A_255) -> (i32)  : i32 {
          %mul3A_290 = arith.constant 16 : i32
          %mul3A_291 = arith.muli %while3A_288, %mul3A_290 : i32
          %get3A_292 = arith.index_cast %mul3A_291 : i32 to index
          %get3A_293 = tpu.vector_load %arg9[%get3A_292] {strides = array<i32>} : memref<1040xi32, #tpu.memory_space<vmem>>, vector<16xi32>,
          %mul3A_294 = arith.constant 16 : i32
          %mul3A_295 = arith.muli %while3A_288, %mul3A_294 : i32
          %get3A_296 = arith.index_cast %mul3A_295 : i32 to index
          %get3A_297 = tpu.vector_load %arg10[%get3A_296] {strides = array<i32>} : memref<1040xi32, #tpu.memory_space<vmem>>, vector<16xi32>,
          %shift_right_logical3A = arith.constant 7 : i32
          %shift_right_logical3A_298 = vector.broadcast %shift_right_logical3A : i32 to vector<16xi32>
          %shift_right_logical3A_299 = arith.shrui %get3A_293, %shift_right_logical3A_298 : vector<16xi32>
          %ge3A = vector.broadcast %min3A_167 : i32 to vector<16xi32>
          %ge3A_300 = arith.cmpi sge, %shift_right_logical3A_299, %ge3A : vector<16xi32>
          %add3A_301 = arith.constant 4 : i32
          %add3A_302 = arith.addi %min3A_167, %add3A_301 : i32
          %lt3A_303 = vector.broadcast %add3A_302 : i32 to vector<16xi32>
          %lt3A_304 = arith.cmpi slt, %shift_right_logical3A_299, %lt3A_303 : vector<16xi32>
          %and3A_305 = arith.andi %ge3A_300, %lt3A_304 : vector<16xi1>
          %mul3A_306 = arith.constant 16 : i32
          %mul3A_307 = arith.muli %while3A_288, %mul3A_306 : i32
          %add3A_308 = vector.broadcast %mul3A_307 : i32 to vector<16xi32>
          %add3A_309 = arith.addi %add3A_308, %iota3A : vector<16xi32>
          %lt3A_310 = vector.broadcast %min3A_9 : i32 to vector<16xi32>
          %lt3A_311 = arith.cmpi slt, %add3A_309, %lt3A_310 : vector<16xi32>
          %and3A_312 = arith.andi %and3A_305, %lt3A_311 : vector<16xi1>
          %min3A_313 = arith.constant 112 : i32
          %min3A_314 = arith.minsi %while3A_289, %min3A_313 : i32
          %swap3A_315 = arith.index_cast %min3A_314 : i32 to index
          %swap3A_316 = tpu.vector_load %arg17[%swap3A_315] masked %and3A_312 {strides = array<i32>} : memref<144xi32, #tpu.memory_space<vmem>>, vector<16xi32>, vector<16xi1>
          tpu.vector_store %arg17[%swap3A_315], %get3A_293 masked %and3A_312 {strides = array<i32>} : memref<144xi32, #tpu.memory_space<vmem>>, vector<16xi32>, vector<16xi1>
          %swap3A_317 = arith.index_cast %min3A_314 : i32 to index
          %swap3A_318 = tpu.vector_load %arg18[%swap3A_317] masked %and3A_312 {strides = array<i32>} : memref<144xi32, #tpu.memory_space<vmem>>, vector<16xi32>, vector<16xi1>
          tpu.vector_store %arg18[%swap3A_317], %get3A_297 masked %and3A_312 {strides = array<i32>} : memref<144xi32, #tpu.memory_space<vmem>>, vector<16xi32>, vector<16xi1>
          %all_reduce_population_count3A = tpu.all_reduce %and3A_312 {dim = 0 : i64, kind = #tpu.reduction_kind<sum>} : vector<16xi1> -> vector<16xi32>
          %slice3A_319 = vector.extract_strided_slice %all_reduce_population_count3A {offsets = [0], sizes = [1], strides = [1]} : vector<16xi32> to vector<1xi32>
          %squeeze3A_320 = vector.extract %slice3A_319[0] : i32 from vector<1xi32>
          %add3A_321 = arith.addi %while3A_289, %squeeze3A_320 : i32
          scf.yield %add3A_321 : i32
        }
        %while3A_264 = arith.constant 1 : i32
        %while3A_265 = scf.for %while3A_288 = %while3A_261 to %while3A_257 step %while3A_264 iter_args(%while3A_289 = %while3A_263) -> (i32)  : i32 {
          %mul3A_290 = arith.constant 16 : i32
          %mul3A_291 = arith.muli %while3A_288, %mul3A_290 : i32
          %get3A_292 = arith.index_cast %mul3A_291 : i32 to index
          %get3A_293 = tpu.vector_load %arg9[%get3A_292] {strides = array<i32>} : memref<1040xi32, #tpu.memory_space<vmem>>, vector<16xi32>,
          %mul3A_294 = arith.constant 16 : i32
          %mul3A_295 = arith.muli %while3A_288, %mul3A_294 : i32
          %get3A_296 = arith.index_cast %mul3A_295 : i32 to index
          %get3A_297 = tpu.vector_load %arg10[%get3A_296] {strides = array<i32>} : memref<1040xi32, #tpu.memory_space<vmem>>, vector<16xi32>,
          %shift_right_logical3A = arith.constant 7 : i32
          %shift_right_logical3A_298 = vector.broadcast %shift_right_logical3A : i32 to vector<16xi32>
          %shift_right_logical3A_299 = arith.shrui %get3A_293, %shift_right_logical3A_298 : vector<16xi32>
          %ge3A = vector.broadcast %min3A_167 : i32 to vector<16xi32>
          %ge3A_300 = arith.cmpi sge, %shift_right_logical3A_299, %ge3A : vector<16xi32>
          %add3A_301 = arith.constant 4 : i32
          %add3A_302 = arith.addi %min3A_167, %add3A_301 : i32
          %lt3A_303 = vector.broadcast %add3A_302 : i32 to vector<16xi32>
          %lt3A_304 = arith.cmpi slt, %shift_right_logical3A_299, %lt3A_303 : vector<16xi32>
          %and3A_305 = arith.andi %ge3A_300, %lt3A_304 : vector<16xi1>
          %mul3A_306 = arith.constant 16 : i32
          %mul3A_307 = arith.muli %while3A_288, %mul3A_306 : i32
          %add3A_308 = vector.broadcast %mul3A_307 : i32 to vector<16xi32>
          %add3A_309 = arith.addi %add3A_308, %iota3A : vector<16xi32>
          %lt3A_310 = vector.broadcast %min3A_9 : i32 to vector<16xi32>
          %lt3A_311 = arith.cmpi slt, %add3A_309, %lt3A_310 : vector<16xi32>
          %and3A_312 = arith.andi %and3A_305, %lt3A_311 : vector<16xi1>
          %min3A_313 = arith.constant 112 : i32
          %min3A_314 = arith.minsi %while3A_289, %min3A_313 : i32
          %swap3A_315 = arith.index_cast %min3A_314 : i32 to index
          %swap3A_316 = tpu.vector_load %arg17[%swap3A_315] masked %and3A_312 {strides = array<i32>} : memref<144xi32, #tpu.memory_space<vmem>>, vector<16xi32>, vector<16xi1>
          tpu.vector_store %arg17[%swap3A_315], %get3A_293 masked %and3A_312 {strides = array<i32>} : memref<144xi32, #tpu.memory_space<vmem>>, vector<16xi32>, vector<16xi1>
          %swap3A_317 = arith.index_cast %min3A_314 : i32 to index
          %swap3A_318 = tpu.vector_load %arg18[%swap3A_317] masked %and3A_312 {strides = array<i32>} : memref<144xi32, #tpu.memory_space<vmem>>, vector<16xi32>, vector<16xi1>
          tpu.vector_store %arg18[%swap3A_317], %get3A_297 masked %and3A_312 {strides = array<i32>} : memref<144xi32, #tpu.memory_space<vmem>>, vector<16xi32>, vector<16xi1>
          %all_reduce_population_count3A = tpu.all_reduce %and3A_312 {dim = 0 : i64, kind = #tpu.reduction_kind<sum>} : vector<16xi1> -> vector<16xi32>
          %slice3A_319 = vector.extract_strided_slice %all_reduce_population_count3A {offsets = [0], sizes = [1], strides = [1]} : vector<16xi32> to vector<1xi32>
          %squeeze3A_320 = vector.extract %slice3A_319[0] : i32 from vector<1xi32>
          %add3A_321 = arith.addi %while3A_289, %squeeze3A_320 : i32
          scf.yield %add3A_321 : i32
        }
        %min3A_266 = arith.constant 128 : i32
        %min3A_267 = arith.minsi %while3A_265, %min3A_266 : i32
        %while3A_268 = arith.constant 0 : i32
        %while3A_269 = arith.constant 0 : i32
        %while3A_270 = arith.subi %min3A_267, %while3A_269 : i32
        %while3A_271 = arith.addi %while3A_269, %while3A_270 : i32
        %while3A_272 = arith.constant 1 : i32
        %while3A_273 = arith.divsi %while3A_270, %while3A_272 : i32
        %while3A_274 = arith.muli %while3A_273, %while3A_272 : i32
        %while3A_275 = arith.addi %while3A_269, %while3A_274 : i32
        %while3A_276 = arith.constant 1 : i32
        scf.for %while3A_288 = %while3A_269 to %while3A_275 step %while3A_276  : i32 {
          %get3A_289 = arith.index_cast %while3A_288 : i32 to index
          %get3A_290 = tpu.vector_load %arg17[%get3A_289] {strides = array<i32>} : memref<144xi32, #tpu.memory_space<vmem>>, vector<16xi32>,
          %slice3A_291 = vector.extract_strided_slice %get3A_290 {offsets = [0], sizes = [1], strides = [1]} : vector<16xi32> to vector<1xi32>
          %squeeze3A_292 = vector.extract %slice3A_291[0] : i32 from vector<1xi32>
          %get3A_293 = arith.index_cast %while3A_288 : i32 to index
          %get3A_294 = tpu.vector_load %arg18[%get3A_293] {strides = array<i32>} : memref<144xi32, #tpu.memory_space<vmem>>, vector<16xi32>,
          %slice3A_295 = vector.extract_strided_slice %get3A_294 {offsets = [0], sizes = [1], strides = [1]} : vector<16xi32> to vector<1xi32>
          %squeeze3A_296 = vector.extract %slice3A_295[0] : i32 from vector<1xi32>
          %broadcast_in_dim3A_297 = arith.constant 0 : i32
          %broadcast_in_dim3A_298 = vector.broadcast %broadcast_in_dim3A_297 : i32 to vector<16xi32>
          %mul3A_299 = arith.constant 128 : i32
          %mul3A_300 = arith.muli %min3A_167, %mul3A_299 : i32
          %sub3A_301 = arith.subi %squeeze3A_292, %mul3A_300 : i32
          %add3A_302 = vector.broadcast %sub3A_301 : i32 to vector<16xi32>
          %add3A_303 = arith.addi %broadcast_in_dim3A_298, %add3A_302 : vector<16xi32>
          %gather3A = tpu.vector_load_idx %arg13[%iota3A, %add3A_303] : memref<32x512xf32, #tpu.memory_space<vmem>>[vector<16xi32>, vector<16xi32>], vector<16xf32>,
          %add3A_304 = arith.constant 16 : i32
          %add3A_305 = vector.broadcast %add3A_304 : i32 to vector<16xi32>
          %add3A_306 = arith.addi %iota3A, %add3A_305 : vector<16xi32>
          %gather3A_307 = tpu.vector_load_idx %arg13[%add3A_306, %add3A_303] : memref<32x512xf32, #tpu.memory_space<vmem>>[vector<16xi32>, vector<16xi32>], vector<16xf32>,
          %swap3A_308 = arith.index_cast %while3A_288 : i32 to index
          %swap3A_309 = arith.constant 0 : index
          %swap3A_310 = tpu.vector_load %arg19[%swap3A_308, %swap3A_309] {strides = array<i32>} : memref<128x32xf32, #tpu.memory_space<vmem>>, vector<16xf32>,
          tpu.vector_store %arg19[%swap3A_308, %swap3A_309], %gather3A {strides = array<i32>} : memref<128x32xf32, #tpu.memory_space<vmem>>, vector<16xf32>,
          %swap3A_311 = arith.index_cast %while3A_288 : i32 to index
          %swap3A_312 = arith.constant 16 : index
          %swap3A_313 = tpu.vector_load %arg19[%swap3A_311, %swap3A_312] {strides = array<i32>} : memref<128x32xf32, #tpu.memory_space<vmem>>, vector<16xf32>,
          tpu.vector_store %arg19[%swap3A_311, %swap3A_312], %gather3A_307 {strides = array<i32>} : memref<128x32xf32, #tpu.memory_space<vmem>>, vector<16xf32>,
          %dma_start3A = arith.constant 0 : i32
          %dma_start3A_314 = tpu.memref_slice %arg19[%while3A_288, %dma_start3A] : memref<128x32xf32, #tpu.memory_space<vmem>> -> memref<1x32xf32, #tpu.memory_space<vmem>>
          %dma_start3A_315 = tpu.memref_squeeze %dma_start3A_314 : memref<1x32xf32, #tpu.memory_space<vmem>> -> memref<32xf32, #tpu.memory_space<vmem>>
          %dma_start3A_316 = arith.constant 0 : i32
          %dma_start3A_317 = tpu.memref_slice %arg6[%squeeze3A_296, %dma_start3A_316] : memref<16384x32xf32, #tpu.memory_space<hbm>> -> memref<1x32xf32, #tpu.memory_space<hbm>>
          %dma_start3A_318 = tpu.memref_squeeze %dma_start3A_317 : memref<1x32xf32, #tpu.memory_space<hbm>> -> memref<32xf32, #tpu.memory_space<hbm>>
          %dma_start3A_319 = arith.constant 0 : i32
          %dma_start3A_320 = tpu.memref_slice %arg6[%squeeze3A_296, %dma_start3A_319] : memref<16384x32xf32, #tpu.memory_space<hbm>> -> memref<1x32xf32, #tpu.memory_space<hbm>>
          %dma_start3A_321 = tpu.memref_squeeze %dma_start3A_320 : memref<1x32xf32, #tpu.memory_space<hbm>> -> memref<32xf32, #tpu.memory_space<hbm>>
          %dma_start3A_322 = arith.constant 0 : i32
          %dma_start3A_323 = tpu.memref_slice %arg19[%while3A_288, %dma_start3A_322] : memref<128x32xf32, #tpu.memory_space<vmem>> -> memref<1x32xf32, #tpu.memory_space<vmem>>
          %dma_start3A_324 = tpu.memref_squeeze %dma_start3A_323 : memref<1x32xf32, #tpu.memory_space<vmem>> -> memref<32xf32, #tpu.memory_space<vmem>>
          tpu.enqueue_dma source(%dma_start3A_324 : memref<32xf32, #tpu.memory_space<vmem>>) target(%dma_start3A_321 : memref<32xf32, #tpu.memory_space<hbm>>) target_semaphore(%arg24 : memref<!tpu.dma_semaphore, #tpu.memory_space<semaphore_mem>>)
        }
        %while3A_277 = arith.constant 1 : i32
        scf.for %while3A_288 = %while3A_275 to %while3A_271 step %while3A_277  : i32 {
          %get3A_289 = arith.index_cast %while3A_288 : i32 to index
          %get3A_290 = tpu.vector_load %arg17[%get3A_289] {strides = array<i32>} : memref<144xi32, #tpu.memory_space<vmem>>, vector<16xi32>,
          %slice3A_291 = vector.extract_strided_slice %get3A_290 {offsets = [0], sizes = [1], strides = [1]} : vector<16xi32> to vector<1xi32>
          %squeeze3A_292 = vector.extract %slice3A_291[0] : i32 from vector<1xi32>
          %get3A_293 = arith.index_cast %while3A_288 : i32 to index
          %get3A_294 = tpu.vector_load %arg18[%get3A_293] {strides = array<i32>} : memref<144xi32, #tpu.memory_space<vmem>>, vector<16xi32>,
          %slice3A_295 = vector.extract_strided_slice %get3A_294 {offsets = [0], sizes = [1], strides = [1]} : vector<16xi32> to vector<1xi32>
          %squeeze3A_296 = vector.extract %slice3A_295[0] : i32 from vector<1xi32>
          %broadcast_in_dim3A_297 = arith.constant 0 : i32
          %broadcast_in_dim3A_298 = vector.broadcast %broadcast_in_dim3A_297 : i32 to vector<16xi32>
          %mul3A_299 = arith.constant 128 : i32
          %mul3A_300 = arith.muli %min3A_167, %mul3A_299 : i32
          %sub3A_301 = arith.subi %squeeze3A_292, %mul3A_300 : i32
          %add3A_302 = vector.broadcast %sub3A_301 : i32 to vector<16xi32>
          %add3A_303 = arith.addi %broadcast_in_dim3A_298, %add3A_302 : vector<16xi32>
          %gather3A = tpu.vector_load_idx %arg13[%iota3A, %add3A_303] : memref<32x512xf32, #tpu.memory_space<vmem>>[vector<16xi32>, vector<16xi32>], vector<16xf32>,
          %add3A_304 = arith.constant 16 : i32
          %add3A_305 = vector.broadcast %add3A_304 : i32 to vector<16xi32>
          %add3A_306 = arith.addi %iota3A, %add3A_305 : vector<16xi32>
          %gather3A_307 = tpu.vector_load_idx %arg13[%add3A_306, %add3A_303] : memref<32x512xf32, #tpu.memory_space<vmem>>[vector<16xi32>, vector<16xi32>], vector<16xf32>,
          %swap3A_308 = arith.index_cast %while3A_288 : i32 to index
          %swap3A_309 = arith.constant 0 : index
          %swap3A_310 = tpu.vector_load %arg19[%swap3A_308, %swap3A_309] {strides = array<i32>} : memref<128x32xf32, #tpu.memory_space<vmem>>, vector<16xf32>,
          tpu.vector_store %arg19[%swap3A_308, %swap3A_309], %gather3A {strides = array<i32>} : memref<128x32xf32, #tpu.memory_space<vmem>>, vector<16xf32>,
          %swap3A_311 = arith.index_cast %while3A_288 : i32 to index
          %swap3A_312 = arith.constant 16 : index
          %swap3A_313 = tpu.vector_load %arg19[%swap3A_311, %swap3A_312] {strides = array<i32>} : memref<128x32xf32, #tpu.memory_space<vmem>>, vector<16xf32>,
          tpu.vector_store %arg19[%swap3A_311, %swap3A_312], %gather3A_307 {strides = array<i32>} : memref<128x32xf32, #tpu.memory_space<vmem>>, vector<16xf32>,
          %dma_start3A = arith.constant 0 : i32
          %dma_start3A_314 = tpu.memref_slice %arg19[%while3A_288, %dma_start3A] : memref<128x32xf32, #tpu.memory_space<vmem>> -> memref<1x32xf32, #tpu.memory_space<vmem>>
          %dma_start3A_315 = tpu.memref_squeeze %dma_start3A_314 : memref<1x32xf32, #tpu.memory_space<vmem>> -> memref<32xf32, #tpu.memory_space<vmem>>
          %dma_start3A_316 = arith.constant 0 : i32
          %dma_start3A_317 = tpu.memref_slice %arg6[%squeeze3A_296, %dma_start3A_316] : memref<16384x32xf32, #tpu.memory_space<hbm>> -> memref<1x32xf32, #tpu.memory_space<hbm>>
          %dma_start3A_318 = tpu.memref_squeeze %dma_start3A_317 : memref<1x32xf32, #tpu.memory_space<hbm>> -> memref<32xf32, #tpu.memory_space<hbm>>
          %dma_start3A_319 = arith.constant 0 : i32
          %dma_start3A_320 = tpu.memref_slice %arg6[%squeeze3A_296, %dma_start3A_319] : memref<16384x32xf32, #tpu.memory_space<hbm>> -> memref<1x32xf32, #tpu.memory_space<hbm>>
          %dma_start3A_321 = tpu.memref_squeeze %dma_start3A_320 : memref<1x32xf32, #tpu.memory_space<hbm>> -> memref<32xf32, #tpu.memory_space<hbm>>
          %dma_start3A_322 = arith.constant 0 : i32
          %dma_start3A_323 = tpu.memref_slice %arg19[%while3A_288, %dma_start3A_322] : memref<128x32xf32, #tpu.memory_space<vmem>> -> memref<1x32xf32, #tpu.memory_space<vmem>>
          %dma_start3A_324 = tpu.memref_squeeze %dma_start3A_323 : memref<1x32xf32, #tpu.memory_space<vmem>> -> memref<32xf32, #tpu.memory_space<vmem>>
          tpu.enqueue_dma source(%dma_start3A_324 : memref<32xf32, #tpu.memory_space<vmem>>) target(%dma_start3A_321 : memref<32xf32, #tpu.memory_space<hbm>>) target_semaphore(%arg24 : memref<!tpu.dma_semaphore, #tpu.memory_space<semaphore_mem>>)
        }
        %while3A_278 = arith.constant 0 : i32
        %while3A_279 = arith.constant 0 : i32
        %while3A_280 = arith.subi %min3A_267, %while3A_279 : i32
        %while3A_281 = arith.addi %while3A_279, %while3A_280 : i32
        %while3A_282 = arith.constant 1 : i32
        %while3A_283 = arith.divsi %while3A_280, %while3A_282 : i32
        %while3A_284 = arith.muli %while3A_283, %while3A_282 : i32
        %while3A_285 = arith.addi %while3A_279, %while3A_284 : i32
        %while3A_286 = arith.constant 1 : i32
        scf.for %while3A_288 = %while3A_279 to %while3A_285 step %while3A_286  : i32 {
          %dma_wait3A_289 = arith.constant 0 : i32
          %dma_wait3A_290 = arith.constant 0 : i32
          %dma_wait3A_291 = arith.constant 0 : i32
          %dma_wait3A_292 = tpu.memref_slice %arg19[%dma_wait3A_289, %dma_wait3A_291] : memref<128x32xf32, #tpu.memory_space<vmem>> -> memref<1x32xf32, #tpu.memory_space<vmem>>
          %dma_wait3A_293 = tpu.memref_squeeze %dma_wait3A_292 : memref<1x32xf32, #tpu.memory_space<vmem>> -> memref<32xf32, #tpu.memory_space<vmem>>
          %dma_wait3A_294 = arith.constant 0 : i32
          %dma_wait3A_295 = tpu.memref_slice %arg6[%dma_wait3A_290, %dma_wait3A_294] : memref<16384x32xf32, #tpu.memory_space<hbm>> -> memref<1x32xf32, #tpu.memory_space<hbm>>
          %dma_wait3A_296 = tpu.memref_squeeze %dma_wait3A_295 : memref<1x32xf32, #tpu.memory_space<hbm>> -> memref<32xf32, #tpu.memory_space<hbm>>
          %dma_wait3A_297 = arith.constant 0 : i32
          %dma_wait3A_298 = tpu.memref_slice %arg6[%dma_wait3A_290, %dma_wait3A_297] : memref<16384x32xf32, #tpu.memory_space<hbm>> -> memref<1x32xf32, #tpu.memory_space<hbm>>
          %dma_wait3A_299 = tpu.memref_squeeze %dma_wait3A_298 : memref<1x32xf32, #tpu.memory_space<hbm>> -> memref<32xf32, #tpu.memory_space<hbm>>
          %dma_wait3A_300 = arith.constant 0 : i32
          %dma_wait3A_301 = tpu.memref_slice %arg19[%dma_wait3A_289, %dma_wait3A_300] : memref<128x32xf32, #tpu.memory_space<vmem>> -> memref<1x32xf32, #tpu.memory_space<vmem>>
          %dma_wait3A_302 = tpu.memref_squeeze %dma_wait3A_301 : memref<1x32xf32, #tpu.memory_space<vmem>> -> memref<32xf32, #tpu.memory_space<vmem>>
          tpu.wait_dma2 semaphore(%arg24 : memref<!tpu.dma_semaphore, #tpu.memory_space<semaphore_mem>>) src(%dma_wait3A_302 : memref<32xf32, #tpu.memory_space<vmem>>) dst(%dma_wait3A_299 : memref<32xf32, #tpu.memory_space<hbm>>)
        }
        %while3A_287 = arith.constant 1 : i32
        scf.for %while3A_288 = %while3A_285 to %while3A_281 step %while3A_287  : i32 {
          %dma_wait3A_289 = arith.constant 0 : i32
          %dma_wait3A_290 = arith.constant 0 : i32
          %dma_wait3A_291 = arith.constant 0 : i32
          %dma_wait3A_292 = tpu.memref_slice %arg19[%dma_wait3A_289, %dma_wait3A_291] : memref<128x32xf32, #tpu.memory_space<vmem>> -> memref<1x32xf32, #tpu.memory_space<vmem>>
          %dma_wait3A_293 = tpu.memref_squeeze %dma_wait3A_292 : memref<1x32xf32, #tpu.memory_space<vmem>> -> memref<32xf32, #tpu.memory_space<vmem>>
          %dma_wait3A_294 = arith.constant 0 : i32
          %dma_wait3A_295 = tpu.memref_slice %arg6[%dma_wait3A_290, %dma_wait3A_294] : memref<16384x32xf32, #tpu.memory_space<hbm>> -> memref<1x32xf32, #tpu.memory_space<hbm>>
          %dma_wait3A_296 = tpu.memref_squeeze %dma_wait3A_295 : memref<1x32xf32, #tpu.memory_space<hbm>> -> memref<32xf32, #tpu.memory_space<hbm>>
          %dma_wait3A_297 = arith.constant 0 : i32
          %dma_wait3A_298 = tpu.memref_slice %arg6[%dma_wait3A_290, %dma_wait3A_297] : memref<16384x32xf32, #tpu.memory_space<hbm>> -> memref<1x32xf32, #tpu.memory_space<hbm>>
          %dma_wait3A_299 = tpu.memref_squeeze %dma_wait3A_298 : memref<1x32xf32, #tpu.memory_space<hbm>> -> memref<32xf32, #tpu.memory_space<hbm>>
          %dma_wait3A_300 = arith.constant 0 : i32
          %dma_wait3A_301 = tpu.memref_slice %arg19[%dma_wait3A_289, %dma_wait3A_300] : memref<128x32xf32, #tpu.memory_space<vmem>> -> memref<1x32xf32, #tpu.memory_space<vmem>>
          %dma_wait3A_302 = tpu.memref_squeeze %dma_wait3A_301 : memref<1x32xf32, #tpu.memory_space<vmem>> -> memref<32xf32, #tpu.memory_space<vmem>>
          tpu.wait_dma2 semaphore(%arg24 : memref<!tpu.dma_semaphore, #tpu.memory_space<semaphore_mem>>) src(%dma_wait3A_302 : memref<32xf32, #tpu.memory_space<vmem>>) dst(%dma_wait3A_299 : memref<32xf32, #tpu.memory_space<hbm>>)
        }
      } else {
      }
      %get3A_180 = arith.index_cast %mul3A_134 : i32 to index
      %get3A_181 = tpu.vector_load %arg21[%get3A_180] {strides = array<i32>} : memref<80xi32, #tpu.memory_space<vmem>>, vector<16xi32>,
      %slice3A_182 = vector.extract_strided_slice %get3A_181 {offsets = [0], sizes = [1], strides = [1]} : vector<16xi32> to vector<1xi32>
      %squeeze3A_183 = vector.extract %slice3A_182[0] : i32 from vector<1xi32>
      %gt3A_184 = arith.constant 0 : i32
      %gt3A_185 = arith.cmpi sgt, %squeeze3A_183, %gt3A_184 : i32
      %convert_element_type3A_186 = arith.extui %gt3A_185 : i1 to i32
      %cond3A_187 = arith.constant 0 : i32
      %cond3A_188 = arith.cmpi ne, %convert_element_type3A_186, %cond3A_187 : i32
      scf.if %cond3A_188 {
        %dma_wait3A = arith.constant 0 : i32
        %dma_wait3A_223 = tpu.memref_slice %arg5[%dma_wait3A, %multiple_of3A_170] : memref<32x1000000xf32, #tpu.memory_space<hbm>> -> memref<32x512xf32, #tpu.memory_space<hbm>>
        %dma_wait3A_224 = arith.constant 0 : i32
        %dma_wait3A_225 = tpu.memref_slice %arg5[%dma_wait3A_224, %multiple_of3A_170] : memref<32x1000000xf32, #tpu.memory_space<hbm>> -> memref<32x512xf32, #tpu.memory_space<hbm>>
        tpu.wait_dma2 semaphore(%arg22 : memref<!tpu.dma_semaphore, #tpu.memory_space<semaphore_mem>>) src(%dma_wait3A_225 : memref<32x512xf32, #tpu.memory_space<hbm>>) dst(%arg14 : memref<32x512xf32, #tpu.memory_space<vmem>>)
        %add3A_226 = arith.constant 16 : i32
        %add3A_227 = arith.addi %min3A_18, %add3A_226 : i32
        %sub3A_228 = arith.constant 1 : i32
        %sub3A_229 = arith.subi %add3A_227, %sub3A_228 : i32
        %jit3A_230 = arith.constant 16 : i32
        %div3A_231 = arith.divsi %sub3A_229, %jit3A_230 : i32
        %sign3A_232 = arith.constant 0 : i32
        %sign3A_233 = arith.cmpi sgt, %sub3A_229, %sign3A_232 : i32
        %sign3A_234 = arith.extui %sign3A_233 : i1 to i32
        %sign3A_235 = arith.constant 0 : i32
        %sign3A_236 = arith.cmpi slt, %sub3A_229, %sign3A_235 : i32
        %sign3A_237 = arith.extui %sign3A_236 : i1 to i32
        %sign3A_238 = arith.subi %sign3A_234, %sign3A_237 : i32
        %sign3A_239 = arith.constant 0 : i32
        %sign3A_240 = arith.cmpi sgt, %jit3A_230, %sign3A_239 : i32
        %sign3A_241 = arith.extui %sign3A_240 : i1 to i32
        %sign3A_242 = arith.constant 0 : i32
        %sign3A_243 = arith.cmpi slt, %jit3A_230, %sign3A_242 : i32
        %sign3A_244 = arith.extui %sign3A_243 : i1 to i32
        %sign3A_245 = arith.subi %sign3A_241, %sign3A_244 : i32
        %ne3A_246 = arith.cmpi ne, %sign3A_238, %sign3A_245 : i32
        %rem3A_247 = arith.remsi %sub3A_229, %jit3A_230 : i32
        %ne3A_248 = arith.constant 0 : i32
        %ne3A_249 = arith.cmpi ne, %rem3A_247, %ne3A_248 : i32
        %and3A_250 = arith.andi %ne3A_246, %ne3A_249 : i1
        %sub3A_251 = arith.constant 1 : i32
        %sub3A_252 = arith.subi %div3A_231, %sub3A_251 : i32
        %select_n3A_253 = arith.select %and3A_250, %sub3A_252, %div3A_231 : i32
        %while3A_254 = arith.constant 0 : i32
        %while3A_255 = arith.constant 0 : i32
        %while3A_256 = arith.subi %select_n3A_253, %while3A_254 : i32
        %while3A_257 = arith.addi %while3A_254, %while3A_256 : i32
        %while3A_258 = arith.constant 1 : i32
        %while3A_259 = arith.divsi %while3A_256, %while3A_258 : i32
        %while3A_260 = arith.muli %while3A_259, %while3A_258 : i32
        %while3A_261 = arith.addi %while3A_254, %while3A_260 : i32
        %while3A_262 = arith.constant 1 : i32
        %while3A_263 = scf.for %while3A_288 = %while3A_254 to %while3A_261 step %while3A_262 iter_args(%while3A_289 = %while3A_255) -> (i32)  : i32 {
          %mul3A_290 = arith.constant 16 : i32
          %mul3A_291 = arith.muli %while3A_288, %mul3A_290 : i32
          %get3A_292 = arith.index_cast %mul3A_291 : i32 to index
          %get3A_293 = tpu.vector_load %arg11[%get3A_292] {strides = array<i32>} : memref<1040xi32, #tpu.memory_space<vmem>>, vector<16xi32>,
          %mul3A_294 = arith.constant 16 : i32
          %mul3A_295 = arith.muli %while3A_288, %mul3A_294 : i32
          %get3A_296 = arith.index_cast %mul3A_295 : i32 to index
          %get3A_297 = tpu.vector_load %arg12[%get3A_296] {strides = array<i32>} : memref<1040xi32, #tpu.memory_space<vmem>>, vector<16xi32>,
          %shift_right_logical3A = arith.constant 7 : i32
          %shift_right_logical3A_298 = vector.broadcast %shift_right_logical3A : i32 to vector<16xi32>
          %shift_right_logical3A_299 = arith.shrui %get3A_293, %shift_right_logical3A_298 : vector<16xi32>
          %ge3A = vector.broadcast %min3A_167 : i32 to vector<16xi32>
          %ge3A_300 = arith.cmpi sge, %shift_right_logical3A_299, %ge3A : vector<16xi32>
          %add3A_301 = arith.constant 4 : i32
          %add3A_302 = arith.addi %min3A_167, %add3A_301 : i32
          %lt3A_303 = vector.broadcast %add3A_302 : i32 to vector<16xi32>
          %lt3A_304 = arith.cmpi slt, %shift_right_logical3A_299, %lt3A_303 : vector<16xi32>
          %and3A_305 = arith.andi %ge3A_300, %lt3A_304 : vector<16xi1>
          %mul3A_306 = arith.constant 16 : i32
          %mul3A_307 = arith.muli %while3A_288, %mul3A_306 : i32
          %add3A_308 = vector.broadcast %mul3A_307 : i32 to vector<16xi32>
          %add3A_309 = arith.addi %add3A_308, %iota3A : vector<16xi32>
          %lt3A_310 = vector.broadcast %min3A_18 : i32 to vector<16xi32>
          %lt3A_311 = arith.cmpi slt, %add3A_309, %lt3A_310 : vector<16xi32>
          %and3A_312 = arith.andi %and3A_305, %lt3A_311 : vector<16xi1>
          %min3A_313 = arith.constant 112 : i32
          %min3A_314 = arith.minsi %while3A_289, %min3A_313 : i32
          %swap3A_315 = arith.index_cast %min3A_314 : i32 to index
          %swap3A_316 = tpu.vector_load %arg17[%swap3A_315] masked %and3A_312 {strides = array<i32>} : memref<144xi32, #tpu.memory_space<vmem>>, vector<16xi32>, vector<16xi1>
          tpu.vector_store %arg17[%swap3A_315], %get3A_293 masked %and3A_312 {strides = array<i32>} : memref<144xi32, #tpu.memory_space<vmem>>, vector<16xi32>, vector<16xi1>
          %swap3A_317 = arith.index_cast %min3A_314 : i32 to index
          %swap3A_318 = tpu.vector_load %arg18[%swap3A_317] masked %and3A_312 {strides = array<i32>} : memref<144xi32, #tpu.memory_space<vmem>>, vector<16xi32>, vector<16xi1>
          tpu.vector_store %arg18[%swap3A_317], %get3A_297 masked %and3A_312 {strides = array<i32>} : memref<144xi32, #tpu.memory_space<vmem>>, vector<16xi32>, vector<16xi1>
          %all_reduce_population_count3A = tpu.all_reduce %and3A_312 {dim = 0 : i64, kind = #tpu.reduction_kind<sum>} : vector<16xi1> -> vector<16xi32>
          %slice3A_319 = vector.extract_strided_slice %all_reduce_population_count3A {offsets = [0], sizes = [1], strides = [1]} : vector<16xi32> to vector<1xi32>
          %squeeze3A_320 = vector.extract %slice3A_319[0] : i32 from vector<1xi32>
          %add3A_321 = arith.addi %while3A_289, %squeeze3A_320 : i32
          scf.yield %add3A_321 : i32
        }
        %while3A_264 = arith.constant 1 : i32
        %while3A_265 = scf.for %while3A_288 = %while3A_261 to %while3A_257 step %while3A_264 iter_args(%while3A_289 = %while3A_263) -> (i32)  : i32 {
          %mul3A_290 = arith.constant 16 : i32
          %mul3A_291 = arith.muli %while3A_288, %mul3A_290 : i32
          %get3A_292 = arith.index_cast %mul3A_291 : i32 to index
          %get3A_293 = tpu.vector_load %arg11[%get3A_292] {strides = array<i32>} : memref<1040xi32, #tpu.memory_space<vmem>>, vector<16xi32>,
          %mul3A_294 = arith.constant 16 : i32
          %mul3A_295 = arith.muli %while3A_288, %mul3A_294 : i32
          %get3A_296 = arith.index_cast %mul3A_295 : i32 to index
          %get3A_297 = tpu.vector_load %arg12[%get3A_296] {strides = array<i32>} : memref<1040xi32, #tpu.memory_space<vmem>>, vector<16xi32>,
          %shift_right_logical3A = arith.constant 7 : i32
          %shift_right_logical3A_298 = vector.broadcast %shift_right_logical3A : i32 to vector<16xi32>
          %shift_right_logical3A_299 = arith.shrui %get3A_293, %shift_right_logical3A_298 : vector<16xi32>
          %ge3A = vector.broadcast %min3A_167 : i32 to vector<16xi32>
          %ge3A_300 = arith.cmpi sge, %shift_right_logical3A_299, %ge3A : vector<16xi32>
          %add3A_301 = arith.constant 4 : i32
          %add3A_302 = arith.addi %min3A_167, %add3A_301 : i32
          %lt3A_303 = vector.broadcast %add3A_302 : i32 to vector<16xi32>
          %lt3A_304 = arith.cmpi slt, %shift_right_logical3A_299, %lt3A_303 : vector<16xi32>
          %and3A_305 = arith.andi %ge3A_300, %lt3A_304 : vector<16xi1>
          %mul3A_306 = arith.constant 16 : i32
          %mul3A_307 = arith.muli %while3A_288, %mul3A_306 : i32
          %add3A_308 = vector.broadcast %mul3A_307 : i32 to vector<16xi32>
          %add3A_309 = arith.addi %add3A_308, %iota3A : vector<16xi32>
          %lt3A_310 = vector.broadcast %min3A_18 : i32 to vector<16xi32>
          %lt3A_311 = arith.cmpi slt, %add3A_309, %lt3A_310 : vector<16xi32>
          %and3A_312 = arith.andi %and3A_305, %lt3A_311 : vector<16xi1>
          %min3A_313 = arith.constant 112 : i32
          %min3A_314 = arith.minsi %while3A_289, %min3A_313 : i32
          %swap3A_315 = arith.index_cast %min3A_314 : i32 to index
          %swap3A_316 = tpu.vector_load %arg17[%swap3A_315] masked %and3A_312 {strides = array<i32>} : memref<144xi32, #tpu.memory_space<vmem>>, vector<16xi32>, vector<16xi1>
          tpu.vector_store %arg17[%swap3A_315], %get3A_293 masked %and3A_312 {strides = array<i32>} : memref<144xi32, #tpu.memory_space<vmem>>, vector<16xi32>, vector<16xi1>
          %swap3A_317 = arith.index_cast %min3A_314 : i32 to index
          %swap3A_318 = tpu.vector_load %arg18[%swap3A_317] masked %and3A_312 {strides = array<i32>} : memref<144xi32, #tpu.memory_space<vmem>>, vector<16xi32>, vector<16xi1>
          tpu.vector_store %arg18[%swap3A_317], %get3A_297 masked %and3A_312 {strides = array<i32>} : memref<144xi32, #tpu.memory_space<vmem>>, vector<16xi32>, vector<16xi1>
          %all_reduce_population_count3A = tpu.all_reduce %and3A_312 {dim = 0 : i64, kind = #tpu.reduction_kind<sum>} : vector<16xi1> -> vector<16xi32>
          %slice3A_319 = vector.extract_strided_slice %all_reduce_population_count3A {offsets = [0], sizes = [1], strides = [1]} : vector<16xi32> to vector<1xi32>
          %squeeze3A_320 = vector.extract %slice3A_319[0] : i32 from vector<1xi32>
          %add3A_321 = arith.addi %while3A_289, %squeeze3A_320 : i32
          scf.yield %add3A_321 : i32
        }
        %min3A_266 = arith.constant 128 : i32
        %min3A_267 = arith.minsi %while3A_265, %min3A_266 : i32
        %while3A_268 = arith.constant 0 : i32
        %while3A_269 = arith.constant 0 : i32
        %while3A_270 = arith.subi %min3A_267, %while3A_269 : i32
        %while3A_271 = arith.addi %while3A_269, %while3A_270 : i32
        %while3A_272 = arith.constant 1 : i32
        %while3A_273 = arith.divsi %while3A_270, %while3A_272 : i32
        %while3A_274 = arith.muli %while3A_273, %while3A_272 : i32
        %while3A_275 = arith.addi %while3A_269, %while3A_274 : i32
        %while3A_276 = arith.constant 1 : i32
        scf.for %while3A_288 = %while3A_269 to %while3A_275 step %while3A_276  : i32 {
          %get3A_289 = arith.index_cast %while3A_288 : i32 to index
          %get3A_290 = tpu.vector_load %arg17[%get3A_289] {strides = array<i32>} : memref<144xi32, #tpu.memory_space<vmem>>, vector<16xi32>,
          %slice3A_291 = vector.extract_strided_slice %get3A_290 {offsets = [0], sizes = [1], strides = [1]} : vector<16xi32> to vector<1xi32>
          %squeeze3A_292 = vector.extract %slice3A_291[0] : i32 from vector<1xi32>
          %get3A_293 = arith.index_cast %while3A_288 : i32 to index
          %get3A_294 = tpu.vector_load %arg18[%get3A_293] {strides = array<i32>} : memref<144xi32, #tpu.memory_space<vmem>>, vector<16xi32>,
          %slice3A_295 = vector.extract_strided_slice %get3A_294 {offsets = [0], sizes = [1], strides = [1]} : vector<16xi32> to vector<1xi32>
          %squeeze3A_296 = vector.extract %slice3A_295[0] : i32 from vector<1xi32>
          %broadcast_in_dim3A_297 = arith.constant 0 : i32
          %broadcast_in_dim3A_298 = vector.broadcast %broadcast_in_dim3A_297 : i32 to vector<16xi32>
          %mul3A_299 = arith.constant 128 : i32
          %mul3A_300 = arith.muli %min3A_167, %mul3A_299 : i32
          %sub3A_301 = arith.subi %squeeze3A_292, %mul3A_300 : i32
          %add3A_302 = vector.broadcast %sub3A_301 : i32 to vector<16xi32>
          %add3A_303 = arith.addi %broadcast_in_dim3A_298, %add3A_302 : vector<16xi32>
          %gather3A = tpu.vector_load_idx %arg14[%iota3A, %add3A_303] : memref<32x512xf32, #tpu.memory_space<vmem>>[vector<16xi32>, vector<16xi32>], vector<16xf32>,
          %add3A_304 = arith.constant 16 : i32
          %add3A_305 = vector.broadcast %add3A_304 : i32 to vector<16xi32>
          %add3A_306 = arith.addi %iota3A, %add3A_305 : vector<16xi32>
          %gather3A_307 = tpu.vector_load_idx %arg14[%add3A_306, %add3A_303] : memref<32x512xf32, #tpu.memory_space<vmem>>[vector<16xi32>, vector<16xi32>], vector<16xf32>,
          %swap3A_308 = arith.index_cast %while3A_288 : i32 to index
          %swap3A_309 = arith.constant 0 : index
          %swap3A_310 = tpu.vector_load %arg19[%swap3A_308, %swap3A_309] {strides = array<i32>} : memref<128x32xf32, #tpu.memory_space<vmem>>, vector<16xf32>,
          tpu.vector_store %arg19[%swap3A_308, %swap3A_309], %gather3A {strides = array<i32>} : memref<128x32xf32, #tpu.memory_space<vmem>>, vector<16xf32>,
          %swap3A_311 = arith.index_cast %while3A_288 : i32 to index
          %swap3A_312 = arith.constant 16 : index
          %swap3A_313 = tpu.vector_load %arg19[%swap3A_311, %swap3A_312] {strides = array<i32>} : memref<128x32xf32, #tpu.memory_space<vmem>>, vector<16xf32>,
          tpu.vector_store %arg19[%swap3A_311, %swap3A_312], %gather3A_307 {strides = array<i32>} : memref<128x32xf32, #tpu.memory_space<vmem>>, vector<16xf32>,
          %dma_start3A = arith.constant 0 : i32
          %dma_start3A_314 = tpu.memref_slice %arg19[%while3A_288, %dma_start3A] : memref<128x32xf32, #tpu.memory_space<vmem>> -> memref<1x32xf32, #tpu.memory_space<vmem>>
          %dma_start3A_315 = tpu.memref_squeeze %dma_start3A_314 : memref<1x32xf32, #tpu.memory_space<vmem>> -> memref<32xf32, #tpu.memory_space<vmem>>
          %dma_start3A_316 = arith.constant 0 : i32
          %dma_start3A_317 = tpu.memref_slice %arg7[%squeeze3A_296, %dma_start3A_316] : memref<16384x32xf32, #tpu.memory_space<hbm>> -> memref<1x32xf32, #tpu.memory_space<hbm>>
          %dma_start3A_318 = tpu.memref_squeeze %dma_start3A_317 : memref<1x32xf32, #tpu.memory_space<hbm>> -> memref<32xf32, #tpu.memory_space<hbm>>
          %dma_start3A_319 = arith.constant 0 : i32
          %dma_start3A_320 = tpu.memref_slice %arg7[%squeeze3A_296, %dma_start3A_319] : memref<16384x32xf32, #tpu.memory_space<hbm>> -> memref<1x32xf32, #tpu.memory_space<hbm>>
          %dma_start3A_321 = tpu.memref_squeeze %dma_start3A_320 : memref<1x32xf32, #tpu.memory_space<hbm>> -> memref<32xf32, #tpu.memory_space<hbm>>
          %dma_start3A_322 = arith.constant 0 : i32
          %dma_start3A_323 = tpu.memref_slice %arg19[%while3A_288, %dma_start3A_322] : memref<128x32xf32, #tpu.memory_space<vmem>> -> memref<1x32xf32, #tpu.memory_space<vmem>>
          %dma_start3A_324 = tpu.memref_squeeze %dma_start3A_323 : memref<1x32xf32, #tpu.memory_space<vmem>> -> memref<32xf32, #tpu.memory_space<vmem>>
          tpu.enqueue_dma source(%dma_start3A_324 : memref<32xf32, #tpu.memory_space<vmem>>) target(%dma_start3A_321 : memref<32xf32, #tpu.memory_space<hbm>>) target_semaphore(%arg24 : memref<!tpu.dma_semaphore, #tpu.memory_space<semaphore_mem>>)
        }
        %while3A_277 = arith.constant 1 : i32
        scf.for %while3A_288 = %while3A_275 to %while3A_271 step %while3A_277  : i32 {
          %get3A_289 = arith.index_cast %while3A_288 : i32 to index
          %get3A_290 = tpu.vector_load %arg17[%get3A_289] {strides = array<i32>} : memref<144xi32, #tpu.memory_space<vmem>>, vector<16xi32>,
          %slice3A_291 = vector.extract_strided_slice %get3A_290 {offsets = [0], sizes = [1], strides = [1]} : vector<16xi32> to vector<1xi32>
          %squeeze3A_292 = vector.extract %slice3A_291[0] : i32 from vector<1xi32>
          %get3A_293 = arith.index_cast %while3A_288 : i32 to index
          %get3A_294 = tpu.vector_load %arg18[%get3A_293] {strides = array<i32>} : memref<144xi32, #tpu.memory_space<vmem>>, vector<16xi32>,
          %slice3A_295 = vector.extract_strided_slice %get3A_294 {offsets = [0], sizes = [1], strides = [1]} : vector<16xi32> to vector<1xi32>
          %squeeze3A_296 = vector.extract %slice3A_295[0] : i32 from vector<1xi32>
          %broadcast_in_dim3A_297 = arith.constant 0 : i32
          %broadcast_in_dim3A_298 = vector.broadcast %broadcast_in_dim3A_297 : i32 to vector<16xi32>
          %mul3A_299 = arith.constant 128 : i32
          %mul3A_300 = arith.muli %min3A_167, %mul3A_299 : i32
          %sub3A_301 = arith.subi %squeeze3A_292, %mul3A_300 : i32
          %add3A_302 = vector.broadcast %sub3A_301 : i32 to vector<16xi32>
          %add3A_303 = arith.addi %broadcast_in_dim3A_298, %add3A_302 : vector<16xi32>
          %gather3A = tpu.vector_load_idx %arg14[%iota3A, %add3A_303] : memref<32x512xf32, #tpu.memory_space<vmem>>[vector<16xi32>, vector<16xi32>], vector<16xf32>,
          %add3A_304 = arith.constant 16 : i32
          %add3A_305 = vector.broadcast %add3A_304 : i32 to vector<16xi32>
          %add3A_306 = arith.addi %iota3A, %add3A_305 : vector<16xi32>
          %gather3A_307 = tpu.vector_load_idx %arg14[%add3A_306, %add3A_303] : memref<32x512xf32, #tpu.memory_space<vmem>>[vector<16xi32>, vector<16xi32>], vector<16xf32>,
          %swap3A_308 = arith.index_cast %while3A_288 : i32 to index
          %swap3A_309 = arith.constant 0 : index
          %swap3A_310 = tpu.vector_load %arg19[%swap3A_308, %swap3A_309] {strides = array<i32>} : memref<128x32xf32, #tpu.memory_space<vmem>>, vector<16xf32>,
          tpu.vector_store %arg19[%swap3A_308, %swap3A_309], %gather3A {strides = array<i32>} : memref<128x32xf32, #tpu.memory_space<vmem>>, vector<16xf32>,
          %swap3A_311 = arith.index_cast %while3A_288 : i32 to index
          %swap3A_312 = arith.constant 16 : index
          %swap3A_313 = tpu.vector_load %arg19[%swap3A_311, %swap3A_312] {strides = array<i32>} : memref<128x32xf32, #tpu.memory_space<vmem>>, vector<16xf32>,
          tpu.vector_store %arg19[%swap3A_311, %swap3A_312], %gather3A_307 {strides = array<i32>} : memref<128x32xf32, #tpu.memory_space<vmem>>, vector<16xf32>,
          %dma_start3A = arith.constant 0 : i32
          %dma_start3A_314 = tpu.memref_slice %arg19[%while3A_288, %dma_start3A] : memref<128x32xf32, #tpu.memory_space<vmem>> -> memref<1x32xf32, #tpu.memory_space<vmem>>
          %dma_start3A_315 = tpu.memref_squeeze %dma_start3A_314 : memref<1x32xf32, #tpu.memory_space<vmem>> -> memref<32xf32, #tpu.memory_space<vmem>>
          %dma_start3A_316 = arith.constant 0 : i32
          %dma_start3A_317 = tpu.memref_slice %arg7[%squeeze3A_296, %dma_start3A_316] : memref<16384x32xf32, #tpu.memory_space<hbm>> -> memref<1x32xf32, #tpu.memory_space<hbm>>
          %dma_start3A_318 = tpu.memref_squeeze %dma_start3A_317 : memref<1x32xf32, #tpu.memory_space<hbm>> -> memref<32xf32, #tpu.memory_space<hbm>>
          %dma_start3A_319 = arith.constant 0 : i32
          %dma_start3A_320 = tpu.memref_slice %arg7[%squeeze3A_296, %dma_start3A_319] : memref<16384x32xf32, #tpu.memory_space<hbm>> -> memref<1x32xf32, #tpu.memory_space<hbm>>
          %dma_start3A_321 = tpu.memref_squeeze %dma_start3A_320 : memref<1x32xf32, #tpu.memory_space<hbm>> -> memref<32xf32, #tpu.memory_space<hbm>>
          %dma_start3A_322 = arith.constant 0 : i32
          %dma_start3A_323 = tpu.memref_slice %arg19[%while3A_288, %dma_start3A_322] : memref<128x32xf32, #tpu.memory_space<vmem>> -> memref<1x32xf32, #tpu.memory_space<vmem>>
          %dma_start3A_324 = tpu.memref_squeeze %dma_start3A_323 : memref<1x32xf32, #tpu.memory_space<vmem>> -> memref<32xf32, #tpu.memory_space<vmem>>
          tpu.enqueue_dma source(%dma_start3A_324 : memref<32xf32, #tpu.memory_space<vmem>>) target(%dma_start3A_321 : memref<32xf32, #tpu.memory_space<hbm>>) target_semaphore(%arg24 : memref<!tpu.dma_semaphore, #tpu.memory_space<semaphore_mem>>)
        }
        %while3A_278 = arith.constant 0 : i32
        %while3A_279 = arith.constant 0 : i32
        %while3A_280 = arith.subi %min3A_267, %while3A_279 : i32
        %while3A_281 = arith.addi %while3A_279, %while3A_280 : i32
        %while3A_282 = arith.constant 1 : i32
        %while3A_283 = arith.divsi %while3A_280, %while3A_282 : i32
        %while3A_284 = arith.muli %while3A_283, %while3A_282 : i32
        %while3A_285 = arith.addi %while3A_279, %while3A_284 : i32
        %while3A_286 = arith.constant 1 : i32
        scf.for %while3A_288 = %while3A_279 to %while3A_285 step %while3A_286  : i32 {
          %dma_wait3A_289 = arith.constant 0 : i32
          %dma_wait3A_290 = arith.constant 0 : i32
          %dma_wait3A_291 = arith.constant 0 : i32
          %dma_wait3A_292 = tpu.memref_slice %arg19[%dma_wait3A_289, %dma_wait3A_291] : memref<128x32xf32, #tpu.memory_space<vmem>> -> memref<1x32xf32, #tpu.memory_space<vmem>>
          %dma_wait3A_293 = tpu.memref_squeeze %dma_wait3A_292 : memref<1x32xf32, #tpu.memory_space<vmem>> -> memref<32xf32, #tpu.memory_space<vmem>>
          %dma_wait3A_294 = arith.constant 0 : i32
          %dma_wait3A_295 = tpu.memref_slice %arg7[%dma_wait3A_290, %dma_wait3A_294] : memref<16384x32xf32, #tpu.memory_space<hbm>> -> memref<1x32xf32, #tpu.memory_space<hbm>>
          %dma_wait3A_296 = tpu.memref_squeeze %dma_wait3A_295 : memref<1x32xf32, #tpu.memory_space<hbm>> -> memref<32xf32, #tpu.memory_space<hbm>>
          %dma_wait3A_297 = arith.constant 0 : i32
          %dma_wait3A_298 = tpu.memref_slice %arg7[%dma_wait3A_290, %dma_wait3A_297] : memref<16384x32xf32, #tpu.memory_space<hbm>> -> memref<1x32xf32, #tpu.memory_space<hbm>>
          %dma_wait3A_299 = tpu.memref_squeeze %dma_wait3A_298 : memref<1x32xf32, #tpu.memory_space<hbm>> -> memref<32xf32, #tpu.memory_space<hbm>>
          %dma_wait3A_300 = arith.constant 0 : i32
          %dma_wait3A_301 = tpu.memref_slice %arg19[%dma_wait3A_289, %dma_wait3A_300] : memref<128x32xf32, #tpu.memory_space<vmem>> -> memref<1x32xf32, #tpu.memory_space<vmem>>
          %dma_wait3A_302 = tpu.memref_squeeze %dma_wait3A_301 : memref<1x32xf32, #tpu.memory_space<vmem>> -> memref<32xf32, #tpu.memory_space<vmem>>
          tpu.wait_dma2 semaphore(%arg24 : memref<!tpu.dma_semaphore, #tpu.memory_space<semaphore_mem>>) src(%dma_wait3A_302 : memref<32xf32, #tpu.memory_space<vmem>>) dst(%dma_wait3A_299 : memref<32xf32, #tpu.memory_space<hbm>>)
        }
        %while3A_287 = arith.constant 1 : i32
        scf.for %while3A_288 = %while3A_285 to %while3A_281 step %while3A_287  : i32 {
          %dma_wait3A_289 = arith.constant 0 : i32
          %dma_wait3A_290 = arith.constant 0 : i32
          %dma_wait3A_291 = arith.constant 0 : i32
          %dma_wait3A_292 = tpu.memref_slice %arg19[%dma_wait3A_289, %dma_wait3A_291] : memref<128x32xf32, #tpu.memory_space<vmem>> -> memref<1x32xf32, #tpu.memory_space<vmem>>
          %dma_wait3A_293 = tpu.memref_squeeze %dma_wait3A_292 : memref<1x32xf32, #tpu.memory_space<vmem>> -> memref<32xf32, #tpu.memory_space<vmem>>
          %dma_wait3A_294 = arith.constant 0 : i32
          %dma_wait3A_295 = tpu.memref_slice %arg7[%dma_wait3A_290, %dma_wait3A_294] : memref<16384x32xf32, #tpu.memory_space<hbm>> -> memref<1x32xf32, #tpu.memory_space<hbm>>
          %dma_wait3A_296 = tpu.memref_squeeze %dma_wait3A_295 : memref<1x32xf32, #tpu.memory_space<hbm>> -> memref<32xf32, #tpu.memory_space<hbm>>
          %dma_wait3A_297 = arith.constant 0 : i32
          %dma_wait3A_298 = tpu.memref_slice %arg7[%dma_wait3A_290, %dma_wait3A_297] : memref<16384x32xf32, #tpu.memory_space<hbm>> -> memref<1x32xf32, #tpu.memory_space<hbm>>
          %dma_wait3A_299 = tpu.memref_squeeze %dma_wait3A_298 : memref<1x32xf32, #tpu.memory_space<hbm>> -> memref<32xf32, #tpu.memory_space<hbm>>
          %dma_wait3A_300 = arith.constant 0 : i32
          %dma_wait3A_301 = tpu.memref_slice %arg19[%dma_wait3A_289, %dma_wait3A_300] : memref<128x32xf32, #tpu.memory_space<vmem>> -> memref<1x32xf32, #tpu.memory_space<vmem>>
          %dma_wait3A_302 = tpu.memref_squeeze %dma_wait3A_301 : memref<1x32xf32, #tpu.memory_space<vmem>> -> memref<32xf32, #tpu.memory_space<vmem>>
          tpu.wait_dma2 semaphore(%arg24 : memref<!tpu.dma_semaphore, #tpu.memory_space<semaphore_mem>>) src(%dma_wait3A_302 : memref<32xf32, #tpu.memory_space<vmem>>) dst(%dma_wait3A_299 : memref<32xf32, #tpu.memory_space<hbm>>)
        }
      } else {
      }
      %add3A_189 = arith.constant 2 : i32
      %add3A_190 = arith.addi %mul3A_134, %add3A_189 : i32
      %lt3A = arith.constant 62 : i32
      %lt3A_191 = arith.cmpi slt, %add3A_190, %lt3A : i32
      %convert_element_type3A_192 = arith.extui %lt3A_191 : i1 to i32
      %cond3A_193 = arith.constant 0 : i32
      %cond3A_194 = arith.cmpi ne, %convert_element_type3A_192, %cond3A_193 : i32
      scf.if %cond3A_194 {
        %add3A_223 = arith.constant 2 : i32
        %add3A_224 = arith.addi %mul3A_134, %add3A_223 : i32
        %mul3A_225 = arith.constant 4 : i32
        %mul3A_226 = arith.muli %add3A_224, %mul3A_225 : i32
        %add3A_227 = arith.addi %mul3A_2, %mul3A_226 : i32
        %min3A_228 = arith.constant 7809 : i32
        %min3A_229 = arith.minsi %add3A_227, %min3A_228 : i32
        %mul3A_230 = arith.constant 128 : i32
        %mul3A_231 = arith.muli %min3A_229, %mul3A_230 : i32
        %multiple_of3A_232 = tpu.assume_multiple %mul3A_231, 128 : i32
        %get3A_233 = arith.index_cast %add3A_224 : i32 to index
        %get3A_234 = tpu.vector_load %arg20[%get3A_233] {strides = array<i32>} : memref<80xi32, #tpu.memory_space<vmem>>, vector<16xi32>,
        %slice3A_235 = vector.extract_strided_slice %get3A_234 {offsets = [0], sizes = [1], strides = [1]} : vector<16xi32> to vector<1xi32>
        %squeeze3A_236 = vector.extract %slice3A_235[0] : i32 from vector<1xi32>
        %gt3A_237 = arith.constant 0 : i32
        %gt3A_238 = arith.cmpi sgt, %squeeze3A_236, %gt3A_237 : i32
        %convert_element_type3A_239 = arith.extui %gt3A_238 : i1 to i32
        %cond3A_240 = arith.constant 0 : i32
        %cond3A_241 = arith.cmpi ne, %convert_element_type3A_239, %cond3A_240 : i32
        scf.if %cond3A_241 {
          %dma_start3A = arith.constant 0 : i32
          %dma_start3A_251 = tpu.memref_slice %arg4[%dma_start3A, %multiple_of3A_232] : memref<32x1000000xf32, #tpu.memory_space<hbm>> -> memref<32x512xf32, #tpu.memory_space<hbm>>
          %dma_start3A_252 = arith.constant 0 : i32
          %dma_start3A_253 = tpu.memref_slice %arg4[%dma_start3A_252, %multiple_of3A_232] : memref<32x1000000xf32, #tpu.memory_space<hbm>> -> memref<32x512xf32, #tpu.memory_space<hbm>>
          tpu.enqueue_dma source(%dma_start3A_253 : memref<32x512xf32, #tpu.memory_space<hbm>>) target(%arg13 : memref<32x512xf32, #tpu.memory_space<vmem>>) target_semaphore(%arg22 : memref<!tpu.dma_semaphore, #tpu.memory_space<semaphore_mem>>)
        } else {
        }
        %get3A_242 = arith.index_cast %add3A_224 : i32 to index
        %get3A_243 = tpu.vector_load %arg21[%get3A_242] {strides = array<i32>} : memref<80xi32, #tpu.memory_space<vmem>>, vector<16xi32>,
        %slice3A_244 = vector.extract_strided_slice %get3A_243 {offsets = [0], sizes = [1], strides = [1]} : vector<16xi32> to vector<1xi32>
        %squeeze3A_245 = vector.extract %slice3A_244[0] : i32 from vector<1xi32>
        %gt3A_246 = arith.constant 0 : i32
        %gt3A_247 = arith.cmpi sgt, %squeeze3A_245, %gt3A_246 : i32
        %convert_element_type3A_248 = arith.extui %gt3A_247 : i1 to i32
        %cond3A_249 = arith.constant 0 : i32
        %cond3A_250 = arith.cmpi ne, %convert_element_type3A_248, %cond3A_249 : i32
        scf.if %cond3A_250 {
          %dma_start3A = arith.constant 0 : i32
          %dma_start3A_251 = tpu.memref_slice %arg5[%dma_start3A, %multiple_of3A_232] : memref<32x1000000xf32, #tpu.memory_space<hbm>> -> memref<32x512xf32, #tpu.memory_space<hbm>>
          %dma_start3A_252 = arith.constant 0 : i32
          %dma_start3A_253 = tpu.memref_slice %arg5[%dma_start3A_252, %multiple_of3A_232] : memref<32x1000000xf32, #tpu.memory_space<hbm>> -> memref<32x512xf32, #tpu.memory_space<hbm>>
          tpu.enqueue_dma source(%dma_start3A_253 : memref<32x512xf32, #tpu.memory_space<hbm>>) target(%arg14 : memref<32x512xf32, #tpu.memory_space<vmem>>) target_semaphore(%arg22 : memref<!tpu.dma_semaphore, #tpu.memory_space<semaphore_mem>>)
        } else {
        }
      } else {
      }
      %add3A_195 = arith.constant 1 : i32
      %add3A_196 = arith.addi %mul3A_134, %add3A_195 : i32
      %mul3A_197 = arith.constant 4 : i32
      %mul3A_198 = arith.muli %add3A_196, %mul3A_197 : i32
      %add3A_199 = arith.addi %mul3A_2, %mul3A_198 : i32
      %min3A_200 = arith.constant 7809 : i32
      %min3A_201 = arith.minsi %add3A_199, %min3A_200 : i32
      %mul3A_202 = arith.constant 128 : i32
      %mul3A_203 = arith.muli %min3A_201, %mul3A_202 : i32
      %multiple_of3A_204 = tpu.assume_multiple %mul3A_203, 128 : i32
      %get3A_205 = arith.index_cast %add3A_196 : i32 to index
      %get3A_206 = tpu.vector_load %arg20[%get3A_205] {strides = array<i32>} : memref<80xi32, #tpu.memory_space<vmem>>, vector<16xi32>,
      %slice3A_207 = vector.extract_strided_slice %get3A_206 {offsets = [0], sizes = [1], strides = [1]} : vector<16xi32> to vector<1xi32>
      %squeeze3A_208 = vector.extract %slice3A_207[0] : i32 from vector<1xi32>
      %gt3A_209 = arith.constant 0 : i32
      %gt3A_210 = arith.cmpi sgt, %squeeze3A_208, %gt3A_209 : i32
      %convert_element_type3A_211 = arith.extui %gt3A_210 : i1 to i32
      %cond3A_212 = arith.constant 0 : i32
      %cond3A_213 = arith.cmpi ne, %convert_element_type3A_211, %cond3A_212 : i32
      scf.if %cond3A_213 {
        %dma_wait3A = arith.constant 0 : i32
        %dma_wait3A_223 = tpu.memref_slice %arg4[%dma_wait3A, %multiple_of3A_204] : memref<32x1000000xf32, #tpu.memory_space<hbm>> -> memref<32x512xf32, #tpu.memory_space<hbm>>
        %dma_wait3A_224 = arith.constant 0 : i32
        %dma_wait3A_225 = tpu.memref_slice %arg4[%dma_wait3A_224, %multiple_of3A_204] : memref<32x1000000xf32, #tpu.memory_space<hbm>> -> memref<32x512xf32, #tpu.memory_space<hbm>>
        tpu.wait_dma2 semaphore(%arg23 : memref<!tpu.dma_semaphore, #tpu.memory_space<semaphore_mem>>) src(%dma_wait3A_225 : memref<32x512xf32, #tpu.memory_space<hbm>>) dst(%arg15 : memref<32x512xf32, #tpu.memory_space<vmem>>)
        %add3A_226 = arith.constant 16 : i32
        %add3A_227 = arith.addi %min3A_9, %add3A_226 : i32
        %sub3A_228 = arith.constant 1 : i32
        %sub3A_229 = arith.subi %add3A_227, %sub3A_228 : i32
        %jit3A_230 = arith.constant 16 : i32
        %div3A_231 = arith.divsi %sub3A_229, %jit3A_230 : i32
        %sign3A_232 = arith.constant 0 : i32
        %sign3A_233 = arith.cmpi sgt, %sub3A_229, %sign3A_232 : i32
        %sign3A_234 = arith.extui %sign3A_233 : i1 to i32
        %sign3A_235 = arith.constant 0 : i32
        %sign3A_236 = arith.cmpi slt, %sub3A_229, %sign3A_235 : i32
        %sign3A_237 = arith.extui %sign3A_236 : i1 to i32
        %sign3A_238 = arith.subi %sign3A_234, %sign3A_237 : i32
        %sign3A_239 = arith.constant 0 : i32
        %sign3A_240 = arith.cmpi sgt, %jit3A_230, %sign3A_239 : i32
        %sign3A_241 = arith.extui %sign3A_240 : i1 to i32
        %sign3A_242 = arith.constant 0 : i32
        %sign3A_243 = arith.cmpi slt, %jit3A_230, %sign3A_242 : i32
        %sign3A_244 = arith.extui %sign3A_243 : i1 to i32
        %sign3A_245 = arith.subi %sign3A_241, %sign3A_244 : i32
        %ne3A_246 = arith.cmpi ne, %sign3A_238, %sign3A_245 : i32
        %rem3A_247 = arith.remsi %sub3A_229, %jit3A_230 : i32
        %ne3A_248 = arith.constant 0 : i32
        %ne3A_249 = arith.cmpi ne, %rem3A_247, %ne3A_248 : i32
        %and3A_250 = arith.andi %ne3A_246, %ne3A_249 : i1
        %sub3A_251 = arith.constant 1 : i32
        %sub3A_252 = arith.subi %div3A_231, %sub3A_251 : i32
        %select_n3A_253 = arith.select %and3A_250, %sub3A_252, %div3A_231 : i32
        %while3A_254 = arith.constant 0 : i32
        %while3A_255 = arith.constant 0 : i32
        %while3A_256 = arith.subi %select_n3A_253, %while3A_254 : i32
        %while3A_257 = arith.addi %while3A_254, %while3A_256 : i32
        %while3A_258 = arith.constant 1 : i32
        %while3A_259 = arith.divsi %while3A_256, %while3A_258 : i32
        %while3A_260 = arith.muli %while3A_259, %while3A_258 : i32
        %while3A_261 = arith.addi %while3A_254, %while3A_260 : i32
        %while3A_262 = arith.constant 1 : i32
        %while3A_263 = scf.for %while3A_288 = %while3A_254 to %while3A_261 step %while3A_262 iter_args(%while3A_289 = %while3A_255) -> (i32)  : i32 {
          %mul3A_290 = arith.constant 16 : i32
          %mul3A_291 = arith.muli %while3A_288, %mul3A_290 : i32
          %get3A_292 = arith.index_cast %mul3A_291 : i32 to index
          %get3A_293 = tpu.vector_load %arg9[%get3A_292] {strides = array<i32>} : memref<1040xi32, #tpu.memory_space<vmem>>, vector<16xi32>,
          %mul3A_294 = arith.constant 16 : i32
          %mul3A_295 = arith.muli %while3A_288, %mul3A_294 : i32
          %get3A_296 = arith.index_cast %mul3A_295 : i32 to index
          %get3A_297 = tpu.vector_load %arg10[%get3A_296] {strides = array<i32>} : memref<1040xi32, #tpu.memory_space<vmem>>, vector<16xi32>,
          %shift_right_logical3A = arith.constant 7 : i32
          %shift_right_logical3A_298 = vector.broadcast %shift_right_logical3A : i32 to vector<16xi32>
          %shift_right_logical3A_299 = arith.shrui %get3A_293, %shift_right_logical3A_298 : vector<16xi32>
          %ge3A = vector.broadcast %min3A_201 : i32 to vector<16xi32>
          %ge3A_300 = arith.cmpi sge, %shift_right_logical3A_299, %ge3A : vector<16xi32>
          %add3A_301 = arith.constant 4 : i32
          %add3A_302 = arith.addi %min3A_201, %add3A_301 : i32
          %lt3A_303 = vector.broadcast %add3A_302 : i32 to vector<16xi32>
          %lt3A_304 = arith.cmpi slt, %shift_right_logical3A_299, %lt3A_303 : vector<16xi32>
          %and3A_305 = arith.andi %ge3A_300, %lt3A_304 : vector<16xi1>
          %mul3A_306 = arith.constant 16 : i32
          %mul3A_307 = arith.muli %while3A_288, %mul3A_306 : i32
          %add3A_308 = vector.broadcast %mul3A_307 : i32 to vector<16xi32>
          %add3A_309 = arith.addi %add3A_308, %iota3A : vector<16xi32>
          %lt3A_310 = vector.broadcast %min3A_9 : i32 to vector<16xi32>
          %lt3A_311 = arith.cmpi slt, %add3A_309, %lt3A_310 : vector<16xi32>
          %and3A_312 = arith.andi %and3A_305, %lt3A_311 : vector<16xi1>
          %min3A_313 = arith.constant 112 : i32
          %min3A_314 = arith.minsi %while3A_289, %min3A_313 : i32
          %swap3A_315 = arith.index_cast %min3A_314 : i32 to index
          %swap3A_316 = tpu.vector_load %arg17[%swap3A_315] masked %and3A_312 {strides = array<i32>} : memref<144xi32, #tpu.memory_space<vmem>>, vector<16xi32>, vector<16xi1>
          tpu.vector_store %arg17[%swap3A_315], %get3A_293 masked %and3A_312 {strides = array<i32>} : memref<144xi32, #tpu.memory_space<vmem>>, vector<16xi32>, vector<16xi1>
          %swap3A_317 = arith.index_cast %min3A_314 : i32 to index
          %swap3A_318 = tpu.vector_load %arg18[%swap3A_317] masked %and3A_312 {strides = array<i32>} : memref<144xi32, #tpu.memory_space<vmem>>, vector<16xi32>, vector<16xi1>
          tpu.vector_store %arg18[%swap3A_317], %get3A_297 masked %and3A_312 {strides = array<i32>} : memref<144xi32, #tpu.memory_space<vmem>>, vector<16xi32>, vector<16xi1>
          %all_reduce_population_count3A = tpu.all_reduce %and3A_312 {dim = 0 : i64, kind = #tpu.reduction_kind<sum>} : vector<16xi1> -> vector<16xi32>
          %slice3A_319 = vector.extract_strided_slice %all_reduce_population_count3A {offsets = [0], sizes = [1], strides = [1]} : vector<16xi32> to vector<1xi32>
          %squeeze3A_320 = vector.extract %slice3A_319[0] : i32 from vector<1xi32>
          %add3A_321 = arith.addi %while3A_289, %squeeze3A_320 : i32
          scf.yield %add3A_321 : i32
        }
        %while3A_264 = arith.constant 1 : i32
        %while3A_265 = scf.for %while3A_288 = %while3A_261 to %while3A_257 step %while3A_264 iter_args(%while3A_289 = %while3A_263) -> (i32)  : i32 {
          %mul3A_290 = arith.constant 16 : i32
          %mul3A_291 = arith.muli %while3A_288, %mul3A_290 : i32
          %get3A_292 = arith.index_cast %mul3A_291 : i32 to index
          %get3A_293 = tpu.vector_load %arg9[%get3A_292] {strides = array<i32>} : memref<1040xi32, #tpu.memory_space<vmem>>, vector<16xi32>,
          %mul3A_294 = arith.constant 16 : i32
          %mul3A_295 = arith.muli %while3A_288, %mul3A_294 : i32
          %get3A_296 = arith.index_cast %mul3A_295 : i32 to index
          %get3A_297 = tpu.vector_load %arg10[%get3A_296] {strides = array<i32>} : memref<1040xi32, #tpu.memory_space<vmem>>, vector<16xi32>,
          %shift_right_logical3A = arith.constant 7 : i32
          %shift_right_logical3A_298 = vector.broadcast %shift_right_logical3A : i32 to vector<16xi32>
          %shift_right_logical3A_299 = arith.shrui %get3A_293, %shift_right_logical3A_298 : vector<16xi32>
          %ge3A = vector.broadcast %min3A_201 : i32 to vector<16xi32>
          %ge3A_300 = arith.cmpi sge, %shift_right_logical3A_299, %ge3A : vector<16xi32>
          %add3A_301 = arith.constant 4 : i32
          %add3A_302 = arith.addi %min3A_201, %add3A_301 : i32
          %lt3A_303 = vector.broadcast %add3A_302 : i32 to vector<16xi32>
          %lt3A_304 = arith.cmpi slt, %shift_right_logical3A_299, %lt3A_303 : vector<16xi32>
          %and3A_305 = arith.andi %ge3A_300, %lt3A_304 : vector<16xi1>
          %mul3A_306 = arith.constant 16 : i32
          %mul3A_307 = arith.muli %while3A_288, %mul3A_306 : i32
          %add3A_308 = vector.broadcast %mul3A_307 : i32 to vector<16xi32>
          %add3A_309 = arith.addi %add3A_308, %iota3A : vector<16xi32>
          %lt3A_310 = vector.broadcast %min3A_9 : i32 to vector<16xi32>
          %lt3A_311 = arith.cmpi slt, %add3A_309, %lt3A_310 : vector<16xi32>
          %and3A_312 = arith.andi %and3A_305, %lt3A_311 : vector<16xi1>
          %min3A_313 = arith.constant 112 : i32
          %min3A_314 = arith.minsi %while3A_289, %min3A_313 : i32
          %swap3A_315 = arith.index_cast %min3A_314 : i32 to index
          %swap3A_316 = tpu.vector_load %arg17[%swap3A_315] masked %and3A_312 {strides = array<i32>} : memref<144xi32, #tpu.memory_space<vmem>>, vector<16xi32>, vector<16xi1>
          tpu.vector_store %arg17[%swap3A_315], %get3A_293 masked %and3A_312 {strides = array<i32>} : memref<144xi32, #tpu.memory_space<vmem>>, vector<16xi32>, vector<16xi1>
          %swap3A_317 = arith.index_cast %min3A_314 : i32 to index
          %swap3A_318 = tpu.vector_load %arg18[%swap3A_317] masked %and3A_312 {strides = array<i32>} : memref<144xi32, #tpu.memory_space<vmem>>, vector<16xi32>, vector<16xi1>
          tpu.vector_store %arg18[%swap3A_317], %get3A_297 masked %and3A_312 {strides = array<i32>} : memref<144xi32, #tpu.memory_space<vmem>>, vector<16xi32>, vector<16xi1>
          %all_reduce_population_count3A = tpu.all_reduce %and3A_312 {dim = 0 : i64, kind = #tpu.reduction_kind<sum>} : vector<16xi1> -> vector<16xi32>
          %slice3A_319 = vector.extract_strided_slice %all_reduce_population_count3A {offsets = [0], sizes = [1], strides = [1]} : vector<16xi32> to vector<1xi32>
          %squeeze3A_320 = vector.extract %slice3A_319[0] : i32 from vector<1xi32>
          %add3A_321 = arith.addi %while3A_289, %squeeze3A_320 : i32
          scf.yield %add3A_321 : i32
        }
        %min3A_266 = arith.constant 128 : i32
        %min3A_267 = arith.minsi %while3A_265, %min3A_266 : i32
        %while3A_268 = arith.constant 0 : i32
        %while3A_269 = arith.constant 0 : i32
        %while3A_270 = arith.subi %min3A_267, %while3A_269 : i32
        %while3A_271 = arith.addi %while3A_269, %while3A_270 : i32
        %while3A_272 = arith.constant 1 : i32
        %while3A_273 = arith.divsi %while3A_270, %while3A_272 : i32
        %while3A_274 = arith.muli %while3A_273, %while3A_272 : i32
        %while3A_275 = arith.addi %while3A_269, %while3A_274 : i32
        %while3A_276 = arith.constant 1 : i32
        scf.for %while3A_288 = %while3A_269 to %while3A_275 step %while3A_276  : i32 {
          %get3A_289 = arith.index_cast %while3A_288 : i32 to index
          %get3A_290 = tpu.vector_load %arg17[%get3A_289] {strides = array<i32>} : memref<144xi32, #tpu.memory_space<vmem>>, vector<16xi32>,
          %slice3A_291 = vector.extract_strided_slice %get3A_290 {offsets = [0], sizes = [1], strides = [1]} : vector<16xi32> to vector<1xi32>
          %squeeze3A_292 = vector.extract %slice3A_291[0] : i32 from vector<1xi32>
          %get3A_293 = arith.index_cast %while3A_288 : i32 to index
          %get3A_294 = tpu.vector_load %arg18[%get3A_293] {strides = array<i32>} : memref<144xi32, #tpu.memory_space<vmem>>, vector<16xi32>,
          %slice3A_295 = vector.extract_strided_slice %get3A_294 {offsets = [0], sizes = [1], strides = [1]} : vector<16xi32> to vector<1xi32>
          %squeeze3A_296 = vector.extract %slice3A_295[0] : i32 from vector<1xi32>
          %broadcast_in_dim3A_297 = arith.constant 0 : i32
          %broadcast_in_dim3A_298 = vector.broadcast %broadcast_in_dim3A_297 : i32 to vector<16xi32>
          %mul3A_299 = arith.constant 128 : i32
          %mul3A_300 = arith.muli %min3A_201, %mul3A_299 : i32
          %sub3A_301 = arith.subi %squeeze3A_292, %mul3A_300 : i32
          %add3A_302 = vector.broadcast %sub3A_301 : i32 to vector<16xi32>
          %add3A_303 = arith.addi %broadcast_in_dim3A_298, %add3A_302 : vector<16xi32>
          %gather3A = tpu.vector_load_idx %arg15[%iota3A, %add3A_303] : memref<32x512xf32, #tpu.memory_space<vmem>>[vector<16xi32>, vector<16xi32>], vector<16xf32>,
          %add3A_304 = arith.constant 16 : i32
          %add3A_305 = vector.broadcast %add3A_304 : i32 to vector<16xi32>
          %add3A_306 = arith.addi %iota3A, %add3A_305 : vector<16xi32>
          %gather3A_307 = tpu.vector_load_idx %arg15[%add3A_306, %add3A_303] : memref<32x512xf32, #tpu.memory_space<vmem>>[vector<16xi32>, vector<16xi32>], vector<16xf32>,
          %swap3A_308 = arith.index_cast %while3A_288 : i32 to index
          %swap3A_309 = arith.constant 0 : index
          %swap3A_310 = tpu.vector_load %arg19[%swap3A_308, %swap3A_309] {strides = array<i32>} : memref<128x32xf32, #tpu.memory_space<vmem>>, vector<16xf32>,
          tpu.vector_store %arg19[%swap3A_308, %swap3A_309], %gather3A {strides = array<i32>} : memref<128x32xf32, #tpu.memory_space<vmem>>, vector<16xf32>,
          %swap3A_311 = arith.index_cast %while3A_288 : i32 to index
          %swap3A_312 = arith.constant 16 : index
          %swap3A_313 = tpu.vector_load %arg19[%swap3A_311, %swap3A_312] {strides = array<i32>} : memref<128x32xf32, #tpu.memory_space<vmem>>, vector<16xf32>,
          tpu.vector_store %arg19[%swap3A_311, %swap3A_312], %gather3A_307 {strides = array<i32>} : memref<128x32xf32, #tpu.memory_space<vmem>>, vector<16xf32>,
          %dma_start3A = arith.constant 0 : i32
          %dma_start3A_314 = tpu.memref_slice %arg19[%while3A_288, %dma_start3A] : memref<128x32xf32, #tpu.memory_space<vmem>> -> memref<1x32xf32, #tpu.memory_space<vmem>>
          %dma_start3A_315 = tpu.memref_squeeze %dma_start3A_314 : memref<1x32xf32, #tpu.memory_space<vmem>> -> memref<32xf32, #tpu.memory_space<vmem>>
          %dma_start3A_316 = arith.constant 0 : i32
          %dma_start3A_317 = tpu.memref_slice %arg6[%squeeze3A_296, %dma_start3A_316] : memref<16384x32xf32, #tpu.memory_space<hbm>> -> memref<1x32xf32, #tpu.memory_space<hbm>>
          %dma_start3A_318 = tpu.memref_squeeze %dma_start3A_317 : memref<1x32xf32, #tpu.memory_space<hbm>> -> memref<32xf32, #tpu.memory_space<hbm>>
          %dma_start3A_319 = arith.constant 0 : i32
          %dma_start3A_320 = tpu.memref_slice %arg6[%squeeze3A_296, %dma_start3A_319] : memref<16384x32xf32, #tpu.memory_space<hbm>> -> memref<1x32xf32, #tpu.memory_space<hbm>>
          %dma_start3A_321 = tpu.memref_squeeze %dma_start3A_320 : memref<1x32xf32, #tpu.memory_space<hbm>> -> memref<32xf32, #tpu.memory_space<hbm>>
          %dma_start3A_322 = arith.constant 0 : i32
          %dma_start3A_323 = tpu.memref_slice %arg19[%while3A_288, %dma_start3A_322] : memref<128x32xf32, #tpu.memory_space<vmem>> -> memref<1x32xf32, #tpu.memory_space<vmem>>
          %dma_start3A_324 = tpu.memref_squeeze %dma_start3A_323 : memref<1x32xf32, #tpu.memory_space<vmem>> -> memref<32xf32, #tpu.memory_space<vmem>>
          tpu.enqueue_dma source(%dma_start3A_324 : memref<32xf32, #tpu.memory_space<vmem>>) target(%dma_start3A_321 : memref<32xf32, #tpu.memory_space<hbm>>) target_semaphore(%arg24 : memref<!tpu.dma_semaphore, #tpu.memory_space<semaphore_mem>>)
        }
        %while3A_277 = arith.constant 1 : i32
        scf.for %while3A_288 = %while3A_275 to %while3A_271 step %while3A_277  : i32 {
          %get3A_289 = arith.index_cast %while3A_288 : i32 to index
          %get3A_290 = tpu.vector_load %arg17[%get3A_289] {strides = array<i32>} : memref<144xi32, #tpu.memory_space<vmem>>, vector<16xi32>,
          %slice3A_291 = vector.extract_strided_slice %get3A_290 {offsets = [0], sizes = [1], strides = [1]} : vector<16xi32> to vector<1xi32>
          %squeeze3A_292 = vector.extract %slice3A_291[0] : i32 from vector<1xi32>
          %get3A_293 = arith.index_cast %while3A_288 : i32 to index
          %get3A_294 = tpu.vector_load %arg18[%get3A_293] {strides = array<i32>} : memref<144xi32, #tpu.memory_space<vmem>>, vector<16xi32>,
          %slice3A_295 = vector.extract_strided_slice %get3A_294 {offsets = [0], sizes = [1], strides = [1]} : vector<16xi32> to vector<1xi32>
          %squeeze3A_296 = vector.extract %slice3A_295[0] : i32 from vector<1xi32>
          %broadcast_in_dim3A_297 = arith.constant 0 : i32
          %broadcast_in_dim3A_298 = vector.broadcast %broadcast_in_dim3A_297 : i32 to vector<16xi32>
          %mul3A_299 = arith.constant 128 : i32
          %mul3A_300 = arith.muli %min3A_201, %mul3A_299 : i32
          %sub3A_301 = arith.subi %squeeze3A_292, %mul3A_300 : i32
          %add3A_302 = vector.broadcast %sub3A_301 : i32 to vector<16xi32>
          %add3A_303 = arith.addi %broadcast_in_dim3A_298, %add3A_302 : vector<16xi32>
          %gather3A = tpu.vector_load_idx %arg15[%iota3A, %add3A_303] : memref<32x512xf32, #tpu.memory_space<vmem>>[vector<16xi32>, vector<16xi32>], vector<16xf32>,
          %add3A_304 = arith.constant 16 : i32
          %add3A_305 = vector.broadcast %add3A_304 : i32 to vector<16xi32>
          %add3A_306 = arith.addi %iota3A, %add3A_305 : vector<16xi32>
          %gather3A_307 = tpu.vector_load_idx %arg15[%add3A_306, %add3A_303] : memref<32x512xf32, #tpu.memory_space<vmem>>[vector<16xi32>, vector<16xi32>], vector<16xf32>,
          %swap3A_308 = arith.index_cast %while3A_288 : i32 to index
          %swap3A_309 = arith.constant 0 : index
          %swap3A_310 = tpu.vector_load %arg19[%swap3A_308, %swap3A_309] {strides = array<i32>} : memref<128x32xf32, #tpu.memory_space<vmem>>, vector<16xf32>,
          tpu.vector_store %arg19[%swap3A_308, %swap3A_309], %gather3A {strides = array<i32>} : memref<128x32xf32, #tpu.memory_space<vmem>>, vector<16xf32>,
          %swap3A_311 = arith.index_cast %while3A_288 : i32 to index
          %swap3A_312 = arith.constant 16 : index
          %swap3A_313 = tpu.vector_load %arg19[%swap3A_311, %swap3A_312] {strides = array<i32>} : memref<128x32xf32, #tpu.memory_space<vmem>>, vector<16xf32>,
          tpu.vector_store %arg19[%swap3A_311, %swap3A_312], %gather3A_307 {strides = array<i32>} : memref<128x32xf32, #tpu.memory_space<vmem>>, vector<16xf32>,
          %dma_start3A = arith.constant 0 : i32
          %dma_start3A_314 = tpu.memref_slice %arg19[%while3A_288, %dma_start3A] : memref<128x32xf32, #tpu.memory_space<vmem>> -> memref<1x32xf32, #tpu.memory_space<vmem>>
          %dma_start3A_315 = tpu.memref_squeeze %dma_start3A_314 : memref<1x32xf32, #tpu.memory_space<vmem>> -> memref<32xf32, #tpu.memory_space<vmem>>
          %dma_start3A_316 = arith.constant 0 : i32
          %dma_start3A_317 = tpu.memref_slice %arg6[%squeeze3A_296, %dma_start3A_316] : memref<16384x32xf32, #tpu.memory_space<hbm>> -> memref<1x32xf32, #tpu.memory_space<hbm>>
          %dma_start3A_318 = tpu.memref_squeeze %dma_start3A_317 : memref<1x32xf32, #tpu.memory_space<hbm>> -> memref<32xf32, #tpu.memory_space<hbm>>
          %dma_start3A_319 = arith.constant 0 : i32
          %dma_start3A_320 = tpu.memref_slice %arg6[%squeeze3A_296, %dma_start3A_319] : memref<16384x32xf32, #tpu.memory_space<hbm>> -> memref<1x32xf32, #tpu.memory_space<hbm>>
          %dma_start3A_321 = tpu.memref_squeeze %dma_start3A_320 : memref<1x32xf32, #tpu.memory_space<hbm>> -> memref<32xf32, #tpu.memory_space<hbm>>
          %dma_start3A_322 = arith.constant 0 : i32
          %dma_start3A_323 = tpu.memref_slice %arg19[%while3A_288, %dma_start3A_322] : memref<128x32xf32, #tpu.memory_space<vmem>> -> memref<1x32xf32, #tpu.memory_space<vmem>>
          %dma_start3A_324 = tpu.memref_squeeze %dma_start3A_323 : memref<1x32xf32, #tpu.memory_space<vmem>> -> memref<32xf32, #tpu.memory_space<vmem>>
          tpu.enqueue_dma source(%dma_start3A_324 : memref<32xf32, #tpu.memory_space<vmem>>) target(%dma_start3A_321 : memref<32xf32, #tpu.memory_space<hbm>>) target_semaphore(%arg24 : memref<!tpu.dma_semaphore, #tpu.memory_space<semaphore_mem>>)
        }
        %while3A_278 = arith.constant 0 : i32
        %while3A_279 = arith.constant 0 : i32
        %while3A_280 = arith.subi %min3A_267, %while3A_279 : i32
        %while3A_281 = arith.addi %while3A_279, %while3A_280 : i32
        %while3A_282 = arith.constant 1 : i32
        %while3A_283 = arith.divsi %while3A_280, %while3A_282 : i32
        %while3A_284 = arith.muli %while3A_283, %while3A_282 : i32
        %while3A_285 = arith.addi %while3A_279, %while3A_284 : i32
        %while3A_286 = arith.constant 1 : i32
        scf.for %while3A_288 = %while3A_279 to %while3A_285 step %while3A_286  : i32 {
          %dma_wait3A_289 = arith.constant 0 : i32
          %dma_wait3A_290 = arith.constant 0 : i32
          %dma_wait3A_291 = arith.constant 0 : i32
          %dma_wait3A_292 = tpu.memref_slice %arg19[%dma_wait3A_289, %dma_wait3A_291] : memref<128x32xf32, #tpu.memory_space<vmem>> -> memref<1x32xf32, #tpu.memory_space<vmem>>
          %dma_wait3A_293 = tpu.memref_squeeze %dma_wait3A_292 : memref<1x32xf32, #tpu.memory_space<vmem>> -> memref<32xf32, #tpu.memory_space<vmem>>
          %dma_wait3A_294 = arith.constant 0 : i32
          %dma_wait3A_295 = tpu.memref_slice %arg6[%dma_wait3A_290, %dma_wait3A_294] : memref<16384x32xf32, #tpu.memory_space<hbm>> -> memref<1x32xf32, #tpu.memory_space<hbm>>
          %dma_wait3A_296 = tpu.memref_squeeze %dma_wait3A_295 : memref<1x32xf32, #tpu.memory_space<hbm>> -> memref<32xf32, #tpu.memory_space<hbm>>
          %dma_wait3A_297 = arith.constant 0 : i32
          %dma_wait3A_298 = tpu.memref_slice %arg6[%dma_wait3A_290, %dma_wait3A_297] : memref<16384x32xf32, #tpu.memory_space<hbm>> -> memref<1x32xf32, #tpu.memory_space<hbm>>
          %dma_wait3A_299 = tpu.memref_squeeze %dma_wait3A_298 : memref<1x32xf32, #tpu.memory_space<hbm>> -> memref<32xf32, #tpu.memory_space<hbm>>
          %dma_wait3A_300 = arith.constant 0 : i32
          %dma_wait3A_301 = tpu.memref_slice %arg19[%dma_wait3A_289, %dma_wait3A_300] : memref<128x32xf32, #tpu.memory_space<vmem>> -> memref<1x32xf32, #tpu.memory_space<vmem>>
          %dma_wait3A_302 = tpu.memref_squeeze %dma_wait3A_301 : memref<1x32xf32, #tpu.memory_space<vmem>> -> memref<32xf32, #tpu.memory_space<vmem>>
          tpu.wait_dma2 semaphore(%arg24 : memref<!tpu.dma_semaphore, #tpu.memory_space<semaphore_mem>>) src(%dma_wait3A_302 : memref<32xf32, #tpu.memory_space<vmem>>) dst(%dma_wait3A_299 : memref<32xf32, #tpu.memory_space<hbm>>)
        }
        %while3A_287 = arith.constant 1 : i32
        scf.for %while3A_288 = %while3A_285 to %while3A_281 step %while3A_287  : i32 {
          %dma_wait3A_289 = arith.constant 0 : i32
          %dma_wait3A_290 = arith.constant 0 : i32
          %dma_wait3A_291 = arith.constant 0 : i32
          %dma_wait3A_292 = tpu.memref_slice %arg19[%dma_wait3A_289, %dma_wait3A_291] : memref<128x32xf32, #tpu.memory_space<vmem>> -> memref<1x32xf32, #tpu.memory_space<vmem>>
          %dma_wait3A_293 = tpu.memref_squeeze %dma_wait3A_292 : memref<1x32xf32, #tpu.memory_space<vmem>> -> memref<32xf32, #tpu.memory_space<vmem>>
          %dma_wait3A_294 = arith.constant 0 : i32
          %dma_wait3A_295 = tpu.memref_slice %arg6[%dma_wait3A_290, %dma_wait3A_294] : memref<16384x32xf32, #tpu.memory_space<hbm>> -> memref<1x32xf32, #tpu.memory_space<hbm>>
          %dma_wait3A_296 = tpu.memref_squeeze %dma_wait3A_295 : memref<1x32xf32, #tpu.memory_space<hbm>> -> memref<32xf32, #tpu.memory_space<hbm>>
          %dma_wait3A_297 = arith.constant 0 : i32
          %dma_wait3A_298 = tpu.memref_slice %arg6[%dma_wait3A_290, %dma_wait3A_297] : memref<16384x32xf32, #tpu.memory_space<hbm>> -> memref<1x32xf32, #tpu.memory_space<hbm>>
          %dma_wait3A_299 = tpu.memref_squeeze %dma_wait3A_298 : memref<1x32xf32, #tpu.memory_space<hbm>> -> memref<32xf32, #tpu.memory_space<hbm>>
          %dma_wait3A_300 = arith.constant 0 : i32
          %dma_wait3A_301 = tpu.memref_slice %arg19[%dma_wait3A_289, %dma_wait3A_300] : memref<128x32xf32, #tpu.memory_space<vmem>> -> memref<1x32xf32, #tpu.memory_space<vmem>>
          %dma_wait3A_302 = tpu.memref_squeeze %dma_wait3A_301 : memref<1x32xf32, #tpu.memory_space<vmem>> -> memref<32xf32, #tpu.memory_space<vmem>>
          tpu.wait_dma2 semaphore(%arg24 : memref<!tpu.dma_semaphore, #tpu.memory_space<semaphore_mem>>) src(%dma_wait3A_302 : memref<32xf32, #tpu.memory_space<vmem>>) dst(%dma_wait3A_299 : memref<32xf32, #tpu.memory_space<hbm>>)
        }
      } else {
      }
      %get3A_214 = arith.index_cast %add3A_196 : i32 to index
      %get3A_215 = tpu.vector_load %arg21[%get3A_214] {strides = array<i32>} : memref<80xi32, #tpu.memory_space<vmem>>, vector<16xi32>,
      %slice3A_216 = vector.extract_strided_slice %get3A_215 {offsets = [0], sizes = [1], strides = [1]} : vector<16xi32> to vector<1xi32>
      %squeeze3A_217 = vector.extract %slice3A_216[0] : i32 from vector<1xi32>
      %gt3A_218 = arith.constant 0 : i32
      %gt3A_219 = arith.cmpi sgt, %squeeze3A_217, %gt3A_218 : i32
      %convert_element_type3A_220 = arith.extui %gt3A_219 : i1 to i32
      %cond3A_221 = arith.constant 0 : i32
      %cond3A_222 = arith.cmpi ne, %convert_element_type3A_220, %cond3A_221 : i32
      scf.if %cond3A_222 {
        %dma_wait3A = arith.constant 0 : i32
        %dma_wait3A_223 = tpu.memref_slice %arg5[%dma_wait3A, %multiple_of3A_204] : memref<32x1000000xf32, #tpu.memory_space<hbm>> -> memref<32x512xf32, #tpu.memory_space<hbm>>
        %dma_wait3A_224 = arith.constant 0 : i32
        %dma_wait3A_225 = tpu.memref_slice %arg5[%dma_wait3A_224, %multiple_of3A_204] : memref<32x1000000xf32, #tpu.memory_space<hbm>> -> memref<32x512xf32, #tpu.memory_space<hbm>>
        tpu.wait_dma2 semaphore(%arg23 : memref<!tpu.dma_semaphore, #tpu.memory_space<semaphore_mem>>) src(%dma_wait3A_225 : memref<32x512xf32, #tpu.memory_space<hbm>>) dst(%arg16 : memref<32x512xf32, #tpu.memory_space<vmem>>)
        %add3A_226 = arith.constant 16 : i32
        %add3A_227 = arith.addi %min3A_18, %add3A_226 : i32
        %sub3A_228 = arith.constant 1 : i32
        %sub3A_229 = arith.subi %add3A_227, %sub3A_228 : i32
        %jit3A_230 = arith.constant 16 : i32
        %div3A_231 = arith.divsi %sub3A_229, %jit3A_230 : i32
        %sign3A_232 = arith.constant 0 : i32
        %sign3A_233 = arith.cmpi sgt, %sub3A_229, %sign3A_232 : i32
        %sign3A_234 = arith.extui %sign3A_233 : i1 to i32
        %sign3A_235 = arith.constant 0 : i32
        %sign3A_236 = arith.cmpi slt, %sub3A_229, %sign3A_235 : i32
        %sign3A_237 = arith.extui %sign3A_236 : i1 to i32
        %sign3A_238 = arith.subi %sign3A_234, %sign3A_237 : i32
        %sign3A_239 = arith.constant 0 : i32
        %sign3A_240 = arith.cmpi sgt, %jit3A_230, %sign3A_239 : i32
        %sign3A_241 = arith.extui %sign3A_240 : i1 to i32
        %sign3A_242 = arith.constant 0 : i32
        %sign3A_243 = arith.cmpi slt, %jit3A_230, %sign3A_242 : i32
        %sign3A_244 = arith.extui %sign3A_243 : i1 to i32
        %sign3A_245 = arith.subi %sign3A_241, %sign3A_244 : i32
        %ne3A_246 = arith.cmpi ne, %sign3A_238, %sign3A_245 : i32
        %rem3A_247 = arith.remsi %sub3A_229, %jit3A_230 : i32
        %ne3A_248 = arith.constant 0 : i32
        %ne3A_249 = arith.cmpi ne, %rem3A_247, %ne3A_248 : i32
        %and3A_250 = arith.andi %ne3A_246, %ne3A_249 : i1
        %sub3A_251 = arith.constant 1 : i32
        %sub3A_252 = arith.subi %div3A_231, %sub3A_251 : i32
        %select_n3A_253 = arith.select %and3A_250, %sub3A_252, %div3A_231 : i32
        %while3A_254 = arith.constant 0 : i32
        %while3A_255 = arith.constant 0 : i32
        %while3A_256 = arith.subi %select_n3A_253, %while3A_254 : i32
        %while3A_257 = arith.addi %while3A_254, %while3A_256 : i32
        %while3A_258 = arith.constant 1 : i32
        %while3A_259 = arith.divsi %while3A_256, %while3A_258 : i32
        %while3A_260 = arith.muli %while3A_259, %while3A_258 : i32
        %while3A_261 = arith.addi %while3A_254, %while3A_260 : i32
        %while3A_262 = arith.constant 1 : i32
        %while3A_263 = scf.for %while3A_288 = %while3A_254 to %while3A_261 step %while3A_262 iter_args(%while3A_289 = %while3A_255) -> (i32)  : i32 {
          %mul3A_290 = arith.constant 16 : i32
          %mul3A_291 = arith.muli %while3A_288, %mul3A_290 : i32
          %get3A_292 = arith.index_cast %mul3A_291 : i32 to index
          %get3A_293 = tpu.vector_load %arg11[%get3A_292] {strides = array<i32>} : memref<1040xi32, #tpu.memory_space<vmem>>, vector<16xi32>,
          %mul3A_294 = arith.constant 16 : i32
          %mul3A_295 = arith.muli %while3A_288, %mul3A_294 : i32
          %get3A_296 = arith.index_cast %mul3A_295 : i32 to index
          %get3A_297 = tpu.vector_load %arg12[%get3A_296] {strides = array<i32>} : memref<1040xi32, #tpu.memory_space<vmem>>, vector<16xi32>,
          %shift_right_logical3A = arith.constant 7 : i32
          %shift_right_logical3A_298 = vector.broadcast %shift_right_logical3A : i32 to vector<16xi32>
          %shift_right_logical3A_299 = arith.shrui %get3A_293, %shift_right_logical3A_298 : vector<16xi32>
          %ge3A = vector.broadcast %min3A_201 : i32 to vector<16xi32>
          %ge3A_300 = arith.cmpi sge, %shift_right_logical3A_299, %ge3A : vector<16xi32>
          %add3A_301 = arith.constant 4 : i32
          %add3A_302 = arith.addi %min3A_201, %add3A_301 : i32
          %lt3A_303 = vector.broadcast %add3A_302 : i32 to vector<16xi32>
          %lt3A_304 = arith.cmpi slt, %shift_right_logical3A_299, %lt3A_303 : vector<16xi32>
          %and3A_305 = arith.andi %ge3A_300, %lt3A_304 : vector<16xi1>
          %mul3A_306 = arith.constant 16 : i32
          %mul3A_307 = arith.muli %while3A_288, %mul3A_306 : i32
          %add3A_308 = vector.broadcast %mul3A_307 : i32 to vector<16xi32>
          %add3A_309 = arith.addi %add3A_308, %iota3A : vector<16xi32>
          %lt3A_310 = vector.broadcast %min3A_18 : i32 to vector<16xi32>
          %lt3A_311 = arith.cmpi slt, %add3A_309, %lt3A_310 : vector<16xi32>
          %and3A_312 = arith.andi %and3A_305, %lt3A_311 : vector<16xi1>
          %min3A_313 = arith.constant 112 : i32
          %min3A_314 = arith.minsi %while3A_289, %min3A_313 : i32
          %swap3A_315 = arith.index_cast %min3A_314 : i32 to index
          %swap3A_316 = tpu.vector_load %arg17[%swap3A_315] masked %and3A_312 {strides = array<i32>} : memref<144xi32, #tpu.memory_space<vmem>>, vector<16xi32>, vector<16xi1>
          tpu.vector_store %arg17[%swap3A_315], %get3A_293 masked %and3A_312 {strides = array<i32>} : memref<144xi32, #tpu.memory_space<vmem>>, vector<16xi32>, vector<16xi1>
          %swap3A_317 = arith.index_cast %min3A_314 : i32 to index
          %swap3A_318 = tpu.vector_load %arg18[%swap3A_317] masked %and3A_312 {strides = array<i32>} : memref<144xi32, #tpu.memory_space<vmem>>, vector<16xi32>, vector<16xi1>
          tpu.vector_store %arg18[%swap3A_317], %get3A_297 masked %and3A_312 {strides = array<i32>} : memref<144xi32, #tpu.memory_space<vmem>>, vector<16xi32>, vector<16xi1>
          %all_reduce_population_count3A = tpu.all_reduce %and3A_312 {dim = 0 : i64, kind = #tpu.reduction_kind<sum>} : vector<16xi1> -> vector<16xi32>
          %slice3A_319 = vector.extract_strided_slice %all_reduce_population_count3A {offsets = [0], sizes = [1], strides = [1]} : vector<16xi32> to vector<1xi32>
          %squeeze3A_320 = vector.extract %slice3A_319[0] : i32 from vector<1xi32>
          %add3A_321 = arith.addi %while3A_289, %squeeze3A_320 : i32
          scf.yield %add3A_321 : i32
        }
        %while3A_264 = arith.constant 1 : i32
        %while3A_265 = scf.for %while3A_288 = %while3A_261 to %while3A_257 step %while3A_264 iter_args(%while3A_289 = %while3A_263) -> (i32)  : i32 {
          %mul3A_290 = arith.constant 16 : i32
          %mul3A_291 = arith.muli %while3A_288, %mul3A_290 : i32
          %get3A_292 = arith.index_cast %mul3A_291 : i32 to index
          %get3A_293 = tpu.vector_load %arg11[%get3A_292] {strides = array<i32>} : memref<1040xi32, #tpu.memory_space<vmem>>, vector<16xi32>,
          %mul3A_294 = arith.constant 16 : i32
          %mul3A_295 = arith.muli %while3A_288, %mul3A_294 : i32
          %get3A_296 = arith.index_cast %mul3A_295 : i32 to index
          %get3A_297 = tpu.vector_load %arg12[%get3A_296] {strides = array<i32>} : memref<1040xi32, #tpu.memory_space<vmem>>, vector<16xi32>,
          %shift_right_logical3A = arith.constant 7 : i32
          %shift_right_logical3A_298 = vector.broadcast %shift_right_logical3A : i32 to vector<16xi32>
          %shift_right_logical3A_299 = arith.shrui %get3A_293, %shift_right_logical3A_298 : vector<16xi32>
          %ge3A = vector.broadcast %min3A_201 : i32 to vector<16xi32>
          %ge3A_300 = arith.cmpi sge, %shift_right_logical3A_299, %ge3A : vector<16xi32>
          %add3A_301 = arith.constant 4 : i32
          %add3A_302 = arith.addi %min3A_201, %add3A_301 : i32
          %lt3A_303 = vector.broadcast %add3A_302 : i32 to vector<16xi32>
          %lt3A_304 = arith.cmpi slt, %shift_right_logical3A_299, %lt3A_303 : vector<16xi32>
          %and3A_305 = arith.andi %ge3A_300, %lt3A_304 : vector<16xi1>
          %mul3A_306 = arith.constant 16 : i32
          %mul3A_307 = arith.muli %while3A_288, %mul3A_306 : i32
          %add3A_308 = vector.broadcast %mul3A_307 : i32 to vector<16xi32>
          %add3A_309 = arith.addi %add3A_308, %iota3A : vector<16xi32>
          %lt3A_310 = vector.broadcast %min3A_18 : i32 to vector<16xi32>
          %lt3A_311 = arith.cmpi slt, %add3A_309, %lt3A_310 : vector<16xi32>
          %and3A_312 = arith.andi %and3A_305, %lt3A_311 : vector<16xi1>
          %min3A_313 = arith.constant 112 : i32
          %min3A_314 = arith.minsi %while3A_289, %min3A_313 : i32
          %swap3A_315 = arith.index_cast %min3A_314 : i32 to index
          %swap3A_316 = tpu.vector_load %arg17[%swap3A_315] masked %and3A_312 {strides = array<i32>} : memref<144xi32, #tpu.memory_space<vmem>>, vector<16xi32>, vector<16xi1>
          tpu.vector_store %arg17[%swap3A_315], %get3A_293 masked %and3A_312 {strides = array<i32>} : memref<144xi32, #tpu.memory_space<vmem>>, vector<16xi32>, vector<16xi1>
          %swap3A_317 = arith.index_cast %min3A_314 : i32 to index
          %swap3A_318 = tpu.vector_load %arg18[%swap3A_317] masked %and3A_312 {strides = array<i32>} : memref<144xi32, #tpu.memory_space<vmem>>, vector<16xi32>, vector<16xi1>
          tpu.vector_store %arg18[%swap3A_317], %get3A_297 masked %and3A_312 {strides = array<i32>} : memref<144xi32, #tpu.memory_space<vmem>>, vector<16xi32>, vector<16xi1>
          %all_reduce_population_count3A = tpu.all_reduce %and3A_312 {dim = 0 : i64, kind = #tpu.reduction_kind<sum>} : vector<16xi1> -> vector<16xi32>
          %slice3A_319 = vector.extract_strided_slice %all_reduce_population_count3A {offsets = [0], sizes = [1], strides = [1]} : vector<16xi32> to vector<1xi32>
          %squeeze3A_320 = vector.extract %slice3A_319[0] : i32 from vector<1xi32>
          %add3A_321 = arith.addi %while3A_289, %squeeze3A_320 : i32
          scf.yield %add3A_321 : i32
        }
        %min3A_266 = arith.constant 128 : i32
        %min3A_267 = arith.minsi %while3A_265, %min3A_266 : i32
        %while3A_268 = arith.constant 0 : i32
        %while3A_269 = arith.constant 0 : i32
        %while3A_270 = arith.subi %min3A_267, %while3A_269 : i32
        %while3A_271 = arith.addi %while3A_269, %while3A_270 : i32
        %while3A_272 = arith.constant 1 : i32
        %while3A_273 = arith.divsi %while3A_270, %while3A_272 : i32
        %while3A_274 = arith.muli %while3A_273, %while3A_272 : i32
        %while3A_275 = arith.addi %while3A_269, %while3A_274 : i32
        %while3A_276 = arith.constant 1 : i32
        scf.for %while3A_288 = %while3A_269 to %while3A_275 step %while3A_276  : i32 {
          %get3A_289 = arith.index_cast %while3A_288 : i32 to index
          %get3A_290 = tpu.vector_load %arg17[%get3A_289] {strides = array<i32>} : memref<144xi32, #tpu.memory_space<vmem>>, vector<16xi32>,
          %slice3A_291 = vector.extract_strided_slice %get3A_290 {offsets = [0], sizes = [1], strides = [1]} : vector<16xi32> to vector<1xi32>
          %squeeze3A_292 = vector.extract %slice3A_291[0] : i32 from vector<1xi32>
          %get3A_293 = arith.index_cast %while3A_288 : i32 to index
          %get3A_294 = tpu.vector_load %arg18[%get3A_293] {strides = array<i32>} : memref<144xi32, #tpu.memory_space<vmem>>, vector<16xi32>,
          %slice3A_295 = vector.extract_strided_slice %get3A_294 {offsets = [0], sizes = [1], strides = [1]} : vector<16xi32> to vector<1xi32>
          %squeeze3A_296 = vector.extract %slice3A_295[0] : i32 from vector<1xi32>
          %broadcast_in_dim3A_297 = arith.constant 0 : i32
          %broadcast_in_dim3A_298 = vector.broadcast %broadcast_in_dim3A_297 : i32 to vector<16xi32>
          %mul3A_299 = arith.constant 128 : i32
          %mul3A_300 = arith.muli %min3A_201, %mul3A_299 : i32
          %sub3A_301 = arith.subi %squeeze3A_292, %mul3A_300 : i32
          %add3A_302 = vector.broadcast %sub3A_301 : i32 to vector<16xi32>
          %add3A_303 = arith.addi %broadcast_in_dim3A_298, %add3A_302 : vector<16xi32>
          %gather3A = tpu.vector_load_idx %arg16[%iota3A, %add3A_303] : memref<32x512xf32, #tpu.memory_space<vmem>>[vector<16xi32>, vector<16xi32>], vector<16xf32>,
          %add3A_304 = arith.constant 16 : i32
          %add3A_305 = vector.broadcast %add3A_304 : i32 to vector<16xi32>
          %add3A_306 = arith.addi %iota3A, %add3A_305 : vector<16xi32>
          %gather3A_307 = tpu.vector_load_idx %arg16[%add3A_306, %add3A_303] : memref<32x512xf32, #tpu.memory_space<vmem>>[vector<16xi32>, vector<16xi32>], vector<16xf32>,
          %swap3A_308 = arith.index_cast %while3A_288 : i32 to index
          %swap3A_309 = arith.constant 0 : index
          %swap3A_310 = tpu.vector_load %arg19[%swap3A_308, %swap3A_309] {strides = array<i32>} : memref<128x32xf32, #tpu.memory_space<vmem>>, vector<16xf32>,
          tpu.vector_store %arg19[%swap3A_308, %swap3A_309], %gather3A {strides = array<i32>} : memref<128x32xf32, #tpu.memory_space<vmem>>, vector<16xf32>,
          %swap3A_311 = arith.index_cast %while3A_288 : i32 to index
          %swap3A_312 = arith.constant 16 : index
          %swap3A_313 = tpu.vector_load %arg19[%swap3A_311, %swap3A_312] {strides = array<i32>} : memref<128x32xf32, #tpu.memory_space<vmem>>, vector<16xf32>,
          tpu.vector_store %arg19[%swap3A_311, %swap3A_312], %gather3A_307 {strides = array<i32>} : memref<128x32xf32, #tpu.memory_space<vmem>>, vector<16xf32>,
          %dma_start3A = arith.constant 0 : i32
          %dma_start3A_314 = tpu.memref_slice %arg19[%while3A_288, %dma_start3A] : memref<128x32xf32, #tpu.memory_space<vmem>> -> memref<1x32xf32, #tpu.memory_space<vmem>>
          %dma_start3A_315 = tpu.memref_squeeze %dma_start3A_314 : memref<1x32xf32, #tpu.memory_space<vmem>> -> memref<32xf32, #tpu.memory_space<vmem>>
          %dma_start3A_316 = arith.constant 0 : i32
          %dma_start3A_317 = tpu.memref_slice %arg7[%squeeze3A_296, %dma_start3A_316] : memref<16384x32xf32, #tpu.memory_space<hbm>> -> memref<1x32xf32, #tpu.memory_space<hbm>>
          %dma_start3A_318 = tpu.memref_squeeze %dma_start3A_317 : memref<1x32xf32, #tpu.memory_space<hbm>> -> memref<32xf32, #tpu.memory_space<hbm>>
          %dma_start3A_319 = arith.constant 0 : i32
          %dma_start3A_320 = tpu.memref_slice %arg7[%squeeze3A_296, %dma_start3A_319] : memref<16384x32xf32, #tpu.memory_space<hbm>> -> memref<1x32xf32, #tpu.memory_space<hbm>>
          %dma_start3A_321 = tpu.memref_squeeze %dma_start3A_320 : memref<1x32xf32, #tpu.memory_space<hbm>> -> memref<32xf32, #tpu.memory_space<hbm>>
          %dma_start3A_322 = arith.constant 0 : i32
          %dma_start3A_323 = tpu.memref_slice %arg19[%while3A_288, %dma_start3A_322] : memref<128x32xf32, #tpu.memory_space<vmem>> -> memref<1x32xf32, #tpu.memory_space<vmem>>
          %dma_start3A_324 = tpu.memref_squeeze %dma_start3A_323 : memref<1x32xf32, #tpu.memory_space<vmem>> -> memref<32xf32, #tpu.memory_space<vmem>>
          tpu.enqueue_dma source(%dma_start3A_324 : memref<32xf32, #tpu.memory_space<vmem>>) target(%dma_start3A_321 : memref<32xf32, #tpu.memory_space<hbm>>) target_semaphore(%arg24 : memref<!tpu.dma_semaphore, #tpu.memory_space<semaphore_mem>>)
        }
        %while3A_277 = arith.constant 1 : i32
        scf.for %while3A_288 = %while3A_275 to %while3A_271 step %while3A_277  : i32 {
          %get3A_289 = arith.index_cast %while3A_288 : i32 to index
          %get3A_290 = tpu.vector_load %arg17[%get3A_289] {strides = array<i32>} : memref<144xi32, #tpu.memory_space<vmem>>, vector<16xi32>,
          %slice3A_291 = vector.extract_strided_slice %get3A_290 {offsets = [0], sizes = [1], strides = [1]} : vector<16xi32> to vector<1xi32>
          %squeeze3A_292 = vector.extract %slice3A_291[0] : i32 from vector<1xi32>
          %get3A_293 = arith.index_cast %while3A_288 : i32 to index
          %get3A_294 = tpu.vector_load %arg18[%get3A_293] {strides = array<i32>} : memref<144xi32, #tpu.memory_space<vmem>>, vector<16xi32>,
          %slice3A_295 = vector.extract_strided_slice %get3A_294 {offsets = [0], sizes = [1], strides = [1]} : vector<16xi32> to vector<1xi32>
          %squeeze3A_296 = vector.extract %slice3A_295[0] : i32 from vector<1xi32>
          %broadcast_in_dim3A_297 = arith.constant 0 : i32
          %broadcast_in_dim3A_298 = vector.broadcast %broadcast_in_dim3A_297 : i32 to vector<16xi32>
          %mul3A_299 = arith.constant 128 : i32
          %mul3A_300 = arith.muli %min3A_201, %mul3A_299 : i32
          %sub3A_301 = arith.subi %squeeze3A_292, %mul3A_300 : i32
          %add3A_302 = vector.broadcast %sub3A_301 : i32 to vector<16xi32>
          %add3A_303 = arith.addi %broadcast_in_dim3A_298, %add3A_302 : vector<16xi32>
          %gather3A = tpu.vector_load_idx %arg16[%iota3A, %add3A_303] : memref<32x512xf32, #tpu.memory_space<vmem>>[vector<16xi32>, vector<16xi32>], vector<16xf32>,
          %add3A_304 = arith.constant 16 : i32
          %add3A_305 = vector.broadcast %add3A_304 : i32 to vector<16xi32>
          %add3A_306 = arith.addi %iota3A, %add3A_305 : vector<16xi32>
          %gather3A_307 = tpu.vector_load_idx %arg16[%add3A_306, %add3A_303] : memref<32x512xf32, #tpu.memory_space<vmem>>[vector<16xi32>, vector<16xi32>], vector<16xf32>,
          %swap3A_308 = arith.index_cast %while3A_288 : i32 to index
          %swap3A_309 = arith.constant 0 : index
          %swap3A_310 = tpu.vector_load %arg19[%swap3A_308, %swap3A_309] {strides = array<i32>} : memref<128x32xf32, #tpu.memory_space<vmem>>, vector<16xf32>,
          tpu.vector_store %arg19[%swap3A_308, %swap3A_309], %gather3A {strides = array<i32>} : memref<128x32xf32, #tpu.memory_space<vmem>>, vector<16xf32>,
          %swap3A_311 = arith.index_cast %while3A_288 : i32 to index
          %swap3A_312 = arith.constant 16 : index
          %swap3A_313 = tpu.vector_load %arg19[%swap3A_311, %swap3A_312] {strides = array<i32>} : memref<128x32xf32, #tpu.memory_space<vmem>>, vector<16xf32>,
          tpu.vector_store %arg19[%swap3A_311, %swap3A_312], %gather3A_307 {strides = array<i32>} : memref<128x32xf32, #tpu.memory_space<vmem>>, vector<16xf32>,
          %dma_start3A = arith.constant 0 : i32
          %dma_start3A_314 = tpu.memref_slice %arg19[%while3A_288, %dma_start3A] : memref<128x32xf32, #tpu.memory_space<vmem>> -> memref<1x32xf32, #tpu.memory_space<vmem>>
          %dma_start3A_315 = tpu.memref_squeeze %dma_start3A_314 : memref<1x32xf32, #tpu.memory_space<vmem>> -> memref<32xf32, #tpu.memory_space<vmem>>
          %dma_start3A_316 = arith.constant 0 : i32
          %dma_start3A_317 = tpu.memref_slice %arg7[%squeeze3A_296, %dma_start3A_316] : memref<16384x32xf32, #tpu.memory_space<hbm>> -> memref<1x32xf32, #tpu.memory_space<hbm>>
          %dma_start3A_318 = tpu.memref_squeeze %dma_start3A_317 : memref<1x32xf32, #tpu.memory_space<hbm>> -> memref<32xf32, #tpu.memory_space<hbm>>
          %dma_start3A_319 = arith.constant 0 : i32
          %dma_start3A_320 = tpu.memref_slice %arg7[%squeeze3A_296, %dma_start3A_319] : memref<16384x32xf32, #tpu.memory_space<hbm>> -> memref<1x32xf32, #tpu.memory_space<hbm>>
          %dma_start3A_321 = tpu.memref_squeeze %dma_start3A_320 : memref<1x32xf32, #tpu.memory_space<hbm>> -> memref<32xf32, #tpu.memory_space<hbm>>
          %dma_start3A_322 = arith.constant 0 : i32
          %dma_start3A_323 = tpu.memref_slice %arg19[%while3A_288, %dma_start3A_322] : memref<128x32xf32, #tpu.memory_space<vmem>> -> memref<1x32xf32, #tpu.memory_space<vmem>>
          %dma_start3A_324 = tpu.memref_squeeze %dma_start3A_323 : memref<1x32xf32, #tpu.memory_space<vmem>> -> memref<32xf32, #tpu.memory_space<vmem>>
          tpu.enqueue_dma source(%dma_start3A_324 : memref<32xf32, #tpu.memory_space<vmem>>) target(%dma_start3A_321 : memref<32xf32, #tpu.memory_space<hbm>>) target_semaphore(%arg24 : memref<!tpu.dma_semaphore, #tpu.memory_space<semaphore_mem>>)
        }
        %while3A_278 = arith.constant 0 : i32
        %while3A_279 = arith.constant 0 : i32
        %while3A_280 = arith.subi %min3A_267, %while3A_279 : i32
        %while3A_281 = arith.addi %while3A_279, %while3A_280 : i32
        %while3A_282 = arith.constant 1 : i32
        %while3A_283 = arith.divsi %while3A_280, %while3A_282 : i32
        %while3A_284 = arith.muli %while3A_283, %while3A_282 : i32
        %while3A_285 = arith.addi %while3A_279, %while3A_284 : i32
        %while3A_286 = arith.constant 1 : i32
        scf.for %while3A_288 = %while3A_279 to %while3A_285 step %while3A_286  : i32 {
          %dma_wait3A_289 = arith.constant 0 : i32
          %dma_wait3A_290 = arith.constant 0 : i32
          %dma_wait3A_291 = arith.constant 0 : i32
          %dma_wait3A_292 = tpu.memref_slice %arg19[%dma_wait3A_289, %dma_wait3A_291] : memref<128x32xf32, #tpu.memory_space<vmem>> -> memref<1x32xf32, #tpu.memory_space<vmem>>
          %dma_wait3A_293 = tpu.memref_squeeze %dma_wait3A_292 : memref<1x32xf32, #tpu.memory_space<vmem>> -> memref<32xf32, #tpu.memory_space<vmem>>
          %dma_wait3A_294 = arith.constant 0 : i32
          %dma_wait3A_295 = tpu.memref_slice %arg7[%dma_wait3A_290, %dma_wait3A_294] : memref<16384x32xf32, #tpu.memory_space<hbm>> -> memref<1x32xf32, #tpu.memory_space<hbm>>
          %dma_wait3A_296 = tpu.memref_squeeze %dma_wait3A_295 : memref<1x32xf32, #tpu.memory_space<hbm>> -> memref<32xf32, #tpu.memory_space<hbm>>
          %dma_wait3A_297 = arith.constant 0 : i32
          %dma_wait3A_298 = tpu.memref_slice %arg7[%dma_wait3A_290, %dma_wait3A_297] : memref<16384x32xf32, #tpu.memory_space<hbm>> -> memref<1x32xf32, #tpu.memory_space<hbm>>
          %dma_wait3A_299 = tpu.memref_squeeze %dma_wait3A_298 : memref<1x32xf32, #tpu.memory_space<hbm>> -> memref<32xf32, #tpu.memory_space<hbm>>
          %dma_wait3A_300 = arith.constant 0 : i32
          %dma_wait3A_301 = tpu.memref_slice %arg19[%dma_wait3A_289, %dma_wait3A_300] : memref<128x32xf32, #tpu.memory_space<vmem>> -> memref<1x32xf32, #tpu.memory_space<vmem>>
          %dma_wait3A_302 = tpu.memref_squeeze %dma_wait3A_301 : memref<1x32xf32, #tpu.memory_space<vmem>> -> memref<32xf32, #tpu.memory_space<vmem>>
          tpu.wait_dma2 semaphore(%arg24 : memref<!tpu.dma_semaphore, #tpu.memory_space<semaphore_mem>>) src(%dma_wait3A_302 : memref<32xf32, #tpu.memory_space<vmem>>) dst(%dma_wait3A_299 : memref<32xf32, #tpu.memory_space<hbm>>)
        }
        %while3A_287 = arith.constant 1 : i32
        scf.for %while3A_288 = %while3A_285 to %while3A_281 step %while3A_287  : i32 {
          %dma_wait3A_289 = arith.constant 0 : i32
          %dma_wait3A_290 = arith.constant 0 : i32
          %dma_wait3A_291 = arith.constant 0 : i32
          %dma_wait3A_292 = tpu.memref_slice %arg19[%dma_wait3A_289, %dma_wait3A_291] : memref<128x32xf32, #tpu.memory_space<vmem>> -> memref<1x32xf32, #tpu.memory_space<vmem>>
          %dma_wait3A_293 = tpu.memref_squeeze %dma_wait3A_292 : memref<1x32xf32, #tpu.memory_space<vmem>> -> memref<32xf32, #tpu.memory_space<vmem>>
          %dma_wait3A_294 = arith.constant 0 : i32
          %dma_wait3A_295 = tpu.memref_slice %arg7[%dma_wait3A_290, %dma_wait3A_294] : memref<16384x32xf32, #tpu.memory_space<hbm>> -> memref<1x32xf32, #tpu.memory_space<hbm>>
          %dma_wait3A_296 = tpu.memref_squeeze %dma_wait3A_295 : memref<1x32xf32, #tpu.memory_space<hbm>> -> memref<32xf32, #tpu.memory_space<hbm>>
          %dma_wait3A_297 = arith.constant 0 : i32
          %dma_wait3A_298 = tpu.memref_slice %arg7[%dma_wait3A_290, %dma_wait3A_297] : memref<16384x32xf32, #tpu.memory_space<hbm>> -> memref<1x32xf32, #tpu.memory_space<hbm>>
          %dma_wait3A_299 = tpu.memref_squeeze %dma_wait3A_298 : memref<1x32xf32, #tpu.memory_space<hbm>> -> memref<32xf32, #tpu.memory_space<hbm>>
          %dma_wait3A_300 = arith.constant 0 : i32
          %dma_wait3A_301 = tpu.memref_slice %arg19[%dma_wait3A_289, %dma_wait3A_300] : memref<128x32xf32, #tpu.memory_space<vmem>> -> memref<1x32xf32, #tpu.memory_space<vmem>>
          %dma_wait3A_302 = tpu.memref_squeeze %dma_wait3A_301 : memref<1x32xf32, #tpu.memory_space<vmem>> -> memref<32xf32, #tpu.memory_space<vmem>>
          tpu.wait_dma2 semaphore(%arg24 : memref<!tpu.dma_semaphore, #tpu.memory_space<semaphore_mem>>) src(%dma_wait3A_302 : memref<32xf32, #tpu.memory_space<vmem>>) dst(%dma_wait3A_299 : memref<32xf32, #tpu.memory_space<hbm>>)
        }
      } else {
      }
    }
    %scan3A_131 = arith.constant 31 : i32
    return
  }
}

#map = affine_map<(d0, d1) -> (0, 0)>
#map1 = affine_map<(d0, d1) -> (0)>
module attributes {stable_mosaic.version = 14 : i64} {
  func.func @dot(%arg0: i32, %arg1: i32, %arg2: memref<16384x32xf32, #tpu.memory_space<hbm>>, %arg3: memref<16384x32xf32, #tpu.memory_space<hbm>>, %arg4: memref<16384xf32, #tpu.memory_space<hbm>>, %arg5: memref<256x32xf32, #tpu.memory_space<vmem>>, %arg6: memref<256x32xf32, #tpu.memory_space<vmem>>, %arg7: memref<256xf32, #tpu.memory_space<vmem>>) attributes {dimension_semantics = [#tpu.dimension_semantics<core_parallel>, #tpu.dimension_semantics<subcore_parallel>], iteration_bounds = array<i64: 2, 16>, scalar_prefetch = 0 : i64, scratch_operands = 3 : i64, tpu.core_type = #tpu.core_type<sc_vector_subcore>, window_params = [{transform_indices = #map}, {transform_indices = #map}, {transform_indices = #map1}]} {
    %mul3A = arith.constant 2 : i32
    %mul3A_0 = arith.muli %arg1, %mul3A : i32
    %add3A = arith.addi %mul3A_0, %arg0 : i32
    %mul3A_1 = arith.constant 512 : i32
    %mul3A_2 = arith.muli %add3A, %mul3A_1 : i32
    %iota3A = tpu.iota {dimensions = array<i32: 0>} : vector<16xi32>
    %scan3A = arith.constant 0 : i32
    %scan3A_3 = arith.constant 0 : i32
    %scan3A_4 = arith.constant 2 : i32
    %scan3A_5 = arith.addi %scan3A_3, %scan3A_4 : i32
    %scan3A_6 = arith.constant 1 : i32
    scf.for %scan3A_8 = %scan3A_3 to %scan3A_5 step %scan3A_6  : i32 {
      %mul3A_9 = arith.constant 256 : i32
      %mul3A_10 = arith.muli %scan3A_8, %mul3A_9 : i32
      %add3A_11 = arith.addi %mul3A_2, %mul3A_10 : i32
      "tpu.region"() ({
        %run_scoped3A = tpu.sem_alloc : memref<!tpu.dma_semaphore, #tpu.memory_space<semaphore_mem>>
        %dma_start3A = arith.constant 0 : i32
        %dma_start3A_18 = tpu.memref_slice %arg2[%add3A_11, %dma_start3A] : memref<16384x32xf32, #tpu.memory_space<hbm>> -> memref<256x32xf32, #tpu.memory_space<hbm>>
        %dma_start3A_19 = arith.constant 0 : i32
        %dma_start3A_20 = tpu.memref_slice %arg2[%add3A_11, %dma_start3A_19] : memref<16384x32xf32, #tpu.memory_space<hbm>> -> memref<256x32xf32, #tpu.memory_space<hbm>>
        tpu.enqueue_dma source(%dma_start3A_20 : memref<256x32xf32, #tpu.memory_space<hbm>>) target(%arg5 : memref<256x32xf32, #tpu.memory_space<vmem>>) target_semaphore(%run_scoped3A : memref<!tpu.dma_semaphore, #tpu.memory_space<semaphore_mem>>)
        %dma_wait3A = arith.constant 0 : i32
        %dma_wait3A_21 = tpu.memref_slice %arg2[%add3A_11, %dma_wait3A] : memref<16384x32xf32, #tpu.memory_space<hbm>> -> memref<256x32xf32, #tpu.memory_space<hbm>>
        %dma_wait3A_22 = arith.constant 0 : i32
        %dma_wait3A_23 = tpu.memref_slice %arg2[%add3A_11, %dma_wait3A_22] : memref<16384x32xf32, #tpu.memory_space<hbm>> -> memref<256x32xf32, #tpu.memory_space<hbm>>
        tpu.wait_dma2 semaphore(%run_scoped3A : memref<!tpu.dma_semaphore, #tpu.memory_space<semaphore_mem>>) src(%dma_wait3A_23 : memref<256x32xf32, #tpu.memory_space<hbm>>) dst(%arg5 : memref<256x32xf32, #tpu.memory_space<vmem>>)
        tpu.yield
      }) : () -> ()
      "tpu.region"() ({
        %run_scoped3A = tpu.sem_alloc : memref<!tpu.dma_semaphore, #tpu.memory_space<semaphore_mem>>
        %dma_start3A = arith.constant 0 : i32
        %dma_start3A_18 = tpu.memref_slice %arg3[%add3A_11, %dma_start3A] : memref<16384x32xf32, #tpu.memory_space<hbm>> -> memref<256x32xf32, #tpu.memory_space<hbm>>
        %dma_start3A_19 = arith.constant 0 : i32
        %dma_start3A_20 = tpu.memref_slice %arg3[%add3A_11, %dma_start3A_19] : memref<16384x32xf32, #tpu.memory_space<hbm>> -> memref<256x32xf32, #tpu.memory_space<hbm>>
        tpu.enqueue_dma source(%dma_start3A_20 : memref<256x32xf32, #tpu.memory_space<hbm>>) target(%arg6 : memref<256x32xf32, #tpu.memory_space<vmem>>) target_semaphore(%run_scoped3A : memref<!tpu.dma_semaphore, #tpu.memory_space<semaphore_mem>>)
        %dma_wait3A = arith.constant 0 : i32
        %dma_wait3A_21 = tpu.memref_slice %arg3[%add3A_11, %dma_wait3A] : memref<16384x32xf32, #tpu.memory_space<hbm>> -> memref<256x32xf32, #tpu.memory_space<hbm>>
        %dma_wait3A_22 = arith.constant 0 : i32
        %dma_wait3A_23 = tpu.memref_slice %arg3[%add3A_11, %dma_wait3A_22] : memref<16384x32xf32, #tpu.memory_space<hbm>> -> memref<256x32xf32, #tpu.memory_space<hbm>>
        tpu.wait_dma2 semaphore(%run_scoped3A : memref<!tpu.dma_semaphore, #tpu.memory_space<semaphore_mem>>) src(%dma_wait3A_23 : memref<256x32xf32, #tpu.memory_space<hbm>>) dst(%arg6 : memref<256x32xf32, #tpu.memory_space<vmem>>)
        tpu.yield
      }) : () -> ()
      %scan3A_12 = arith.constant 0 : i32
      %scan3A_13 = arith.constant 0 : i32
      %scan3A_14 = arith.constant 16 : i32
      %scan3A_15 = arith.addi %scan3A_13, %scan3A_14 : i32
      %scan3A_16 = arith.constant 1 : i32
      scf.for %scan3A_18 = %scan3A_13 to %scan3A_15 step %scan3A_16  : i32 {
        %broadcast_in_dim3A = arith.constant 0.000000e+00 : f32
        %broadcast_in_dim3A_19 = vector.broadcast %broadcast_in_dim3A : f32 to vector<16xf32>
        %mul3A_20 = arith.constant 16 : i32
        %mul3A_21 = arith.muli %scan3A_18, %mul3A_20 : i32
        %add3A_22 = arith.constant 0 : i32
        %add3A_23 = arith.addi %mul3A_21, %add3A_22 : i32
        %get3A = arith.index_cast %add3A_23 : i32 to index
        %get3A_24 = arith.constant 0 : index
        %get3A_25 = tpu.vector_load %arg5[%get3A, %get3A_24] {strides = array<i32>} : memref<256x32xf32, #tpu.memory_space<vmem>>, vector<16xf32>,
        %get3A_26 = arith.index_cast %add3A_23 : i32 to index
        %get3A_27 = arith.constant 16 : index
        %get3A_28 = tpu.vector_load %arg5[%get3A_26, %get3A_27] {strides = array<i32>} : memref<256x32xf32, #tpu.memory_space<vmem>>, vector<16xf32>,
        %get3A_29 = arith.index_cast %add3A_23 : i32 to index
        %get3A_30 = arith.constant 0 : index
        %get3A_31 = tpu.vector_load %arg6[%get3A_29, %get3A_30] {strides = array<i32>} : memref<256x32xf32, #tpu.memory_space<vmem>>, vector<16xf32>,
        %get3A_32 = arith.index_cast %add3A_23 : i32 to index
        %get3A_33 = arith.constant 16 : index
        %get3A_34 = tpu.vector_load %arg6[%get3A_32, %get3A_33] {strides = array<i32>} : memref<256x32xf32, #tpu.memory_space<vmem>>, vector<16xf32>,
        %mul3A_35 = arith.mulf %get3A_25, %get3A_31 : vector<16xf32>
        %mul3A_36 = arith.mulf %get3A_28, %get3A_34 : vector<16xf32>
        %add3A_37 = arith.addf %mul3A_35, %mul3A_36 : vector<16xf32>
        %reduce_sum3A = arith.constant true
        %reduce_sum3A_38 = vector.broadcast %reduce_sum3A : i1 to vector<16xi1>
        %reduce_sum3A_39 = tpu.scan <sum>, %add3A_37 masked %reduce_sum3A_38 : vector<16xf32>, vector<16xi1> -> vector<16xf32>
        %reduce_sum3A_40 = vector.extract %reduce_sum3A_39[15] : f32 from vector<16xf32>
        %eq3A = arith.constant 0 : i32
        %eq3A_41 = vector.broadcast %eq3A : i32 to vector<16xi32>
        %eq3A_42 = arith.cmpi eq, %iota3A, %eq3A_41 : vector<16xi32>
        %broadcast_in_dim3A_43 = vector.broadcast %reduce_sum3A_40 : f32 to vector<16xf32>
        %select_n3A = arith.select %eq3A_42, %broadcast_in_dim3A_43, %broadcast_in_dim3A_19 : vector<16xi1>, vector<16xf32>
        %mul3A_44 = arith.constant 16 : i32
        %mul3A_45 = arith.muli %scan3A_18, %mul3A_44 : i32
        %add3A_46 = arith.constant 1 : i32
        %add3A_47 = arith.addi %mul3A_45, %add3A_46 : i32
        %get3A_48 = arith.index_cast %add3A_47 : i32 to index
        %get3A_49 = arith.constant 0 : index
        %get3A_50 = tpu.vector_load %arg5[%get3A_48, %get3A_49] {strides = array<i32>} : memref<256x32xf32, #tpu.memory_space<vmem>>, vector<16xf32>,
        %get3A_51 = arith.index_cast %add3A_47 : i32 to index
        %get3A_52 = arith.constant 16 : index
        %get3A_53 = tpu.vector_load %arg5[%get3A_51, %get3A_52] {strides = array<i32>} : memref<256x32xf32, #tpu.memory_space<vmem>>, vector<16xf32>,
        %get3A_54 = arith.index_cast %add3A_47 : i32 to index
        %get3A_55 = arith.constant 0 : index
        %get3A_56 = tpu.vector_load %arg6[%get3A_54, %get3A_55] {strides = array<i32>} : memref<256x32xf32, #tpu.memory_space<vmem>>, vector<16xf32>,
        %get3A_57 = arith.index_cast %add3A_47 : i32 to index
        %get3A_58 = arith.constant 16 : index
        %get3A_59 = tpu.vector_load %arg6[%get3A_57, %get3A_58] {strides = array<i32>} : memref<256x32xf32, #tpu.memory_space<vmem>>, vector<16xf32>,
        %mul3A_60 = arith.mulf %get3A_50, %get3A_56 : vector<16xf32>
        %mul3A_61 = arith.mulf %get3A_53, %get3A_59 : vector<16xf32>
        %add3A_62 = arith.addf %mul3A_60, %mul3A_61 : vector<16xf32>
        %reduce_sum3A_63 = arith.constant true
        %reduce_sum3A_64 = vector.broadcast %reduce_sum3A_63 : i1 to vector<16xi1>
        %reduce_sum3A_65 = tpu.scan <sum>, %add3A_62 masked %reduce_sum3A_64 : vector<16xf32>, vector<16xi1> -> vector<16xf32>
        %reduce_sum3A_66 = vector.extract %reduce_sum3A_65[15] : f32 from vector<16xf32>
        %eq3A_67 = arith.constant 1 : i32
        %eq3A_68 = vector.broadcast %eq3A_67 : i32 to vector<16xi32>
        %eq3A_69 = arith.cmpi eq, %iota3A, %eq3A_68 : vector<16xi32>
        %broadcast_in_dim3A_70 = vector.broadcast %reduce_sum3A_66 : f32 to vector<16xf32>
        %select_n3A_71 = arith.select %eq3A_69, %broadcast_in_dim3A_70, %select_n3A : vector<16xi1>, vector<16xf32>
        %mul3A_72 = arith.constant 16 : i32
        %mul3A_73 = arith.muli %scan3A_18, %mul3A_72 : i32
        %add3A_74 = arith.constant 2 : i32
        %add3A_75 = arith.addi %mul3A_73, %add3A_74 : i32
        %get3A_76 = arith.index_cast %add3A_75 : i32 to index
        %get3A_77 = arith.constant 0 : index
        %get3A_78 = tpu.vector_load %arg5[%get3A_76, %get3A_77] {strides = array<i32>} : memref<256x32xf32, #tpu.memory_space<vmem>>, vector<16xf32>,
        %get3A_79 = arith.index_cast %add3A_75 : i32 to index
        %get3A_80 = arith.constant 16 : index
        %get3A_81 = tpu.vector_load %arg5[%get3A_79, %get3A_80] {strides = array<i32>} : memref<256x32xf32, #tpu.memory_space<vmem>>, vector<16xf32>,
        %get3A_82 = arith.index_cast %add3A_75 : i32 to index
        %get3A_83 = arith.constant 0 : index
        %get3A_84 = tpu.vector_load %arg6[%get3A_82, %get3A_83] {strides = array<i32>} : memref<256x32xf32, #tpu.memory_space<vmem>>, vector<16xf32>,
        %get3A_85 = arith.index_cast %add3A_75 : i32 to index
        %get3A_86 = arith.constant 16 : index
        %get3A_87 = tpu.vector_load %arg6[%get3A_85, %get3A_86] {strides = array<i32>} : memref<256x32xf32, #tpu.memory_space<vmem>>, vector<16xf32>,
        %mul3A_88 = arith.mulf %get3A_78, %get3A_84 : vector<16xf32>
        %mul3A_89 = arith.mulf %get3A_81, %get3A_87 : vector<16xf32>
        %add3A_90 = arith.addf %mul3A_88, %mul3A_89 : vector<16xf32>
        %reduce_sum3A_91 = arith.constant true
        %reduce_sum3A_92 = vector.broadcast %reduce_sum3A_91 : i1 to vector<16xi1>
        %reduce_sum3A_93 = tpu.scan <sum>, %add3A_90 masked %reduce_sum3A_92 : vector<16xf32>, vector<16xi1> -> vector<16xf32>
        %reduce_sum3A_94 = vector.extract %reduce_sum3A_93[15] : f32 from vector<16xf32>
        %eq3A_95 = arith.constant 2 : i32
        %eq3A_96 = vector.broadcast %eq3A_95 : i32 to vector<16xi32>
        %eq3A_97 = arith.cmpi eq, %iota3A, %eq3A_96 : vector<16xi32>
        %broadcast_in_dim3A_98 = vector.broadcast %reduce_sum3A_94 : f32 to vector<16xf32>
        %select_n3A_99 = arith.select %eq3A_97, %broadcast_in_dim3A_98, %select_n3A_71 : vector<16xi1>, vector<16xf32>
        %mul3A_100 = arith.constant 16 : i32
        %mul3A_101 = arith.muli %scan3A_18, %mul3A_100 : i32
        %add3A_102 = arith.constant 3 : i32
        %add3A_103 = arith.addi %mul3A_101, %add3A_102 : i32
        %get3A_104 = arith.index_cast %add3A_103 : i32 to index
        %get3A_105 = arith.constant 0 : index
        %get3A_106 = tpu.vector_load %arg5[%get3A_104, %get3A_105] {strides = array<i32>} : memref<256x32xf32, #tpu.memory_space<vmem>>, vector<16xf32>,
        %get3A_107 = arith.index_cast %add3A_103 : i32 to index
        %get3A_108 = arith.constant 16 : index
        %get3A_109 = tpu.vector_load %arg5[%get3A_107, %get3A_108] {strides = array<i32>} : memref<256x32xf32, #tpu.memory_space<vmem>>, vector<16xf32>,
        %get3A_110 = arith.index_cast %add3A_103 : i32 to index
        %get3A_111 = arith.constant 0 : index
        %get3A_112 = tpu.vector_load %arg6[%get3A_110, %get3A_111] {strides = array<i32>} : memref<256x32xf32, #tpu.memory_space<vmem>>, vector<16xf32>,
        %get3A_113 = arith.index_cast %add3A_103 : i32 to index
        %get3A_114 = arith.constant 16 : index
        %get3A_115 = tpu.vector_load %arg6[%get3A_113, %get3A_114] {strides = array<i32>} : memref<256x32xf32, #tpu.memory_space<vmem>>, vector<16xf32>,
        %mul3A_116 = arith.mulf %get3A_106, %get3A_112 : vector<16xf32>
        %mul3A_117 = arith.mulf %get3A_109, %get3A_115 : vector<16xf32>
        %add3A_118 = arith.addf %mul3A_116, %mul3A_117 : vector<16xf32>
        %reduce_sum3A_119 = arith.constant true
        %reduce_sum3A_120 = vector.broadcast %reduce_sum3A_119 : i1 to vector<16xi1>
        %reduce_sum3A_121 = tpu.scan <sum>, %add3A_118 masked %reduce_sum3A_120 : vector<16xf32>, vector<16xi1> -> vector<16xf32>
        %reduce_sum3A_122 = vector.extract %reduce_sum3A_121[15] : f32 from vector<16xf32>
        %eq3A_123 = arith.constant 3 : i32
        %eq3A_124 = vector.broadcast %eq3A_123 : i32 to vector<16xi32>
        %eq3A_125 = arith.cmpi eq, %iota3A, %eq3A_124 : vector<16xi32>
        %broadcast_in_dim3A_126 = vector.broadcast %reduce_sum3A_122 : f32 to vector<16xf32>
        %select_n3A_127 = arith.select %eq3A_125, %broadcast_in_dim3A_126, %select_n3A_99 : vector<16xi1>, vector<16xf32>
        %mul3A_128 = arith.constant 16 : i32
        %mul3A_129 = arith.muli %scan3A_18, %mul3A_128 : i32
        %add3A_130 = arith.constant 4 : i32
        %add3A_131 = arith.addi %mul3A_129, %add3A_130 : i32
        %get3A_132 = arith.index_cast %add3A_131 : i32 to index
        %get3A_133 = arith.constant 0 : index
        %get3A_134 = tpu.vector_load %arg5[%get3A_132, %get3A_133] {strides = array<i32>} : memref<256x32xf32, #tpu.memory_space<vmem>>, vector<16xf32>,
        %get3A_135 = arith.index_cast %add3A_131 : i32 to index
        %get3A_136 = arith.constant 16 : index
        %get3A_137 = tpu.vector_load %arg5[%get3A_135, %get3A_136] {strides = array<i32>} : memref<256x32xf32, #tpu.memory_space<vmem>>, vector<16xf32>,
        %get3A_138 = arith.index_cast %add3A_131 : i32 to index
        %get3A_139 = arith.constant 0 : index
        %get3A_140 = tpu.vector_load %arg6[%get3A_138, %get3A_139] {strides = array<i32>} : memref<256x32xf32, #tpu.memory_space<vmem>>, vector<16xf32>,
        %get3A_141 = arith.index_cast %add3A_131 : i32 to index
        %get3A_142 = arith.constant 16 : index
        %get3A_143 = tpu.vector_load %arg6[%get3A_141, %get3A_142] {strides = array<i32>} : memref<256x32xf32, #tpu.memory_space<vmem>>, vector<16xf32>,
        %mul3A_144 = arith.mulf %get3A_134, %get3A_140 : vector<16xf32>
        %mul3A_145 = arith.mulf %get3A_137, %get3A_143 : vector<16xf32>
        %add3A_146 = arith.addf %mul3A_144, %mul3A_145 : vector<16xf32>
        %reduce_sum3A_147 = arith.constant true
        %reduce_sum3A_148 = vector.broadcast %reduce_sum3A_147 : i1 to vector<16xi1>
        %reduce_sum3A_149 = tpu.scan <sum>, %add3A_146 masked %reduce_sum3A_148 : vector<16xf32>, vector<16xi1> -> vector<16xf32>
        %reduce_sum3A_150 = vector.extract %reduce_sum3A_149[15] : f32 from vector<16xf32>
        %eq3A_151 = arith.constant 4 : i32
        %eq3A_152 = vector.broadcast %eq3A_151 : i32 to vector<16xi32>
        %eq3A_153 = arith.cmpi eq, %iota3A, %eq3A_152 : vector<16xi32>
        %broadcast_in_dim3A_154 = vector.broadcast %reduce_sum3A_150 : f32 to vector<16xf32>
        %select_n3A_155 = arith.select %eq3A_153, %broadcast_in_dim3A_154, %select_n3A_127 : vector<16xi1>, vector<16xf32>
        %mul3A_156 = arith.constant 16 : i32
        %mul3A_157 = arith.muli %scan3A_18, %mul3A_156 : i32
        %add3A_158 = arith.constant 5 : i32
        %add3A_159 = arith.addi %mul3A_157, %add3A_158 : i32
        %get3A_160 = arith.index_cast %add3A_159 : i32 to index
        %get3A_161 = arith.constant 0 : index
        %get3A_162 = tpu.vector_load %arg5[%get3A_160, %get3A_161] {strides = array<i32>} : memref<256x32xf32, #tpu.memory_space<vmem>>, vector<16xf32>,
        %get3A_163 = arith.index_cast %add3A_159 : i32 to index
        %get3A_164 = arith.constant 16 : index
        %get3A_165 = tpu.vector_load %arg5[%get3A_163, %get3A_164] {strides = array<i32>} : memref<256x32xf32, #tpu.memory_space<vmem>>, vector<16xf32>,
        %get3A_166 = arith.index_cast %add3A_159 : i32 to index
        %get3A_167 = arith.constant 0 : index
        %get3A_168 = tpu.vector_load %arg6[%get3A_166, %get3A_167] {strides = array<i32>} : memref<256x32xf32, #tpu.memory_space<vmem>>, vector<16xf32>,
        %get3A_169 = arith.index_cast %add3A_159 : i32 to index
        %get3A_170 = arith.constant 16 : index
        %get3A_171 = tpu.vector_load %arg6[%get3A_169, %get3A_170] {strides = array<i32>} : memref<256x32xf32, #tpu.memory_space<vmem>>, vector<16xf32>,
        %mul3A_172 = arith.mulf %get3A_162, %get3A_168 : vector<16xf32>
        %mul3A_173 = arith.mulf %get3A_165, %get3A_171 : vector<16xf32>
        %add3A_174 = arith.addf %mul3A_172, %mul3A_173 : vector<16xf32>
        %reduce_sum3A_175 = arith.constant true
        %reduce_sum3A_176 = vector.broadcast %reduce_sum3A_175 : i1 to vector<16xi1>
        %reduce_sum3A_177 = tpu.scan <sum>, %add3A_174 masked %reduce_sum3A_176 : vector<16xf32>, vector<16xi1> -> vector<16xf32>
        %reduce_sum3A_178 = vector.extract %reduce_sum3A_177[15] : f32 from vector<16xf32>
        %eq3A_179 = arith.constant 5 : i32
        %eq3A_180 = vector.broadcast %eq3A_179 : i32 to vector<16xi32>
        %eq3A_181 = arith.cmpi eq, %iota3A, %eq3A_180 : vector<16xi32>
        %broadcast_in_dim3A_182 = vector.broadcast %reduce_sum3A_178 : f32 to vector<16xf32>
        %select_n3A_183 = arith.select %eq3A_181, %broadcast_in_dim3A_182, %select_n3A_155 : vector<16xi1>, vector<16xf32>
        %mul3A_184 = arith.constant 16 : i32
        %mul3A_185 = arith.muli %scan3A_18, %mul3A_184 : i32
        %add3A_186 = arith.constant 6 : i32
        %add3A_187 = arith.addi %mul3A_185, %add3A_186 : i32
        %get3A_188 = arith.index_cast %add3A_187 : i32 to index
        %get3A_189 = arith.constant 0 : index
        %get3A_190 = tpu.vector_load %arg5[%get3A_188, %get3A_189] {strides = array<i32>} : memref<256x32xf32, #tpu.memory_space<vmem>>, vector<16xf32>,
        %get3A_191 = arith.index_cast %add3A_187 : i32 to index
        %get3A_192 = arith.constant 16 : index
        %get3A_193 = tpu.vector_load %arg5[%get3A_191, %get3A_192] {strides = array<i32>} : memref<256x32xf32, #tpu.memory_space<vmem>>, vector<16xf32>,
        %get3A_194 = arith.index_cast %add3A_187 : i32 to index
        %get3A_195 = arith.constant 0 : index
        %get3A_196 = tpu.vector_load %arg6[%get3A_194, %get3A_195] {strides = array<i32>} : memref<256x32xf32, #tpu.memory_space<vmem>>, vector<16xf32>,
        %get3A_197 = arith.index_cast %add3A_187 : i32 to index
        %get3A_198 = arith.constant 16 : index
        %get3A_199 = tpu.vector_load %arg6[%get3A_197, %get3A_198] {strides = array<i32>} : memref<256x32xf32, #tpu.memory_space<vmem>>, vector<16xf32>,
        %mul3A_200 = arith.mulf %get3A_190, %get3A_196 : vector<16xf32>
        %mul3A_201 = arith.mulf %get3A_193, %get3A_199 : vector<16xf32>
        %add3A_202 = arith.addf %mul3A_200, %mul3A_201 : vector<16xf32>
        %reduce_sum3A_203 = arith.constant true
        %reduce_sum3A_204 = vector.broadcast %reduce_sum3A_203 : i1 to vector<16xi1>
        %reduce_sum3A_205 = tpu.scan <sum>, %add3A_202 masked %reduce_sum3A_204 : vector<16xf32>, vector<16xi1> -> vector<16xf32>
        %reduce_sum3A_206 = vector.extract %reduce_sum3A_205[15] : f32 from vector<16xf32>
        %eq3A_207 = arith.constant 6 : i32
        %eq3A_208 = vector.broadcast %eq3A_207 : i32 to vector<16xi32>
        %eq3A_209 = arith.cmpi eq, %iota3A, %eq3A_208 : vector<16xi32>
        %broadcast_in_dim3A_210 = vector.broadcast %reduce_sum3A_206 : f32 to vector<16xf32>
        %select_n3A_211 = arith.select %eq3A_209, %broadcast_in_dim3A_210, %select_n3A_183 : vector<16xi1>, vector<16xf32>
        %mul3A_212 = arith.constant 16 : i32
        %mul3A_213 = arith.muli %scan3A_18, %mul3A_212 : i32
        %add3A_214 = arith.constant 7 : i32
        %add3A_215 = arith.addi %mul3A_213, %add3A_214 : i32
        %get3A_216 = arith.index_cast %add3A_215 : i32 to index
        %get3A_217 = arith.constant 0 : index
        %get3A_218 = tpu.vector_load %arg5[%get3A_216, %get3A_217] {strides = array<i32>} : memref<256x32xf32, #tpu.memory_space<vmem>>, vector<16xf32>,
        %get3A_219 = arith.index_cast %add3A_215 : i32 to index
        %get3A_220 = arith.constant 16 : index
        %get3A_221 = tpu.vector_load %arg5[%get3A_219, %get3A_220] {strides = array<i32>} : memref<256x32xf32, #tpu.memory_space<vmem>>, vector<16xf32>,
        %get3A_222 = arith.index_cast %add3A_215 : i32 to index
        %get3A_223 = arith.constant 0 : index
        %get3A_224 = tpu.vector_load %arg6[%get3A_222, %get3A_223] {strides = array<i32>} : memref<256x32xf32, #tpu.memory_space<vmem>>, vector<16xf32>,
        %get3A_225 = arith.index_cast %add3A_215 : i32 to index
        %get3A_226 = arith.constant 16 : index
        %get3A_227 = tpu.vector_load %arg6[%get3A_225, %get3A_226] {strides = array<i32>} : memref<256x32xf32, #tpu.memory_space<vmem>>, vector<16xf32>,
        %mul3A_228 = arith.mulf %get3A_218, %get3A_224 : vector<16xf32>
        %mul3A_229 = arith.mulf %get3A_221, %get3A_227 : vector<16xf32>
        %add3A_230 = arith.addf %mul3A_228, %mul3A_229 : vector<16xf32>
        %reduce_sum3A_231 = arith.constant true
        %reduce_sum3A_232 = vector.broadcast %reduce_sum3A_231 : i1 to vector<16xi1>
        %reduce_sum3A_233 = tpu.scan <sum>, %add3A_230 masked %reduce_sum3A_232 : vector<16xf32>, vector<16xi1> -> vector<16xf32>
        %reduce_sum3A_234 = vector.extract %reduce_sum3A_233[15] : f32 from vector<16xf32>
        %eq3A_235 = arith.constant 7 : i32
        %eq3A_236 = vector.broadcast %eq3A_235 : i32 to vector<16xi32>
        %eq3A_237 = arith.cmpi eq, %iota3A, %eq3A_236 : vector<16xi32>
        %broadcast_in_dim3A_238 = vector.broadcast %reduce_sum3A_234 : f32 to vector<16xf32>
        %select_n3A_239 = arith.select %eq3A_237, %broadcast_in_dim3A_238, %select_n3A_211 : vector<16xi1>, vector<16xf32>
        %mul3A_240 = arith.constant 16 : i32
        %mul3A_241 = arith.muli %scan3A_18, %mul3A_240 : i32
        %add3A_242 = arith.constant 8 : i32
        %add3A_243 = arith.addi %mul3A_241, %add3A_242 : i32
        %get3A_244 = arith.index_cast %add3A_243 : i32 to index
        %get3A_245 = arith.constant 0 : index
        %get3A_246 = tpu.vector_load %arg5[%get3A_244, %get3A_245] {strides = array<i32>} : memref<256x32xf32, #tpu.memory_space<vmem>>, vector<16xf32>,
        %get3A_247 = arith.index_cast %add3A_243 : i32 to index
        %get3A_248 = arith.constant 16 : index
        %get3A_249 = tpu.vector_load %arg5[%get3A_247, %get3A_248] {strides = array<i32>} : memref<256x32xf32, #tpu.memory_space<vmem>>, vector<16xf32>,
        %get3A_250 = arith.index_cast %add3A_243 : i32 to index
        %get3A_251 = arith.constant 0 : index
        %get3A_252 = tpu.vector_load %arg6[%get3A_250, %get3A_251] {strides = array<i32>} : memref<256x32xf32, #tpu.memory_space<vmem>>, vector<16xf32>,
        %get3A_253 = arith.index_cast %add3A_243 : i32 to index
        %get3A_254 = arith.constant 16 : index
        %get3A_255 = tpu.vector_load %arg6[%get3A_253, %get3A_254] {strides = array<i32>} : memref<256x32xf32, #tpu.memory_space<vmem>>, vector<16xf32>,
        %mul3A_256 = arith.mulf %get3A_246, %get3A_252 : vector<16xf32>
        %mul3A_257 = arith.mulf %get3A_249, %get3A_255 : vector<16xf32>
        %add3A_258 = arith.addf %mul3A_256, %mul3A_257 : vector<16xf32>
        %reduce_sum3A_259 = arith.constant true
        %reduce_sum3A_260 = vector.broadcast %reduce_sum3A_259 : i1 to vector<16xi1>
        %reduce_sum3A_261 = tpu.scan <sum>, %add3A_258 masked %reduce_sum3A_260 : vector<16xf32>, vector<16xi1> -> vector<16xf32>
        %reduce_sum3A_262 = vector.extract %reduce_sum3A_261[15] : f32 from vector<16xf32>
        %eq3A_263 = arith.constant 8 : i32
        %eq3A_264 = vector.broadcast %eq3A_263 : i32 to vector<16xi32>
        %eq3A_265 = arith.cmpi eq, %iota3A, %eq3A_264 : vector<16xi32>
        %broadcast_in_dim3A_266 = vector.broadcast %reduce_sum3A_262 : f32 to vector<16xf32>
        %select_n3A_267 = arith.select %eq3A_265, %broadcast_in_dim3A_266, %select_n3A_239 : vector<16xi1>, vector<16xf32>
        %mul3A_268 = arith.constant 16 : i32
        %mul3A_269 = arith.muli %scan3A_18, %mul3A_268 : i32
        %add3A_270 = arith.constant 9 : i32
        %add3A_271 = arith.addi %mul3A_269, %add3A_270 : i32
        %get3A_272 = arith.index_cast %add3A_271 : i32 to index
        %get3A_273 = arith.constant 0 : index
        %get3A_274 = tpu.vector_load %arg5[%get3A_272, %get3A_273] {strides = array<i32>} : memref<256x32xf32, #tpu.memory_space<vmem>>, vector<16xf32>,
        %get3A_275 = arith.index_cast %add3A_271 : i32 to index
        %get3A_276 = arith.constant 16 : index
        %get3A_277 = tpu.vector_load %arg5[%get3A_275, %get3A_276] {strides = array<i32>} : memref<256x32xf32, #tpu.memory_space<vmem>>, vector<16xf32>,
        %get3A_278 = arith.index_cast %add3A_271 : i32 to index
        %get3A_279 = arith.constant 0 : index
        %get3A_280 = tpu.vector_load %arg6[%get3A_278, %get3A_279] {strides = array<i32>} : memref<256x32xf32, #tpu.memory_space<vmem>>, vector<16xf32>,
        %get3A_281 = arith.index_cast %add3A_271 : i32 to index
        %get3A_282 = arith.constant 16 : index
        %get3A_283 = tpu.vector_load %arg6[%get3A_281, %get3A_282] {strides = array<i32>} : memref<256x32xf32, #tpu.memory_space<vmem>>, vector<16xf32>,
        %mul3A_284 = arith.mulf %get3A_274, %get3A_280 : vector<16xf32>
        %mul3A_285 = arith.mulf %get3A_277, %get3A_283 : vector<16xf32>
        %add3A_286 = arith.addf %mul3A_284, %mul3A_285 : vector<16xf32>
        %reduce_sum3A_287 = arith.constant true
        %reduce_sum3A_288 = vector.broadcast %reduce_sum3A_287 : i1 to vector<16xi1>
        %reduce_sum3A_289 = tpu.scan <sum>, %add3A_286 masked %reduce_sum3A_288 : vector<16xf32>, vector<16xi1> -> vector<16xf32>
        %reduce_sum3A_290 = vector.extract %reduce_sum3A_289[15] : f32 from vector<16xf32>
        %eq3A_291 = arith.constant 9 : i32
        %eq3A_292 = vector.broadcast %eq3A_291 : i32 to vector<16xi32>
        %eq3A_293 = arith.cmpi eq, %iota3A, %eq3A_292 : vector<16xi32>
        %broadcast_in_dim3A_294 = vector.broadcast %reduce_sum3A_290 : f32 to vector<16xf32>
        %select_n3A_295 = arith.select %eq3A_293, %broadcast_in_dim3A_294, %select_n3A_267 : vector<16xi1>, vector<16xf32>
        %mul3A_296 = arith.constant 16 : i32
        %mul3A_297 = arith.muli %scan3A_18, %mul3A_296 : i32
        %add3A_298 = arith.constant 10 : i32
        %add3A_299 = arith.addi %mul3A_297, %add3A_298 : i32
        %get3A_300 = arith.index_cast %add3A_299 : i32 to index
        %get3A_301 = arith.constant 0 : index
        %get3A_302 = tpu.vector_load %arg5[%get3A_300, %get3A_301] {strides = array<i32>} : memref<256x32xf32, #tpu.memory_space<vmem>>, vector<16xf32>,
        %get3A_303 = arith.index_cast %add3A_299 : i32 to index
        %get3A_304 = arith.constant 16 : index
        %get3A_305 = tpu.vector_load %arg5[%get3A_303, %get3A_304] {strides = array<i32>} : memref<256x32xf32, #tpu.memory_space<vmem>>, vector<16xf32>,
        %get3A_306 = arith.index_cast %add3A_299 : i32 to index
        %get3A_307 = arith.constant 0 : index
        %get3A_308 = tpu.vector_load %arg6[%get3A_306, %get3A_307] {strides = array<i32>} : memref<256x32xf32, #tpu.memory_space<vmem>>, vector<16xf32>,
        %get3A_309 = arith.index_cast %add3A_299 : i32 to index
        %get3A_310 = arith.constant 16 : index
        %get3A_311 = tpu.vector_load %arg6[%get3A_309, %get3A_310] {strides = array<i32>} : memref<256x32xf32, #tpu.memory_space<vmem>>, vector<16xf32>,
        %mul3A_312 = arith.mulf %get3A_302, %get3A_308 : vector<16xf32>
        %mul3A_313 = arith.mulf %get3A_305, %get3A_311 : vector<16xf32>
        %add3A_314 = arith.addf %mul3A_312, %mul3A_313 : vector<16xf32>
        %reduce_sum3A_315 = arith.constant true
        %reduce_sum3A_316 = vector.broadcast %reduce_sum3A_315 : i1 to vector<16xi1>
        %reduce_sum3A_317 = tpu.scan <sum>, %add3A_314 masked %reduce_sum3A_316 : vector<16xf32>, vector<16xi1> -> vector<16xf32>
        %reduce_sum3A_318 = vector.extract %reduce_sum3A_317[15] : f32 from vector<16xf32>
        %eq3A_319 = arith.constant 10 : i32
        %eq3A_320 = vector.broadcast %eq3A_319 : i32 to vector<16xi32>
        %eq3A_321 = arith.cmpi eq, %iota3A, %eq3A_320 : vector<16xi32>
        %broadcast_in_dim3A_322 = vector.broadcast %reduce_sum3A_318 : f32 to vector<16xf32>
        %select_n3A_323 = arith.select %eq3A_321, %broadcast_in_dim3A_322, %select_n3A_295 : vector<16xi1>, vector<16xf32>
        %mul3A_324 = arith.constant 16 : i32
        %mul3A_325 = arith.muli %scan3A_18, %mul3A_324 : i32
        %add3A_326 = arith.constant 11 : i32
        %add3A_327 = arith.addi %mul3A_325, %add3A_326 : i32
        %get3A_328 = arith.index_cast %add3A_327 : i32 to index
        %get3A_329 = arith.constant 0 : index
        %get3A_330 = tpu.vector_load %arg5[%get3A_328, %get3A_329] {strides = array<i32>} : memref<256x32xf32, #tpu.memory_space<vmem>>, vector<16xf32>,
        %get3A_331 = arith.index_cast %add3A_327 : i32 to index
        %get3A_332 = arith.constant 16 : index
        %get3A_333 = tpu.vector_load %arg5[%get3A_331, %get3A_332] {strides = array<i32>} : memref<256x32xf32, #tpu.memory_space<vmem>>, vector<16xf32>,
        %get3A_334 = arith.index_cast %add3A_327 : i32 to index
        %get3A_335 = arith.constant 0 : index
        %get3A_336 = tpu.vector_load %arg6[%get3A_334, %get3A_335] {strides = array<i32>} : memref<256x32xf32, #tpu.memory_space<vmem>>, vector<16xf32>,
        %get3A_337 = arith.index_cast %add3A_327 : i32 to index
        %get3A_338 = arith.constant 16 : index
        %get3A_339 = tpu.vector_load %arg6[%get3A_337, %get3A_338] {strides = array<i32>} : memref<256x32xf32, #tpu.memory_space<vmem>>, vector<16xf32>,
        %mul3A_340 = arith.mulf %get3A_330, %get3A_336 : vector<16xf32>
        %mul3A_341 = arith.mulf %get3A_333, %get3A_339 : vector<16xf32>
        %add3A_342 = arith.addf %mul3A_340, %mul3A_341 : vector<16xf32>
        %reduce_sum3A_343 = arith.constant true
        %reduce_sum3A_344 = vector.broadcast %reduce_sum3A_343 : i1 to vector<16xi1>
        %reduce_sum3A_345 = tpu.scan <sum>, %add3A_342 masked %reduce_sum3A_344 : vector<16xf32>, vector<16xi1> -> vector<16xf32>
        %reduce_sum3A_346 = vector.extract %reduce_sum3A_345[15] : f32 from vector<16xf32>
        %eq3A_347 = arith.constant 11 : i32
        %eq3A_348 = vector.broadcast %eq3A_347 : i32 to vector<16xi32>
        %eq3A_349 = arith.cmpi eq, %iota3A, %eq3A_348 : vector<16xi32>
        %broadcast_in_dim3A_350 = vector.broadcast %reduce_sum3A_346 : f32 to vector<16xf32>
        %select_n3A_351 = arith.select %eq3A_349, %broadcast_in_dim3A_350, %select_n3A_323 : vector<16xi1>, vector<16xf32>
        %mul3A_352 = arith.constant 16 : i32
        %mul3A_353 = arith.muli %scan3A_18, %mul3A_352 : i32
        %add3A_354 = arith.constant 12 : i32
        %add3A_355 = arith.addi %mul3A_353, %add3A_354 : i32
        %get3A_356 = arith.index_cast %add3A_355 : i32 to index
        %get3A_357 = arith.constant 0 : index
        %get3A_358 = tpu.vector_load %arg5[%get3A_356, %get3A_357] {strides = array<i32>} : memref<256x32xf32, #tpu.memory_space<vmem>>, vector<16xf32>,
        %get3A_359 = arith.index_cast %add3A_355 : i32 to index
        %get3A_360 = arith.constant 16 : index
        %get3A_361 = tpu.vector_load %arg5[%get3A_359, %get3A_360] {strides = array<i32>} : memref<256x32xf32, #tpu.memory_space<vmem>>, vector<16xf32>,
        %get3A_362 = arith.index_cast %add3A_355 : i32 to index
        %get3A_363 = arith.constant 0 : index
        %get3A_364 = tpu.vector_load %arg6[%get3A_362, %get3A_363] {strides = array<i32>} : memref<256x32xf32, #tpu.memory_space<vmem>>, vector<16xf32>,
        %get3A_365 = arith.index_cast %add3A_355 : i32 to index
        %get3A_366 = arith.constant 16 : index
        %get3A_367 = tpu.vector_load %arg6[%get3A_365, %get3A_366] {strides = array<i32>} : memref<256x32xf32, #tpu.memory_space<vmem>>, vector<16xf32>,
        %mul3A_368 = arith.mulf %get3A_358, %get3A_364 : vector<16xf32>
        %mul3A_369 = arith.mulf %get3A_361, %get3A_367 : vector<16xf32>
        %add3A_370 = arith.addf %mul3A_368, %mul3A_369 : vector<16xf32>
        %reduce_sum3A_371 = arith.constant true
        %reduce_sum3A_372 = vector.broadcast %reduce_sum3A_371 : i1 to vector<16xi1>
        %reduce_sum3A_373 = tpu.scan <sum>, %add3A_370 masked %reduce_sum3A_372 : vector<16xf32>, vector<16xi1> -> vector<16xf32>
        %reduce_sum3A_374 = vector.extract %reduce_sum3A_373[15] : f32 from vector<16xf32>
        %eq3A_375 = arith.constant 12 : i32
        %eq3A_376 = vector.broadcast %eq3A_375 : i32 to vector<16xi32>
        %eq3A_377 = arith.cmpi eq, %iota3A, %eq3A_376 : vector<16xi32>
        %broadcast_in_dim3A_378 = vector.broadcast %reduce_sum3A_374 : f32 to vector<16xf32>
        %select_n3A_379 = arith.select %eq3A_377, %broadcast_in_dim3A_378, %select_n3A_351 : vector<16xi1>, vector<16xf32>
        %mul3A_380 = arith.constant 16 : i32
        %mul3A_381 = arith.muli %scan3A_18, %mul3A_380 : i32
        %add3A_382 = arith.constant 13 : i32
        %add3A_383 = arith.addi %mul3A_381, %add3A_382 : i32
        %get3A_384 = arith.index_cast %add3A_383 : i32 to index
        %get3A_385 = arith.constant 0 : index
        %get3A_386 = tpu.vector_load %arg5[%get3A_384, %get3A_385] {strides = array<i32>} : memref<256x32xf32, #tpu.memory_space<vmem>>, vector<16xf32>,
        %get3A_387 = arith.index_cast %add3A_383 : i32 to index
        %get3A_388 = arith.constant 16 : index
        %get3A_389 = tpu.vector_load %arg5[%get3A_387, %get3A_388] {strides = array<i32>} : memref<256x32xf32, #tpu.memory_space<vmem>>, vector<16xf32>,
        %get3A_390 = arith.index_cast %add3A_383 : i32 to index
        %get3A_391 = arith.constant 0 : index
        %get3A_392 = tpu.vector_load %arg6[%get3A_390, %get3A_391] {strides = array<i32>} : memref<256x32xf32, #tpu.memory_space<vmem>>, vector<16xf32>,
        %get3A_393 = arith.index_cast %add3A_383 : i32 to index
        %get3A_394 = arith.constant 16 : index
        %get3A_395 = tpu.vector_load %arg6[%get3A_393, %get3A_394] {strides = array<i32>} : memref<256x32xf32, #tpu.memory_space<vmem>>, vector<16xf32>,
        %mul3A_396 = arith.mulf %get3A_386, %get3A_392 : vector<16xf32>
        %mul3A_397 = arith.mulf %get3A_389, %get3A_395 : vector<16xf32>
        %add3A_398 = arith.addf %mul3A_396, %mul3A_397 : vector<16xf32>
        %reduce_sum3A_399 = arith.constant true
        %reduce_sum3A_400 = vector.broadcast %reduce_sum3A_399 : i1 to vector<16xi1>
        %reduce_sum3A_401 = tpu.scan <sum>, %add3A_398 masked %reduce_sum3A_400 : vector<16xf32>, vector<16xi1> -> vector<16xf32>
        %reduce_sum3A_402 = vector.extract %reduce_sum3A_401[15] : f32 from vector<16xf32>
        %eq3A_403 = arith.constant 13 : i32
        %eq3A_404 = vector.broadcast %eq3A_403 : i32 to vector<16xi32>
        %eq3A_405 = arith.cmpi eq, %iota3A, %eq3A_404 : vector<16xi32>
        %broadcast_in_dim3A_406 = vector.broadcast %reduce_sum3A_402 : f32 to vector<16xf32>
        %select_n3A_407 = arith.select %eq3A_405, %broadcast_in_dim3A_406, %select_n3A_379 : vector<16xi1>, vector<16xf32>
        %mul3A_408 = arith.constant 16 : i32
        %mul3A_409 = arith.muli %scan3A_18, %mul3A_408 : i32
        %add3A_410 = arith.constant 14 : i32
        %add3A_411 = arith.addi %mul3A_409, %add3A_410 : i32
        %get3A_412 = arith.index_cast %add3A_411 : i32 to index
        %get3A_413 = arith.constant 0 : index
        %get3A_414 = tpu.vector_load %arg5[%get3A_412, %get3A_413] {strides = array<i32>} : memref<256x32xf32, #tpu.memory_space<vmem>>, vector<16xf32>,
        %get3A_415 = arith.index_cast %add3A_411 : i32 to index
        %get3A_416 = arith.constant 16 : index
        %get3A_417 = tpu.vector_load %arg5[%get3A_415, %get3A_416] {strides = array<i32>} : memref<256x32xf32, #tpu.memory_space<vmem>>, vector<16xf32>,
        %get3A_418 = arith.index_cast %add3A_411 : i32 to index
        %get3A_419 = arith.constant 0 : index
        %get3A_420 = tpu.vector_load %arg6[%get3A_418, %get3A_419] {strides = array<i32>} : memref<256x32xf32, #tpu.memory_space<vmem>>, vector<16xf32>,
        %get3A_421 = arith.index_cast %add3A_411 : i32 to index
        %get3A_422 = arith.constant 16 : index
        %get3A_423 = tpu.vector_load %arg6[%get3A_421, %get3A_422] {strides = array<i32>} : memref<256x32xf32, #tpu.memory_space<vmem>>, vector<16xf32>,
        %mul3A_424 = arith.mulf %get3A_414, %get3A_420 : vector<16xf32>
        %mul3A_425 = arith.mulf %get3A_417, %get3A_423 : vector<16xf32>
        %add3A_426 = arith.addf %mul3A_424, %mul3A_425 : vector<16xf32>
        %reduce_sum3A_427 = arith.constant true
        %reduce_sum3A_428 = vector.broadcast %reduce_sum3A_427 : i1 to vector<16xi1>
        %reduce_sum3A_429 = tpu.scan <sum>, %add3A_426 masked %reduce_sum3A_428 : vector<16xf32>, vector<16xi1> -> vector<16xf32>
        %reduce_sum3A_430 = vector.extract %reduce_sum3A_429[15] : f32 from vector<16xf32>
        %eq3A_431 = arith.constant 14 : i32
        %eq3A_432 = vector.broadcast %eq3A_431 : i32 to vector<16xi32>
        %eq3A_433 = arith.cmpi eq, %iota3A, %eq3A_432 : vector<16xi32>
        %broadcast_in_dim3A_434 = vector.broadcast %reduce_sum3A_430 : f32 to vector<16xf32>
        %select_n3A_435 = arith.select %eq3A_433, %broadcast_in_dim3A_434, %select_n3A_407 : vector<16xi1>, vector<16xf32>
        %mul3A_436 = arith.constant 16 : i32
        %mul3A_437 = arith.muli %scan3A_18, %mul3A_436 : i32
        %add3A_438 = arith.constant 15 : i32
        %add3A_439 = arith.addi %mul3A_437, %add3A_438 : i32
        %get3A_440 = arith.index_cast %add3A_439 : i32 to index
        %get3A_441 = arith.constant 0 : index
        %get3A_442 = tpu.vector_load %arg5[%get3A_440, %get3A_441] {strides = array<i32>} : memref<256x32xf32, #tpu.memory_space<vmem>>, vector<16xf32>,
        %get3A_443 = arith.index_cast %add3A_439 : i32 to index
        %get3A_444 = arith.constant 16 : index
        %get3A_445 = tpu.vector_load %arg5[%get3A_443, %get3A_444] {strides = array<i32>} : memref<256x32xf32, #tpu.memory_space<vmem>>, vector<16xf32>,
        %get3A_446 = arith.index_cast %add3A_439 : i32 to index
        %get3A_447 = arith.constant 0 : index
        %get3A_448 = tpu.vector_load %arg6[%get3A_446, %get3A_447] {strides = array<i32>} : memref<256x32xf32, #tpu.memory_space<vmem>>, vector<16xf32>,
        %get3A_449 = arith.index_cast %add3A_439 : i32 to index
        %get3A_450 = arith.constant 16 : index
        %get3A_451 = tpu.vector_load %arg6[%get3A_449, %get3A_450] {strides = array<i32>} : memref<256x32xf32, #tpu.memory_space<vmem>>, vector<16xf32>,
        %mul3A_452 = arith.mulf %get3A_442, %get3A_448 : vector<16xf32>
        %mul3A_453 = arith.mulf %get3A_445, %get3A_451 : vector<16xf32>
        %add3A_454 = arith.addf %mul3A_452, %mul3A_453 : vector<16xf32>
        %reduce_sum3A_455 = arith.constant true
        %reduce_sum3A_456 = vector.broadcast %reduce_sum3A_455 : i1 to vector<16xi1>
        %reduce_sum3A_457 = tpu.scan <sum>, %add3A_454 masked %reduce_sum3A_456 : vector<16xf32>, vector<16xi1> -> vector<16xf32>
        %reduce_sum3A_458 = vector.extract %reduce_sum3A_457[15] : f32 from vector<16xf32>
        %eq3A_459 = arith.constant 15 : i32
        %eq3A_460 = vector.broadcast %eq3A_459 : i32 to vector<16xi32>
        %eq3A_461 = arith.cmpi eq, %iota3A, %eq3A_460 : vector<16xi32>
        %broadcast_in_dim3A_462 = vector.broadcast %reduce_sum3A_458 : f32 to vector<16xf32>
        %select_n3A_463 = arith.select %eq3A_461, %broadcast_in_dim3A_462, %select_n3A_435 : vector<16xi1>, vector<16xf32>
        %mul3A_464 = arith.constant 16 : i32
        %mul3A_465 = arith.muli %scan3A_18, %mul3A_464 : i32
        %swap3A = arith.index_cast %mul3A_465 : i32 to index
        %swap3A_466 = tpu.vector_load %arg7[%swap3A] {strides = array<i32>} : memref<256xf32, #tpu.memory_space<vmem>>, vector<16xf32>,
        tpu.vector_store %arg7[%swap3A], %select_n3A_463 {strides = array<i32>} : memref<256xf32, #tpu.memory_space<vmem>>, vector<16xf32>,
      }
      %scan3A_17 = arith.constant 16 : i32
      "tpu.region"() ({
        %run_scoped3A = tpu.sem_alloc : memref<!tpu.dma_semaphore, #tpu.memory_space<semaphore_mem>>
        %dma_start3A = tpu.memref_slice %arg4[%add3A_11] : memref<16384xf32, #tpu.memory_space<hbm>> -> memref<256xf32, #tpu.memory_space<hbm>>
        %dma_start3A_18 = tpu.memref_slice %arg4[%add3A_11] : memref<16384xf32, #tpu.memory_space<hbm>> -> memref<256xf32, #tpu.memory_space<hbm>>
        tpu.enqueue_dma source(%arg7 : memref<256xf32, #tpu.memory_space<vmem>>) target(%dma_start3A_18 : memref<256xf32, #tpu.memory_space<hbm>>) target_semaphore(%run_scoped3A : memref<!tpu.dma_semaphore, #tpu.memory_space<semaphore_mem>>)
        %dma_wait3A = tpu.memref_slice %arg4[%add3A_11] : memref<16384xf32, #tpu.memory_space<hbm>> -> memref<256xf32, #tpu.memory_space<hbm>>
        %dma_wait3A_19 = tpu.memref_slice %arg4[%add3A_11] : memref<16384xf32, #tpu.memory_space<hbm>> -> memref<256xf32, #tpu.memory_space<hbm>>
        tpu.wait_dma2 semaphore(%run_scoped3A : memref<!tpu.dma_semaphore, #tpu.memory_space<semaphore_mem>>) src(%arg7 : memref<256xf32, #tpu.memory_space<vmem>>) dst(%dma_wait3A_19 : memref<256xf32, #tpu.memory_space<hbm>>)
        tpu.yield
      }) : () -> ()
    }
    %scan3A_7 = arith.constant 2 : i32
    return
  }
}

</mosaic_0001>

<sc_bundles>
// kernel: kernel.4.cloned.1.call-start
scs
__scs_entry_jumppad:
0x0: {  	(pc) =	sbr.rel $0x88, $3  }
0x1: {  	(tag) =	ssettag $0x0;
	lr =	simm.s32 $0x1  }
0x2: {  	[smem:$0x3F9D] =	sst lr;
	_ =	strace $0xD0000000  }
0x3: {  	_ = 	snop  }
0x4: {  	_ = 	snop  }
0x5: {  	_ = 	snop  }
0x6: {  	_ = 	snop  }
0x7: {  	_ = 	snop  }
__scs_overlays_trampoline_lowered:
0x8: {  	[smem:$0x3FAC] =	sst s0  }
0x9: {  	[smem:$0x3FAD] =	sst s1  }
0xa: {  	[smem:$0x3FAE] =	sst s2  }
0xb: {  	[smem:$0x3FAF] =	sst s3  }
0xc: {  	[smem:$0x3FB0] =	sst s4  }
0xd: {  	[smem:$0x3FB1] =	sst s5  }
0xe: {  	[smem:$0x3FB2] =	sst s6  }
0xf: {  	[smem:$0x3FB3] =	sst s7  }
0x10: {  	[smem:$0x3FB4] =	sst s8  }
0x11: {  	[smem:$0x3FB5] =	sst s9;
	s0 =	simm.s32 @!p0 $0x0  }
0x12: {  	s1 =	sld [smem:$0x3F9B];
	s0 =	simm.s32 @p0 $0x1  }
0x13: {  	[smem:$0x3FB6] =	sst s0;
	s0 =	simm.s32 @!p1 $0x0  }
0x14: {  	s2 =	sld [smem:$0x3F9A];
	s0 =	simm.s32 @p1 $0x1  }
0x15: {  	[smem:$0x3FB7] =	sst s0;
	s0 =	simm.s32 @!p2 $0x0  }
0x16: {  	s3 =	sld [smem:$0x3FDB];
	s0 =	simm.s32 @p2 $0x1  }
0x17: {  	s4 =	simm.s32 $0x1BF5;
	[smem:$0x3FB9] =	sst s0  }
0x18: {  	s0 =	sld [smem:$0x3F9C];
	_ =	swait.ge [sflag:s4], $0x0  }
0x19: {  	s7 =	sld [smem:$0x3F9D]  }
0x1a: {  	s8 =	sadd.s32 $0xFFFFE003, lr  }
0x1b: {  	s9 =	sadd.s32 $0xFFFFFEF7, lr;
	s5 =	simm.s32 $0xFFFFFFFF;
	p2 =	slt.u32 s8, $0xFFFFF086  }
0x1c: {  	p1 =	slt.u32 s9, $0xF7A;
	s5 =	simm.s32 @!p2 $0x0  }
0x1d: {  	s5 =	simm.s32 @p1 $0x1;
	p0 =	seq.s32 s7, s2  }
0x1e: {  	s7 =	smul.u32 @!p0 $0xF7A, s2;
	p2 =	seq.s32 @!p0 s5, $0x0  }
0x1f: {  	s9 =	smul.u32 $0xF7A, s1;
	s8 =	simm.s32 @!p0 $0x1BF5;
	p2 =	por !p2, p0  }
0x20: {  	[sflag:s8] =	ssyncset.s32 @!p0 $0xFFFFF086;
	s6 =	sadd.s32 @!p0 s3, s7;
	s7 =	simm.s32 @!p0 $0x108  }
0x21: {  	s3 =	sadd.s32 s3, s9;
	s6 =	sadd.s32 @!p0 $0x88, s6;
	s7 =	simm.s32 @p2 $0x1082  }
0x22: {  	[simem:s7], [sflag:s8] =	dma.local @!p0 [hbm:s6], $0xF7A  }
0x23: {  	s9 =	sor.u32 $0xD0000000, s2;
	s6 =	simm.s32 $0x108;
	_ =	swait.ge @!p0 [sflag:s8], $0x0  }
0x24: {  	s3 =	sadd.s32 $0x88, s3;
	s6 =	simm.s32 @!p1 $0x1082;
	[sflag:s4] =	ssyncset.s32 $0xFFFFF086  }
0x25: {  	[simem:s6], [sflag:s4] =	dma.local [hbm:s3], $0xF7A  }
0x26: {  	[smem:$0x3F9D] =	sst s1;
	(tag) =	ssettag s2;
	_ =	strace s9  }
0x27: {  	s1 =	sld [smem:$0x3FAD]  }
0x28: {  	s2 =	sld [smem:$0x3FAE]  }
0x29: {  	s4 =	sld [smem:$0x3FB0]  }
0x2a: {  	p0 =	seq.s32 s5, $0x0;
	s5 =	sld [smem:$0x3FB1]  }
0x2b: {  	s6 =	sld [smem:$0x3FB2]  }
0x2c: {  	s7 =	sld [smem:$0x3FB3]  }
0x2d: {  	s3 =	simm.s32 $0x108;
	s8 =	sld [smem:$0x3FB4]  }
0x2e: {  	s3 =	simm.s32 @!p0 $0x1082;
	s9 =	sld [smem:$0x3FB5]  }
0x2f: {  	lr =	sadd.s32 s0, s3;
	s0 =	sld [smem:$0x3FAC]  }
0x30: {  	s3 =	sld [smem:$0x3FAF]  }
0x31: {  	[smem:$0x3FB8] =	sst s10  }
0x32: {  	s10 =	sld [smem:$0x3FB6];
	_ =	sdelay $0x3  }
0x33: {  	p0 =	seq.s32 s10, $0x1;
	s10 =	sld [smem:$0x3FB8];
	_ =	sdelay $0x3  }
0x34: {  	[smem:$0x3FB8] =	sst s10  }
0x35: {  	s10 =	sld [smem:$0x3FB7];
	_ =	sdelay $0x3  }
0x36: {  	p1 =	seq.s32 s10, $0x1;
	s10 =	sld [smem:$0x3FB8];
	_ =	sdelay $0x3  }
0x37: {  	[smem:$0x3FB8] =	sst s10  }
0x38: {  	s10 =	sld [smem:$0x3FB9]  }
0x39: {  	_ = 	snop;
	(pc) =	sbr.ind lr, $3  }
0x3a: {  	_ = 	snop  }
0x3b: {  	_ = 	snop  }
0x3c: {  	p2 =	seq.s32 s10, $0x1;
	s10 =	sld [smem:$0x3FB8]  }
0x3d: {  	_ =	shalt  }
0x3e: {  	_ =	shalt  }
0x3f: {  	_ =	shalt  }
0x40: {  	_ =	shalt  }
0x41: {  	_ =	shalt  }
0x42: {  	_ =	shalt  }
0x43: {  	_ =	shalt  }
0x44: {  	_ =	shalt  }
0x45: {  	_ =	shalt  }
0x46: {  	_ =	shalt  }
0x47: {  	_ =	shalt  }
0x48: {  	_ =	shalt  }
0x49: {  	_ =	shalt  }
0x4a: {  	_ =	shalt  }
0x4b: {  	_ =	shalt  }
0x4c: {  	_ =	shalt  }
0x4d: {  	_ =	shalt  }
0x4e: {  	_ =	shalt  }
0x4f: {  	_ =	shalt  }
0x50: {  	_ =	shalt  }
0x51: {  	_ =	shalt  }
0x52: {  	_ =	shalt  }
0x53: {  	_ =	shalt  }
0x54: {  	_ =	shalt  }
0x55: {  	_ =	shalt  }
0x56: {  	_ =	shalt  }
0x57: {  	_ =	shalt  }
0x58: {  	_ =	shalt  }
0x59: {  	_ =	shalt  }
0x5a: {  	_ =	shalt  }
0x5b: {  	_ =	shalt  }
0x5c: {  	_ =	shalt  }
0x5d: {  	_ =	shalt  }
0x5e: {  	_ =	shalt  }
0x5f: {  	_ =	shalt  }
0x60: {  	_ =	shalt  }
0x61: {  	_ =	shalt  }
0x62: {  	_ =	shalt  }
0x63: {  	_ =	shalt  }
0x64: {  	_ =	shalt  }
0x65: {  	_ =	shalt  }
0x66: {  	_ =	shalt  }
0x67: {  	_ =	shalt  }
0x68: {  	_ =	shalt  }
0x69: {  	_ =	shalt  }
0x6a: {  	_ =	shalt  }
0x6b: {  	_ =	shalt  }
0x6c: {  	_ =	shalt  }
0x6d: {  	_ =	shalt  }
0x6e: {  	_ =	shalt  }
0x6f: {  	_ =	shalt  }
0x70: {  	_ =	shalt  }
0x71: {  	_ =	shalt  }
0x72: {  	_ =	shalt  }
0x73: {  	_ =	shalt  }
0x74: {  	_ =	shalt  }
0x75: {  	_ =	shalt  }
0x76: {  	_ =	shalt  }
0x77: {  	_ =	shalt  }
0x78: {  	_ =	shalt  }
0x79: {  	_ =	shalt  }
0x7a: {  	_ =	shalt  }
0x7b: {  	_ =	shalt  }
0x7c: {  	_ =	shalt  }
0x7d: {  	_ =	shalt  }
0x7e: {  	_ =	shalt  }
0x7f: {  	_ =	shalt  }
0x80: {  	_ =	shalt  }
0x81: {  	_ =	shalt  }
0x82: {  	_ =	shalt  }
0x83: {  	_ =	shalt  }
0x84: {  	_ =	shalt  }
0x85: {  	_ =	shalt  }
0x86: {  	_ =	shalt  }
0x87: {  	_ =	shalt  }
.Lfunc_end0:
.L_simem_size_0:
called_computation_lowered:
.L_overlay_start_0:
0x88: {  	s2 =	sld [smem:$0x3FD9]  }
0x89: {  	s3 =	sld [smem:$0x3FFE];
	_ =	sdelay $0x1  }
0x8a: {  	s1 =	srdreg.scid  }
0x8b: {  	s0 =	sand.u32 $0x1, s1  }
0x8c: {  	s17 =	sshll.u32 s0, $0xA;
	s2 =	sadd.s32 s3, s2  }
0x8d: {  	s2 =	sadd.s32 s2, s17  }
0x8e: {  	[smem:$0x3FC4] =	sst s2  }
0x8f: {  	_ = 	snop  }
0x90: {  	s2 =	sld [smem:$0x3FC9]  }
0x91: {  	s18 =	sld [smem:$0x3FC8]  }
0x92: {  	s4 =	sld [smem:$0x3FC7]  }
0x93: {  	s5 =	sld [smem:$0x3FC6];
	(tm) =	ssettm $0x1  }
0x94: {  	s6 =	sld [smem:$0x3FFB];
	_ =	sdelay $0x3  }
0x95: {  	_ =	strace s6  }
0x96: {  	s6 =	sld [smem:$0x3FFC];
	_ =	sdelay $0x3  }
0x97: {  	_ =	strace s6  }
0x98: {  	s6 =	sld [smem:$0x3FFD];
	_ =	sdelay $0x3  }
0x99: {  	_ =	strace s6  }
0x9a: {  	_ =	strace $0x8FFFFFFF  }
0x9b: {  	s19 =	sld [smem:$0x3FDB];
	_ =	sdelay $0x1  }
0x9c: {  	s7 =	simm.s32 $_scs_section_size  }
0x9d: {  	s8 =	simm.s32 $_size__tile_overlayer_lowered;
	s9 =	simm.s32 $_tile_overlayer_lowered  }
0x9e: {  	s22 =	simm.s32 $0x1BFF;
	s21 =	sshll.u32 s9, $0x1;
	s6 =	sadd.s32 s7, s19  }
0x9f: {  	s10 =	simm.s32 $0x0;
	s20 =	sshll.u32 s8, $0x1;
	s8 =	sadd.s32 s21, s6  }
0xa0: {  	[timem:s10], [sflag:s22] =	dma.local [hbm:s8], s20  }
0xa1: {  	_ =	swait.ge [sflag:s22], s20  }
0xa2: {  	s7 =	ssub.s32 $0x0, s20;
	[sflag:s22] =	ssyncset.done $0x0  }
0xa3: {  	[sflag:s22] =	ssyncadd.s32 s7;
	_ =	sdelay $0x1  }
0xa4: {  	s23 =	simm.s32 $0x1B8B  }
0xa5: {  	_ =	swait.ge [sflag:s23], $0x1  }
0xa6: {  	[sflag:s23] =	ssyncset.done $0x0  }
0xa7: {  	s25 =	simm.s32 $0x1B8E;
	s24 =	sld [smem:$0x3FFE];
	[sflag:s23] =	ssyncadd.s32 $0xFFFFFFFF  }
0xa8: {  	s26 =	simm.s32 $execute0_lowered;
	[smem:$0x3FD2] =	sst s25  }
0xa9: {  	s8 =	sshll.u32 s26, $0x1;
	_ =	strace $0x80000046;
	[dreg:$0x1] =	wrdreg $0xFFFFFFFF  }
0xaa: {  	s28 =	simm.s32 $_size_execute0_lowered;
	s6 =	sadd.s32 s6, s8;
	[dreg:$0x0] =	wrdreg $0x0  }
0xab: {  	s8 =	sshll.u32 s28, $0x1;
	[dreg:$0x2] =	wrdreg s6  }
0xac: {  	[dreg:$0x3] =	wrdreg s8  }
0xad: {  	[dreg:$0x4] =	wrdreg $0xC0  }
0xae: {  	_ =	task [dreg:s10], $0x5FFFF  }
0xaf: {  	[dreg:$0x1] =	wrdreg $0xFFFFFFFF  }
0xb0: {  	[dreg:$0x0] =	wrdreg $0x60  }
0xb1: {  	[dreg:$0x2] =	wrdreg s2  }
0xb2: {  	[dreg:$0x3] =	wrdreg s18  }
0xb3: {  	[dreg:$0x4] =	wrdreg s4  }
0xb4: {  	[dreg:$0x5] =	wrdreg s5  }
0xb5: {  	[dreg:$0x6] =	wrdreg s24  }
0xb6: {  	[dreg:$0x7] =	wrdreg $0x9  }
0xb7: {  	_ =	task.clear_ibuf [dreg:s10], $0x8FFFF;
	_ =	strace $0x90000046  }
0xb8: {  	s29 =	simm.s32 $0x9;
	_ =	strace $0x80000048  }
0xb9: {  	_ =	swait.ge [sflag:s29], $0x1  }
0xba: {  	[sflag:s29] =	ssyncadd.s32 $0xFFFFFFFF  }
0xbb: {  	_ =	strace $0x90000048  }
0xbc: {  	_ =	sfence  }
0xbd: {  	s30 =	sld [smem:$0x0];
	_ =	sdelay $0x2  }
0xbe: {  	s31 =	sshll.u32 s1, $0xD;
	s1 =	sshrl.u32 s1, $0x2  }
0xbf: {  	s3 =	sand.u32 $0x4000, s31;
	s1 =	sadd.s32 s1, s30  }
0xc0: {  	s0 =	sor.u32 s3, s0;
	s1 =	sshll.u32 s1, $0x11  }
0xc1: {  	s0 =	sor.u32 s1, s0  }
0xc2: {  	s0 =	sadd.s32 $0x8F2B, s0  }
0xc3: {  	[sflag:s0] =	ssyncadd.remote.s32 $0x1  }
0xc4: {  	_ =	sfence.sel $0xFFFF  }
0xc5: {  	[dreg:$0x0] =	wrdreg $0xFFFFFFFF;
	(pc) =	sbr.abs _section_cstart, $3  }
0xc6: {  	[dreg:$0x1] =	wrdreg $0xFFFFFFFF  }
0xc7: {  	_ =	task.clear_ibuf [dreg:s10], $0x2FFFF;
	_ =	strace $0x9FFFFFFF  }
0xc8: {  	(tm) =	ssettm $0x7FFFFFFF  }
0xc9: {  	_ =	shalt  }
tec
execute0_lowered:
.L_overlay_start_1:
0x0: {  	(tag) =	ssettag $0x1  }
0x1: {  	v2 =	vlaneseq.u32  }
0x2: {  	v3 =	vimm.s32 $0x0;
	v4 =	vimm.s32 $0x1380;
	vm0 =	vcmask $0x300  }
0x3: {  	v5 =	vimm.s32 $0x3380;
	vm1 =	vcmask $0x704;
	vm15 =	vcmask $0xB08  }
0x4: {  	vm4 =	vcmask $0xF0C;
	v4 =	vsel vm0, $0x0, v4;
	v5 =	vsel vm0, $0x2000, v5  }
0x5: {  	s22 =	rddreg [dreg:$0x1];
	vm5 =	vcmask $0x1310;
	v4 =	vsel vm1, $0x80, v4;
	v5 =	vsel vm1, $0x2080, v5  }
0x6: {  	s0 =	srdreg.scid;
	s4 =	rddreg [dreg:$0x2];
	vm6 =	vcmask $0x1714;
	v4 =	vsel vm15, $0x100, v4;
	v5 =	vsel vm15, $0x2100, v5  }
0x7: {  	s1 =	stileid.u32;
	s5 =	rddreg [dreg:$0x3];
	vm7 =	vcmask $0x1B18;
	v4 =	vsel vm4, $0x180, v4;
	v5 =	vsel vm4, $0x2180, v5  }
0x8: {  	s6 =	rddreg [dreg:$0x4];
	vm8 =	vcmask $0x1F1C;
	s7 =	simm.s32 $0x0;
	s14 =	simm.s32 $0x4;
	v4 =	vsel vm5, $0x200, v4;
	v5 =	vsel vm5, $0x2200, v5  }
0x9: {  	vm9 =	vcmask $0x2320;
	s15 =	simm.s32 $0x15800;
	s16 =	simm.s32 $0x15880;
	s17 =	simm.s32 $0x1600;
	v4 =	vsel vm6, $0x280, v4;
	v5 =	vsel vm6, $0x2280, v5  }
0xa: {  	vm10 =	vcmask $0x2724;
	s18 =	simm.s32 $0x3;
	s0 =	sand.u32 $0x1, s0;
	s1 =	sshll.u32 s1, $0x1;
	v4 =	vsel vm7, $0x300, v4;
	v5 =	vsel vm7, $0x2300, v5  }
0xb: {  	vm11 =	vcmask $0x2B28;
	s19 =	simm.s32 $0x5600;
	s20 =	simm.s32 $0x9600;
	s2 =	sor.u32 s0, s1;
	v4 =	vsel vm8, $0x380, v4;
	v5 =	vsel vm8, $0x2380, v5  }
0xc: {  	vm12 =	vcmask $0x2F2C;
	s21 =	simm.s32 $0xD600;
	[smem:$0x7FF] =	sst s7;
	s1 =	smul.u32 $0xF8, s2;
	v4 =	vsel vm9, $0x1000, v4;
	v5 =	vsel vm9, $0x3000, v5  }
0xd: {  	vm13 =	vcmask $0x3330;
	s8 =	sadd.s32 $0xC00, s6;
	s0 =	ssub.s32 $0x2, s0;
	s2 =	smul.u32 $0x7C00, s2;
	v4 =	vsel vm10, $0x1080, v4;
	v5 =	vsel vm10, $0x3080, v5  }
.Ltmp0:
0xe: {  	vm14 =	vcmask $0x3734;
	s10 =	sshrl.u32 s0, $0x1;
	s3 =	sadd.s32 $0xF8, s1;
	v4 =	vsel vm11, $0x1100, v4;
	v5 =	vsel vm11, $0x3100, v5;
	(pc) =	sbr.rel .LBB2_1-.Ltmp0, $4  }
0xf: {  	s0 =	ssub.s32 s0, s10;
	s31 =	sadd.s32 s4, s2;
	v1 =	vmov s3;
	s3 =	rddreg [dreg:$0x0];
	v4 =	vsel vm12, $0x1180, v4;
	v5 =	vsel vm12, $0x3180, v5  }
0x10: {  	vm15 =	vcmask $0x3B38;
	s2 =	sadd.s32 s5, s2;
	_ =	strace $0x80000047;
	[dreg:$0x6] =	wrdreg s31;
	v4 =	vsel vm13, $0x1200, v4;
	v5 =	vsel vm13, $0x3200, v5  }
0x11: {  	s9 =	sadd.s32 $0x40C00, s6;
	v0 =	vmov s1;
	s0 =	smax.u32 s0, $0x1;
	[dreg:$0x7] =	wrdreg s2;
	v6 =	vsel vm14, $0x1280, v4;
	v7 =	vsel vm14, $0x3280, v5  }
0x12: {  	s12 =	sor.u32 $0x4, s1;
	[dreg:$0x8] =	wrdreg s0;
	s2 =	simm.s32 $0x0;
	v4 =	vimm.s32 $0x1;
	v5 =	vsel vm15, $0x1300, v6;
	v6 =	vsel vm15, $0x3300, v7  }
.LBB2_85:
0x13: {  	s2 =	rddreg [dreg:$0x9]  }
0x14: {  	s0 =	rddreg [dreg:$0x8];
	s2 =	sadd.s32 $0x1, s2  }
0x15: {  	p0 =	sne.s32 s2, s0  }
.Ltmp1:
0x16: {  	_ = 	snop;
	(pc) =	sbr.rel @!p0 .LBB2_86-.Ltmp1, $3  }
0x17: {  	_ =	sdelay $0x1  }
0x18: {  	s3 =	rddreg [dreg:$0x0]  }
0x19: {  	s22 =	rddreg [dreg:$0x1]  }
.LBB2_1:
0x1a: {  	[dreg:$0x9] =	wrdreg s2  }
0x1b: {  	s6 =	simm.s32 $0x0;
	s24 =	simm.s32 $0x0;
	s10 =	simm.s32 $0x0  }
.LBB2_2:
0x1c: {  	s0 =	sshll.u32 s10, $0x7  }
0x1d: {  	s2 =	simm.s32 $0x0;
	s0 =	sadd.s32 s3, s0  }
0x1e: {  	[tilespmem:s2], [sflag:$0x4] =	stream.linear.gather [hbm4b:s0+s2], $0x400, $0x38;
	[tilespmem:$0x15900] =	vst v63  }
0x1f: {  	_ =	swait.ge [sflag:s14], $0x400  }
0x20: {  	[sflag:s14] =	ssyncset.done $0x0  }
0x21: {  	s31 =	simm.s32 $0x0;
	[sflag:s14] =	ssyncadd.s32 $0xFFFFFC00  }
0x22: {  	v7 =	vld [tilespmem:s31+$0x0];
	_ =	sdelay $0x4  }
0x23: {  	v8 =	vshrl.u32 v7, $0x7  }
0x24: {  	vm0 =	vge.u32 v8, v0;
	vm1 =	vlt.u32 v8, v1  }
0x25: {  	vm0 =	vmand vm0, vm1  }
0x26: {  	v8 =	vmpcnt.ones.xlane vm0;
	_ =	sdelay $0x1  }
0x27: {  	(v2sf) =	vpush v8, $0x0;
	_ =	sdelay $0x1  }
0x28: {  	p0 =	slt.s32 s24, $0x3F0;
	s0 =	smov.u32 s24  }
0x29: {  	s0 =	simm.s32 @!p0 $0x3F0  }
0x2a: {  	[tilespmem:s0+$0x400] =	vst.msk vm0, v7;
	v7 =	vor.u32 s6, v2  }
0x2b: {  	s11 =	simm.s32 $0x10;
	s2 =	simm.s32 $0x80;
	[tilespmem:s0+$0x880] =	vst.msk vm0, v7;
	s0 =	smov.u32 s6  }
.LBB2_3:
0x2c: {  	p0 =	sne.s32 s2, $0xFC0;
	v7 =	vld [tilespmem:s11+$0x0];
	_ =	sdelay $0x4  }
0x2d: {  	v8 =	vshrl.u32 v7, $0x7  }
0x2e: {  	vm0 =	vge.u32 v8, v0;
	vm1 =	vlt.u32 v8, v1  }
0x2f: {  	vm0 =	vmand vm0, vm1  }
0x30: {  	v8 =	vmpcnt.ones.xlane vm0  }
0x31: {  	s11 =	spop (v2sf)  }
0x32: {  	(v2sf) =	vpush v8, $0x0;
	s24 =	sadd.s32 s24, s11  }
.Ltmp2:
0x33: {  	p1 =	slt.s32 s24, $0x3F0;
	s11 =	smov.u32 s24;
	(pc) =	sbr.rel @p0 .LBB2_3-.Ltmp2, $4  }
0x34: {  	s0 =	sadd.s32 $0x10, s0;
	s11 =	simm.s32 @!p1 $0x3F0  }
0x35: {  	v8 =	vor.u32 s0, v2;
	[tilespmem:s11+$0x400] =	vst.msk vm0, v7  }
0x36: {  	[tilespmem:s11+$0x880] =	vst.msk vm0, v8  }
0x37: {  	s11 =	sshra.s32 s2, $0x2;
	s2 =	sadd.s32 $0x40, s2  }
0x38: {  	v7 =	vld [tilespmem:s11+$0x0];
	_ =	sdelay $0x4  }
0x39: {  	v8 =	vshrl.u32 v7, $0x7  }
0x3a: {  	vm0 =	vge.u32 v8, v0;
	vm1 =	vlt.u32 v8, v1  }
0x3b: {  	vm0 =	vmand vm0, vm1  }
0x3c: {  	v8 =	vmpcnt.ones.xlane vm0;
	_ =	sdelay $0x1  }
0x3d: {  	(v2sf) =	vpush v8, $0x0;
	_ =	sdelay $0x7  }
0x3e: {  	s2 =	spop (v2sf)  }
0x3f: {  	s2 =	sadd.s32 s24, s2  }
0x40: {  	s10 =	sadd.s32 $0x1, s10;
	p0 =	slt.s32 s2, $0x3F0;
	s11 =	smov.u32 s2  }
0x41: {  	s11 =	simm.s32 @!p0 $0x3F0;
	p0 =	sne.s32 s10, $0x10  }
.Ltmp3:
0x42: {  	_ = 	snop;
	(pc) =	sbr.rel @p0 .LBB2_2-.Ltmp3, $4  }
0x43: {  	_ = 	snop  }
0x44: {  	s0 =	sadd.s32 $0x10, s0  }
0x45: {  	v8 =	vor.u32 s0, v2;
	[tilespmem:s11+$0x400] =	vst.msk vm0, v7;
	s31 =	spop (v2sf)  }
0x46: {  	s6 =	sadd.s32 $0x400, s6;
	s0 =	simm.s32 $0x0;
	[tilespmem:s11+$0x880] =	vst.msk vm0, v8;
	s24 =	sadd.s32 s2, s31  }
0x47: {  	s6 =	simm.s32 $0x0;
	s25 =	simm.s32 $0x0;
	s10 =	simm.s32 $0x0  }
.LBB2_6:
0x48: {  	s2 =	sshll.u32 s10, $0x7  }
0x49: {  	s2 =	sadd.s32 s22, s2  }
0x4a: {  	[tilespmem:s0], [sflag:$0x4] =	stream.linear.gather [hbm4b:s2+s0], $0x400, $0x38;
	[tilespmem:$0x15900] =	vst v63  }
0x4b: {  	_ =	swait.ge [sflag:s14], $0x400  }
0x4c: {  	[sflag:s14] =	ssyncset.done $0x0  }
0x4d: {  	s31 =	simm.s32 $0x0;
	[sflag:s14] =	ssyncadd.s32 $0xFFFFFC00  }
0x4e: {  	v7 =	vld [tilespmem:s31+$0x0];
	_ =	sdelay $0x4  }
0x4f: {  	v8 =	vshrl.u32 v7, $0x7  }
0x50: {  	vm0 =	vge.u32 v8, v0;
	vm1 =	vlt.u32 v8, v1  }
0x51: {  	vm0 =	vmand vm0, vm1  }
0x52: {  	v8 =	vmpcnt.ones.xlane vm0;
	_ =	sdelay $0x1  }
0x53: {  	(v2sf) =	vpush v8, $0x0;
	_ =	sdelay $0x1  }
0x54: {  	p0 =	slt.s32 s25, $0x3F0;
	s2 =	smov.u32 s25  }
0x55: {  	s2 =	simm.s32 @!p0 $0x3F0  }
0x56: {  	[tilespmem:s2+$0xD00] =	vst.msk vm0, v7;
	v7 =	vor.u32 s6, v2  }
0x57: {  	s13 =	simm.s32 $0x10;
	s11 =	simm.s32 $0x80;
	[tilespmem:s2+$0x1180] =	vst.msk vm0, v7;
	s2 =	smov.u32 s6  }
.LBB2_7:
0x58: {  	p0 =	sne.s32 s11, $0xFC0;
	v7 =	vld [tilespmem:s13+$0x0];
	_ =	sdelay $0x4  }
0x59: {  	v8 =	vshrl.u32 v7, $0x7  }
0x5a: {  	vm0 =	vge.u32 v8, v0;
	vm1 =	vlt.u32 v8, v1  }
0x5b: {  	vm0 =	vmand vm0, vm1  }
0x5c: {  	v8 =	vmpcnt.ones.xlane vm0  }
0x5d: {  	s13 =	spop (v2sf)  }
0x5e: {  	(v2sf) =	vpush v8, $0x0;
	s25 =	sadd.s32 s25, s13  }
.Ltmp4:
0x5f: {  	p1 =	slt.s32 s25, $0x3F0;
	s13 =	smov.u32 s25;
	(pc) =	sbr.rel @p0 .LBB2_7-.Ltmp4, $4  }
0x60: {  	s2 =	sadd.s32 $0x10, s2;
	s13 =	simm.s32 @!p1 $0x3F0  }
0x61: {  	v8 =	vor.u32 s2, v2;
	[tilespmem:s13+$0xD00] =	vst.msk vm0, v7  }
0x62: {  	[tilespmem:s13+$0x1180] =	vst.msk vm0, v8  }
0x63: {  	s13 =	sshra.s32 s11, $0x2;
	s11 =	sadd.s32 $0x40, s11  }
0x64: {  	v7 =	vld [tilespmem:s13+$0x0];
	_ =	sdelay $0x4  }
0x65: {  	v8 =	vshrl.u32 v7, $0x7  }
0x66: {  	vm0 =	vge.u32 v8, v0;
	vm1 =	vlt.u32 v8, v1  }
0x67: {  	vm0 =	vmand vm0, vm1  }
0x68: {  	v8 =	vmpcnt.ones.xlane vm0;
	_ =	sdelay $0x1  }
0x69: {  	(v2sf) =	vpush v8, $0x0;
	_ =	sdelay $0x7  }
0x6a: {  	s11 =	spop (v2sf)  }
0x6b: {  	s11 =	sadd.s32 s25, s11  }
0x6c: {  	s10 =	sadd.s32 $0x1, s10;
	p0 =	slt.s32 s11, $0x3F0;
	s13 =	smov.u32 s11  }
0x6d: {  	s13 =	simm.s32 @!p0 $0x3F0;
	p0 =	sne.s32 s10, $0x10  }
.Ltmp5:
0x6e: {  	_ = 	snop;
	(pc) =	sbr.rel @p0 .LBB2_6-.Ltmp5, $4  }
0x6f: {  	_ = 	snop  }
0x70: {  	s2 =	sadd.s32 $0x10, s2  }
0x71: {  	v8 =	vor.u32 s2, v2;
	[tilespmem:s13+$0xD00] =	vst.msk vm0, v7;
	s31 =	spop (v2sf)  }
0x72: {  	s6 =	sadd.s32 $0x400, s6;
	[tilespmem:s13+$0x1180] =	vst.msk vm0, v8;
	s25 =	sadd.s32 s11, s31  }
0x73: {  	p0 =	slt.s32 s24, $0x400  }
0x74: {  	p1 =	slt.s32 s24, $0xFFFFFFF2;
	s24 =	simm.s32 @!p0 $0x400  }
0x75: {  	s0 =	sadd.s32 $0xF, s24  }
0x76: {  	s2 =	sand.u32 $0xF, s0  }
0x77: {  	s31 =	sshra.s32 s0, $0x1F;
	p6 =	sne.s32 s2, $0x0  }
0x78: {  	s2 =	sshrl.u32 s31, $0x1C;
	p0 =	por !p1, !p6  }
0x79: {  	s0 =	sadd.s32 s2, s0;
	s2 =	simm.s32 $0x1;
	p0 =	por !p0, !p0  }
0x7a: {  	s0 =	sshra.s32 s0, $0x4;
	s2 =	simm.s32 @!p0 $0x0  }
0x7b: {  	s23 =	ssub.s32 s0, s2  }
0x7c: {  	p1 =	slt.s32 s23, $0x1  }
.Ltmp6:
0x7d: {  	[tilespmem:$0x15800] =	vst v3;
	(pc) =	sbr.rel @p1 .LBB2_16-.Ltmp6, $4  }
0x7e: {  	[tilespmem:$0x15810] =	vst v3  }
0x7f: {  	[tilespmem:$0x15820] =	vst v3  }
0x80: {  	[tilespmem:$0x15830] =	vst v3  }
0x81: {  	[tilespmem:$0x15840] =	vst v3;
	v7 =	vmov s24;
	p0 =	sne.s32 s23, $0x1  }
.Ltmp7:
0x82: {  	(pc) =	sbr.rel @!p0 .LBB2_11-.Ltmp7, $3  }
0x83: {  	_ =	sdelay $0x1  }
0x84: {  	s2 =	simm.s32 $0x400  }
0x85: {  	s0 =	simm.s32 $0x0;
	p1 =	por $0x0, $0x0;
	v8 =	vld [tilespmem:s2+$0x0];
	s2 =	sadd.s32 $0xFFFFFFFF, s23  }
0x86: {  	_ =	sdelay $0x3  }
0x87: {  	v8 =	vshrl.u32 v8, $0x7  }
0x88: {  	v9 =	vor.u32 s0, v2;
	v8 =	vsub.s32 v8, v0  }
0x89: {  	vm0 =	vlt.s32 v9, v7;
	v8 =	vshrl.u32 v8, $0x2  }
0x8a: {  	v8 =	vmin.u32 v8, $0x3D  }
0x8b: {  	p2 =	sne.s32 s2, $0x1  }
.Ltmp8:
0x8c: {  	_ = 	snop;
	(pc) =	sbr.rel @!p2 .LBB2_13-.Ltmp8, $3  }
0x8d: {  	_ =	sdelay $0x1  }
0x8e: {  	s6 =	simm.s32 $0x410;
	[tilespmem:v8+s15+$0x0] =	vst.idx.add.s32.msk vm0, v4  }
0x8f: {  	s10 =	sadd.s32 $0xFFFFFFFF, s2;
	p1 =	por $0x1, $0x1;
	s2 =	simm.s32 $0x0;
	v8 =	vld [tilespmem:s6+$0x0]  }
.LBB2_14:
0x90: {  	p2 =	sne.s32 s10, $0x1;
	_ =	sdelay $0x3  }
0x91: {  	s2 =	sadd.s32 $0x10, s2;
	v8 =	vshrl.u32 v8, $0x7  }
0x92: {  	v9 =	vor.u32 s2, v2;
	v8 =	vsub.s32 v8, v0  }
0x93: {  	vm0 =	vlt.s32 v9, v7;
	v8 =	vshrl.u32 v8, $0x2  }
0x94: {  	v8 =	vmin.u32 v8, $0x3D;
	_ =	sdelay $0x1  }
.Ltmp9:
0x95: {  	(pc) =	sbr.rel @p2 .LBB2_14-.Ltmp9, $3  }
0x96: {  	_ =	sdelay $0x1  }
0x97: {  	s6 =	sadd.s32 $0x10, s6;
	[tilespmem:v8+s15+$0x0] =	vst.idx.add.s32.msk vm0, v4  }
0x98: {  	s10 =	sadd.s32 $0xFFFFFFFF, s10;
	v8 =	vld [tilespmem:s6+$0x0]  }
.LBB2_15:
0x99: {  	_ =	sdelay $0x2  }
0x9a: {  	s2 =	sadd.s32 @p1 $0x10, s2  }
0x9b: {  	s0 =	smov.u32 @p1 s2;
	v8 =	vshrl.u32 v8, $0x7  }
0x9c: {  	v9 =	vor.u32 s0, v2;
	v8 =	vsub.s32 v8, v0  }
0x9d: {  	vm0 =	vlt.s32 v9, v7;
	v8 =	vshrl.u32 v8, $0x2  }
0x9e: {  	v8 =	vmin.u32 v8, $0x3D;
	_ =	sdelay $0x4  }
0x9f: {  	[tilespmem:v8+s15+$0x0] =	vst.idx.add.s32.msk vm0, v4  }
.LBB2_16:
0xa0: {  	p1 =	slt.s32 s25, $0x400  }
0xa1: {  	p2 =	slt.s32 s25, $0xFFFFFFF2;
	s25 =	simm.s32 @!p1 $0x400  }
0xa2: {  	s0 =	sadd.s32 $0xF, s25  }
0xa3: {  	s2 =	sand.u32 $0xF, s0  }
0xa4: {  	s31 =	sshra.s32 s0, $0x1F;
	p6 =	sne.s32 s2, $0x0  }
0xa5: {  	s2 =	sshrl.u32 s31, $0x1C;
	p1 =	por !p2, !p6  }
0xa6: {  	s0 =	sadd.s32 s2, s0;
	s2 =	simm.s32 $0x1;
	p1 =	por !p1, !p1  }
0xa7: {  	s0 =	sshra.s32 s0, $0x4;
	s2 =	simm.s32 @!p1 $0x0  }
0xa8: {  	s24 =	ssub.s32 s0, s2  }
0xa9: {  	p2 =	slt.s32 s24, $0x1  }
.Ltmp10:
0xaa: {  	[tilespmem:$0x15880] =	vst v3;
	(pc) =	sbr.rel @p2 .LBB2_23-.Ltmp10, $4  }
0xab: {  	[tilespmem:$0x15890] =	vst v3  }
0xac: {  	[tilespmem:$0x158A0] =	vst v3  }
0xad: {  	[tilespmem:$0x158B0] =	vst v3  }
0xae: {  	[tilespmem:$0x158C0] =	vst v3;
	v8 =	vmov s25;
	p1 =	sne.s32 s24, $0x1  }
.Ltmp11:
0xaf: {  	(pc) =	sbr.rel @!p1 .LBB2_18-.Ltmp11, $3  }
0xb0: {  	_ =	sdelay $0x1  }
0xb1: {  	s2 =	simm.s32 $0xD00  }
0xb2: {  	s0 =	simm.s32 $0x0;
	p2 =	por $0x0, $0x0;
	v9 =	vld [tilespmem:s2+$0x0];
	s2 =	sadd.s32 $0xFFFFFFFF, s24  }
0xb3: {  	_ =	sdelay $0x3  }
0xb4: {  	v9 =	vshrl.u32 v9, $0x7  }
0xb5: {  	v10 =	vor.u32 s0, v2;
	v9 =	vsub.s32 v9, v0  }
0xb6: {  	vm0 =	vlt.s32 v10, v8;
	v9 =	vshrl.u32 v9, $0x2  }
0xb7: {  	v9 =	vmin.u32 v9, $0x3D  }
0xb8: {  	p3 =	sne.s32 s2, $0x1  }
.Ltmp12:
0xb9: {  	_ = 	snop;
	(pc) =	sbr.rel @!p3 .LBB2_20-.Ltmp12, $3  }
0xba: {  	_ =	sdelay $0x1  }
0xbb: {  	s6 =	simm.s32 $0xD10;
	[tilespmem:v9+s16+$0x0] =	vst.idx.add.s32.msk vm0, v4  }
0xbc: {  	s10 =	sadd.s32 $0xFFFFFFFF, s2;
	p2 =	por $0x1, $0x1;
	s2 =	simm.s32 $0x0;
	v9 =	vld [tilespmem:s6+$0x0]  }
.LBB2_21:
0xbd: {  	p3 =	sne.s32 s10, $0x1;
	_ =	sdelay $0x3  }
0xbe: {  	s2 =	sadd.s32 $0x10, s2;
	v9 =	vshrl.u32 v9, $0x7  }
0xbf: {  	v10 =	vor.u32 s2, v2;
	v9 =	vsub.s32 v9, v0  }
0xc0: {  	vm0 =	vlt.s32 v10, v8;
	v9 =	vshrl.u32 v9, $0x2  }
0xc1: {  	v9 =	vmin.u32 v9, $0x3D;
	_ =	sdelay $0x1  }
.Ltmp13:
0xc2: {  	(pc) =	sbr.rel @p3 .LBB2_21-.Ltmp13, $3  }
0xc3: {  	_ =	sdelay $0x1  }
0xc4: {  	s6 =	sadd.s32 $0x10, s6;
	[tilespmem:v9+s16+$0x0] =	vst.idx.add.s32.msk vm0, v4  }
0xc5: {  	s10 =	sadd.s32 $0xFFFFFFFF, s10;
	v9 =	vld [tilespmem:s6+$0x0]  }
.LBB2_22:
0xc6: {  	_ =	sdelay $0x2  }
0xc7: {  	s2 =	sadd.s32 @p2 $0x10, s2  }
0xc8: {  	s0 =	smov.u32 @p2 s2;
	v9 =	vshrl.u32 v9, $0x7  }
0xc9: {  	v10 =	vor.u32 s0, v2;
	v9 =	vsub.s32 v9, v0  }
0xca: {  	vm0 =	vlt.s32 v10, v8;
	v9 =	vshrl.u32 v9, $0x2  }
0xcb: {  	v9 =	vmin.u32 v9, $0x3D;
	_ =	sdelay $0x4  }
0xcc: {  	[tilespmem:v9+s16+$0x0] =	vst.idx.add.s32.msk vm0, v4  }
.LBB2_23:
0xcd: {  	v9 =	vld [tilespmem:$0x15800];
	_ =	sdelay $0x4  }
0xce: {  	(v2sf) =	vpush v9, $0x0;
	_ =	sdelay $0xe  }
0xcf: {  	s0 =	spop (v2sf)  }
0xd0: {  	s3 =	rddreg [dreg:$0x6];
	p2 =	slt.s32 s0, $0x1  }
0xd1: {  	s0 =	simm.s32 @!p2 $0x1000;
	s2 =	simm.s32 @!p2 $0x7A1400;
	s6 =	simm.s32 @!p2 $0x1600  }
0xd2: {  	[tilespmem:s6], [sflag:$0x1] =	stream.strided.gather @!p2 [hbm4b:s3+s0], $0x4000, s2, s0, $0x38;
	[tilespmem:$0x15900] =	vst v63  }
0xd3: {  	v9 =	vld [tilespmem:$0x15880];
	_ =	sdelay $0x4  }
0xd4: {  	(v2sf) =	vpush v9, $0x0;
	_ =	sdelay $0xd  }
.Ltmp14:
0xd5: {  	_ = 	snop;
	(pc) =	sbr.rel .LBB2_24-.Ltmp14, $4  }
0xd6: {  	s31 =	spop (v2sf)  }
0xd7: {  	s25 =	simm.s32 $0x0;
	s3 =	rddreg [dreg:$0x7];
	p2 =	slt.s32 s31, $0x1  }
0xd8: {  	s0 =	simm.s32 @!p2 $0x1000;
	s2 =	simm.s32 @!p2 $0x7A1400;
	s6 =	simm.s32 @!p2 $0x5600  }
0xd9: {  	[tilespmem:s6], [sflag:$0x1] =	stream.strided.gather @!p2 [hbm4b:s3+s0], $0x4000, s2, s0, $0x38;
	[tilespmem:$0x15900] =	vst v63  }
.LBB2_83:
0xda: {  	[sflag:s18] =	ssyncadd.s32 $0xFFFFFF80  }
.LBB2_84:
0xdb: {  	s25 =	sadd.s32 $0x1, s25  }
0xdc: {  	p2 =	sne.s32 s25, $0x1F  }
.Ltmp15:
0xdd: {  	_ = 	snop;
	(pc) =	sbr.rel @!p2 .LBB2_85-.Ltmp15, $1  }
0xde: {  	_ =	sdelay $0x3  }
.LBB2_24:
0xdf: {  	s30 =	sshll.u32 s25, $0x1  }
0xe0: {  	v9 =	vld [tilespmem:s30+$0x15801];
	_ =	sdelay $0x4  }
0xe1: {  	(v2sf) =	vpush v9, $0x0;
	_ =	sdelay $0xc  }
0xe2: {  	s0 =	sshll.u32 s25, $0x3  }
0xe3: {  	s2 =	sadd.s32 s0, s12  }
0xe4: {  	s29 =	smin.u32 s2, $0x1E81;
	s10 =	spop (v2sf)  }
0xe5: {  	s26 =	sshll.u32 s29, $0x7;
	p2 =	slt.s32 s10, $0x1  }
0xe6: {  	s28 =	sshllo.u32 s25, $0x1;
	s2 =	sadd.s32 @!p2 s4, s26  }
0xe7: {  	s6 =	simm.s32 @!p2 $0x1000;
	s10 =	simm.s32 @!p2 $0x7A1400;
	s11 =	simm.s32 @!p2 $0x9600  }
0xe8: {  	[tilespmem:s11], [sflag:$0x2] =	stream.strided.gather @!p2 [hbm4b:s2+s6], $0x4000, s10, s6, $0x38;
	[tilespmem:$0x15900] =	vst v63  }
0xe9: {  	v9 =	vld [tilespmem:s28+$0x15880];
	_ =	sdelay $0x4  }
0xea: {  	(v2sf) =	vpush v9, $0x0;
	_ =	sdelay $0xe  }
0xeb: {  	s11 =	spop (v2sf)  }
0xec: {  	p2 =	slt.s32 s11, $0x1  }
0xed: {  	s2 =	sadd.s32 @!p2 s5, s26  }
0xee: {  	s6 =	simm.s32 @!p2 $0x1000;
	s10 =	simm.s32 @!p2 $0x7A1400;
	s11 =	simm.s32 @!p2 $0xD600  }
0xef: {  	[tilespmem:s11], [sflag:$0x2] =	stream.strided.gather @!p2 [hbm4b:s2+s6], $0x4000, s10, s6, $0x38;
	[tilespmem:$0x15900] =	vst v63  }
0xf0: {  	v9 =	vld [tilespmem:s30+$0x15800];
	_ =	sdelay $0x4  }
0xf1: {  	(v2sf) =	vpush v9, $0x0;
	_ =	sdelay $0xe  }
0xf2: {  	s13 =	spop (v2sf)  }
0xf3: {  	p2 =	slt.s32 s13, $0x1  }
0xf4: {  	p3 =	slt.s32 @!p2 s23, $0x1  }
0xf5: {  	p3 =	por p2, p3  }
.Ltmp16:
0xf6: {  	_ = 	snop;
	(pc) =	sbr.rel @p3 .LBB2_39-.Ltmp16, $4  }
0xf7: {  	s0 =	sadd.s32 s1, s0;
	s2 =	simm.s32 @!p2 $0x1  }
0xf8: {  	s0 =	smin.u32 s0, $0x1E81;
	_ =	swait.ge @!p2 [sflag:s2], $0x4000  }
0xf9: {  	s22 =	sor.u32 $0x4, s0;
	[sflag:s2] =	ssyncset.done @!p2 $0x0  }
0xfa: {  	s31 =	sshll.u32 s0, $0x7;
	v10 =	vmov s22;
	v9 =	vmov s0;
	[sflag:s2] =	ssyncadd.s32 @!p2 $0xFFFFC000  }
.Ltmp17:
0xfb: {  	(pc) =	sbr.rel @!p0 .LBB2_26-.Ltmp17, $3  }
0xfc: {  	_ =	sdelay $0x1  }
0xfd: {  	s2 =	simm.s32 $0x400;
	s6 =	simm.s32 $0x880  }
0xfe: {  	s0 =	simm.s32 $0x0;
	p2 =	por $0x0, $0x0;
	v11 =	vld [tilespmem:s2+$0x0];
	s2 =	sadd.s32 $0xFFFFFFFF, s23  }
0xff: {  	_ =	sdelay $0x3  }
0x100: {  	v12 =	vshrl.u32 v11, $0x7  }
0x101: {  	v62 =	vor.u32 s0, v2;
	vm0 =	vge.u32 v12, v9;
	vm1 =	vlt.u32 v12, v10  }
0x102: {  	vm15 =	vlt.s32 v62, v7;
	vm0 =	vmand vm0, vm1  }
0x103: {  	vm0 =	vmand vm15, vm0  }
0x104: {  	v63 =	vmpcnt.ones.xlane vm0  }
0x105: {  	v13 =	vld [tilespmem:s6+$0x0]  }
0x106: {  	p3 =	sne.s32 s2, $0x1;
	(v2sf) =	vpush v63, $0x0  }
.Ltmp18:
0x107: {  	p2 =	por $0x1, $0x1;
	s10 =	simm.s32 $0x0;
	(pc) =	sbr.rel @!p3 .LBB2_28-.Ltmp18, $4  }
0x108: {  	s10 =	simm.s32 @!p2 $0x70  }
0x109: {  	[tilespmem:s10+$0x11600] =	vst.msk vm0, v11  }
0x10a: {  	s13 =	simm.s32 $0x410;
	s22 =	sadd.s32 $0xFFFFFFFF, s2;
	s11 =	simm.s32 $0x0;
	[tilespmem:s10+$0x11700] =	vst.msk vm0, v13  }
0x10b: {  	s2 =	simm.s32 $0x880;
	p2 =	por $0x1, $0x1;
	s10 =	simm.s32 $0x0;
	v11 =	vld [tilespmem:s13+$0x0]  }
.LBB2_29:
0x10c: {  	p3 =	sne.s32 s22, $0x1;
	_ =	sdelay $0x3  }
0x10d: {  	s11 =	sadd.s32 $0x10, s11;
	v12 =	vshrl.u32 v11, $0x7  }
0x10e: {  	vm0 =	vge.u32 v12, v9;
	vm1 =	vlt.u32 v12, v10;
	v12 =	vor.u32 s11, v2  }
0x10f: {  	vm0 =	vmand vm0, vm1;
	vm1 =	vlt.s32 v12, v7  }
0x110: {  	vm0 =	vmand vm1, vm0  }
0x111: {  	s2 =	sadd.s32 $0x10, s2;
	v12 =	vmpcnt.ones.xlane vm0  }
0x112: {  	v13 =	vld [tilespmem:s2+$0x0];
	s3 =	spop (v2sf)  }
0x113: {  	(v2sf) =	vpush v12, $0x0;
	s10 =	sadd.s32 s10, s3  }
.Ltmp19:
0x114: {  	p4 =	slt.s32 s10, $0x70;
	s3 =	smov.u32 s10;
	(pc) =	sbr.rel @p3 .LBB2_29-.Ltmp19, $4  }
0x115: {  	s3 =	simm.s32 @!p4 $0x70  }
0x116: {  	[tilespmem:s3+$0x11600] =	vst.msk vm0, v11  }
0x117: {  	s13 =	sadd.s32 $0x10, s13;
	[tilespmem:s3+$0x11700] =	vst.msk vm0, v13  }
0x118: {  	s22 =	sadd.s32 $0xFFFFFFFF, s22;
	v11 =	vld [tilespmem:s13+$0x0]  }
.LBB2_30:
0x119: {  	_ =	sdelay $0x2  }
0x11a: {  	s3 =	sadd.s32 @p2 $0x10, s11;
	s11 =	simm.s32 $0x0  }
0x11b: {  	s11 =	smov.u32 @p2 s3;
	v12 =	vshrl.u32 v11, $0x7  }
0x11c: {  	v61 =	vor.u32 s11, v2;
	vm0 =	vge.u32 v12, v9;
	vm1 =	vlt.u32 v12, v10  }
0x11d: {  	vm15 =	vlt.s32 v61, v7;
	vm0 =	vmand vm0, vm1  }
0x11e: {  	vm0 =	vmand vm15, vm0  }
0x11f: {  	v62 =	vmpcnt.ones.xlane vm0;
	_ =	sdelay $0x1  }
0x120: {  	(v2sf) =	vpush v62, $0x0;
	_ =	sdelay $0xc  }
0x121: {  	s2 =	sadd.s32 @p2 $0x10, s2;
	s3 =	spop @p2 (v2sf)  }
0x122: {  	s6 =	smov.u32 @p2 s2;
	s2 =	sadd.s32 @p2 s10, s3  }
0x123: {  	s0 =	smov.u32 @p2 s2;
	s22 =	spop (v2sf)  }
0x124: {  	p2 =	slt.s32 s0, $0x70;
	s3 =	smov.u32 s0;
	s2 =	sadd.s32 s0, s22  }
0x125: {  	v63 =	vld [tilespmem:s6+$0x0];
	s3 =	simm.s32 @!p2 $0x70;
	p2 =	slt.s32 s2, $0x1  }
.Ltmp20:
0x126: {  	_ = 	snop;
	(pc) =	sbr.rel @p2 .LBB2_39-.Ltmp20, $3  }
0x127: {  	_ =	sdelay $0x1  }
0x128: {  	[tilespmem:s3+$0x11600] =	vst.msk vm0, v11  }
0x129: {  	[tilespmem:s3+$0x11700] =	vst.msk vm0, v63  }
0x12a: {  	p2 =	slt.s32 s2, $0x80  }
0x12b: {  	s2 =	simm.s32 @!p2 $0x80  }
0x12c: {  	p2 =	sne.s32 s2, $0x1  }
.Ltmp21:
0x12d: {  	_ = 	snop;
	(pc) =	sbr.rel @!p2 .LBB2_32-.Ltmp21, $3  }
0x12e: {  	_ =	sdelay $0x1  }
0x12f: {  	s10 =	simm.s32 $0x11700;
	s3 =	simm.s32 $0x11600  }
0x130: {  	s0 =	simm.s32 $0x11800;
	p3 =	por $0x0, $0x0;
	v11 =	vld [tilespmem:s3+$0x0];
	s6 =	sadd.s32 $0xFFFFFFFF, s2  }
0x131: {  	_ =	sdelay $0x3  }
0x132: {  	(v2sf) =	vpush v11, $0x0;
	_ =	sdelay $0x8  }
0x133: {  	v11 =	vld [tilespmem:s10+$0x0];
	_ =	sdelay $0x4  }
0x134: {  	(v2sf) =	vpush v11, $0x0  }
0x135: {  	s2 =	spop (v2sf)  }
0x136: {  	s2 =	ssub.s32 s2, s31  }
0x137: {  	v11 =	vmov s2  }
0x138: {  	v12 =	vshll.u32 v11, $0x3  }
0x139: {  	v11 =	vand.u32 $0x7F, v11;
	v12 =	vand.u32 $0xFFFFFC00, v12  }
0x13a: {  	v11 =	vor.u32 v11, v12  }
0x13b: {  	v12 =	vadd.s32 v5, v11  }
0x13c: {  	v11 =	vadd.s32 v6, v11;
	_ =	sdelay $0x3  }
0x13d: {  	v12 =	vld.idx.msk [tilespmem:v12+s17+$0x0], $0xffff  }
0x13e: {  	v11 =	vld.idx.msk [tilespmem:v11+s17+$0x0], $0xffff;
	_ =	sdelay $0x1  }
0x13f: {  	s22 =	spop (v2sf)  }
0x140: {  	p4 =	sne.s32 s6, $0x1;
	s2 =	sshll.u32 s22, $0x4  }
.Ltmp22:
0x141: {  	s2 =	sand.u32 $0x1FFFFFF0, s2;
	[tilespmem:s0+$0x0] =	vst v12;
	(pc) =	sbr.rel @!p4 .LBB2_34-.Ltmp22, $4  }
0x142: {  	s22 =	simm.s32 $0x11601;
	s2 =	sadd.s32 s8, s2;
	[tilespmem:s0+$0x10] =	vst v11  }
0x143: {  	[hbm4b:s2+s7] =	stream.linear.scatter [tilespmem:s0], [sflag:$0x3], $0x80, $0x38;
	[tilespmem:$0x15900] =	vst v63  }
0x144: {  	p3 =	por $0x1, $0x1;
	v11 =	vld [tilespmem:s22+$0x0]  }
0x145: {  	s13 =	simm.s32 $0x11700;
	s11 =	simm.s32 $0x11800;
	s2 =	sadd.s32 $0xFFFFFFFF, s6  }
.LBB2_35:
0x146: {  	p4 =	sne.s32 s2, $0x1;
	_ =	sdelay $0x2  }
0x147: {  	(v2sf) =	vpush v11, $0x0;
	_ =	sdelay $0x7  }
0x148: {  	s13 =	sadd.s32 $0x1, s13  }
0x149: {  	v11 =	vld [tilespmem:s13+$0x0];
	_ =	sdelay $0x4  }
0x14a: {  	(v2sf) =	vpush v11, $0x0  }
0x14b: {  	s3 =	spop (v2sf)  }
0x14c: {  	s3 =	ssub.s32 s3, s31  }
0x14d: {  	v11 =	vmov s3  }
0x14e: {  	v12 =	vshll.u32 v11, $0x3  }
0x14f: {  	v11 =	vand.u32 $0x7F, v11;
	v12 =	vand.u32 $0xFFFFFC00, v12  }
0x150: {  	v11 =	vor.u32 v11, v12  }
0x151: {  	v12 =	vadd.s32 v5, v11  }
0x152: {  	v11 =	vadd.s32 v6, v11;
	_ =	sdelay $0x3  }
0x153: {  	v12 =	vld.idx.msk [tilespmem:v12+s17+$0x0], $0xffff  }
0x154: {  	v11 =	vld.idx.msk [tilespmem:v11+s17+$0x0], $0xffff;
	_ =	sdelay $0x1  }
0x155: {  	s3 =	spop (v2sf)  }
0x156: {  	s3 =	sshll.u32 s3, $0x4  }
.Ltmp23:
0x157: {  	s11 =	sadd.s32 $0x80, s11;
	s3 =	sand.u32 $0x1FFFFFF0, s3;
	(pc) =	sbr.rel @p4 .LBB2_35-.Ltmp23, $4  }
0x158: {  	s22 =	sadd.s32 $0x1, s22;
	[tilespmem:s11+$0x0] =	vst v12;
	s3 =	sadd.s32 s8, s3  }
0x159: {  	[tilespmem:s11+$0x10] =	vst v11;
	[hbm4b:s3+s7] =	stream.linear.scatter [tilespmem:s11], [sflag:$0x3], $0x80, $0x38  }
0x15a: {  	v11 =	vld [tilespmem:s22+$0x0]  }
0x15b: {  	s2 =	sadd.s32 $0xFFFFFFFF, s2  }
.LBB2_36:
0x15c: {  	_ =	sdelay $0x2  }
0x15d: {  	(v2sf) =	vpush v11, $0x0;
	_ =	sdelay $0x6  }
0x15e: {  	s2 =	sadd.s32 @p3 $0x1, s13  }
0x15f: {  	s10 =	smov.u32 @p3 s2  }
0x160: {  	v11 =	vld [tilespmem:s10+$0x0];
	_ =	sdelay $0x4  }
0x161: {  	(v2sf) =	vpush v11, $0x0  }
0x162: {  	s13 =	spop (v2sf)  }
0x163: {  	s2 =	ssub.s32 s13, s31  }
0x164: {  	v11 =	vmov s2  }
0x165: {  	v12 =	vshll.u32 v11, $0x3  }
0x166: {  	v11 =	vand.u32 $0x7F, v11;
	v12 =	vand.u32 $0xFFFFFC00, v12  }
0x167: {  	v11 =	vor.u32 v11, v12  }
0x168: {  	v12 =	vadd.s32 v5, v11  }
0x169: {  	v11 =	vadd.s32 v6, v11;
	_ =	sdelay $0x3  }
0x16a: {  	v12 =	vld.idx.msk [tilespmem:v12+s17+$0x0], $0xffff  }
0x16b: {  	v11 =	vld.idx.msk [tilespmem:v11+s17+$0x0], $0xffff;
	_ =	sdelay $0x1  }
0x16c: {  	s3 =	sadd.s32 @p3 $0x80, s11;
	s22 =	spop (v2sf)  }
0x16d: {  	s0 =	smov.u32 @p3 s3;
	s2 =	sshll.u32 s22, $0x4  }
.Ltmp24:
0x16e: {  	s2 =	sand.u32 $0x1FFFFFF0, s2;
	[tilespmem:s0+$0x0] =	vst v12;
	(pc) =	sbr.rel @!p2 .LBB2_38-.Ltmp24, $4  }
0x16f: {  	s2 =	sadd.s32 s8, s2;
	[tilespmem:s0+$0x10] =	vst v11  }
0x170: {  	[hbm4b:s2+s7] =	stream.linear.scatter [tilespmem:s0], [sflag:$0x3], $0x80, $0x38;
	[tilespmem:$0x15900] =	vst v63  }
0x171: {  	_ =	swait.ge [sflag:s18], $0x80  }
0x172: {  	[sflag:s18] =	ssyncset.done $0x0  }
.LBB2_37:
0x173: {  	p2 =	sne.s32 s6, $0x1;
	s6 =	sadd.s32 $0xFFFFFFFF, s6;
	[sflag:s18] =	ssyncadd.s32 $0xFFFFFF80  }
.Ltmp25:
0x174: {  	(pc) =	sbr.rel @p2 .LBB2_37-.Ltmp25, $3  }
0x175: {  	_ =	sdelay $0x1  }
0x176: {  	_ =	swait.ge [sflag:s18], $0x80  }
0x177: {  	[sflag:s18] =	ssyncset.done $0x0  }
.LBB2_38:
0x178: {  	[sflag:s18] =	ssyncadd.s32 $0xFFFFFF80  }
.LBB2_39:
0x179: {  	v11 =	vld [tilespmem:s30+$0x15880];
	_ =	sdelay $0x4  }
0x17a: {  	(v2sf) =	vpush v11, $0x0;
	_ =	sdelay $0xe  }
0x17b: {  	s0 =	spop (v2sf)  }
0x17c: {  	p2 =	slt.s32 s0, $0x1  }
0x17d: {  	p3 =	slt.s32 @!p2 s24, $0x1  }
0x17e: {  	p3 =	por p2, p3  }
.Ltmp26:
0x17f: {  	_ = 	snop;
	(pc) =	sbr.rel @p3 .LBB2_54-.Ltmp26, $4  }
0x180: {  	s0 =	simm.s32 @!p2 $0x1  }
0x181: {  	_ =	swait.ge @!p2 [sflag:s0], $0x4000  }
0x182: {  	[sflag:s0] =	ssyncset.done @!p2 $0x0  }
0x183: {  	[sflag:s0] =	ssyncadd.s32 @!p2 $0xFFFFC000  }
.Ltmp27:
0x184: {  	(pc) =	sbr.rel @!p1 .LBB2_41-.Ltmp27, $3  }
0x185: {  	_ =	sdelay $0x1  }
0x186: {  	s2 =	simm.s32 $0xD00;
	s6 =	simm.s32 $0x1180  }
0x187: {  	s0 =	simm.s32 $0x0;
	p2 =	por $0x0, $0x0;
	v11 =	vld [tilespmem:s2+$0x0];
	s2 =	sadd.s32 $0xFFFFFFFF, s24  }
0x188: {  	_ =	sdelay $0x3  }
0x189: {  	v12 =	vshrl.u32 v11, $0x7  }
0x18a: {  	v62 =	vor.u32 s0, v2;
	vm0 =	vge.u32 v12, v9;
	vm1 =	vlt.u32 v12, v10  }
0x18b: {  	vm15 =	vlt.s32 v62, v8;
	vm0 =	vmand vm0, vm1  }
0x18c: {  	vm0 =	vmand vm15, vm0  }
0x18d: {  	v63 =	vmpcnt.ones.xlane vm0  }
0x18e: {  	v13 =	vld [tilespmem:s6+$0x0]  }
0x18f: {  	p3 =	sne.s32 s2, $0x1;
	(v2sf) =	vpush v63, $0x0  }
.Ltmp28:
0x190: {  	p2 =	por $0x1, $0x1;
	s3 =	simm.s32 $0x0;
	(pc) =	sbr.rel @!p3 .LBB2_43-.Ltmp28, $4  }
0x191: {  	s3 =	simm.s32 @!p2 $0x70  }
0x192: {  	[tilespmem:s3+$0x11600] =	vst.msk vm0, v11  }
0x193: {  	s13 =	simm.s32 $0xD10;
	s22 =	sadd.s32 $0xFFFFFFFF, s2;
	s11 =	simm.s32 $0x0;
	[tilespmem:s3+$0x11700] =	vst.msk vm0, v13  }
0x194: {  	s2 =	simm.s32 $0x1180;
	s10 =	simm.s32 $0x0;
	p2 =	por $0x1, $0x1;
	v11 =	vld [tilespmem:s13+$0x0]  }
.LBB2_44:
0x195: {  	p3 =	sne.s32 s22, $0x1;
	_ =	sdelay $0x3  }
0x196: {  	s11 =	sadd.s32 $0x10, s11;
	v12 =	vshrl.u32 v11, $0x7  }
0x197: {  	vm0 =	vge.u32 v12, v9;
	vm1 =	vlt.u32 v12, v10;
	v12 =	vor.u32 s11, v2  }
0x198: {  	vm0 =	vmand vm0, vm1;
	vm1 =	vlt.s32 v12, v8  }
0x199: {  	vm0 =	vmand vm1, vm0  }
0x19a: {  	s2 =	sadd.s32 $0x10, s2;
	v12 =	vmpcnt.ones.xlane vm0  }
0x19b: {  	v13 =	vld [tilespmem:s2+$0x0];
	s3 =	spop (v2sf)  }
0x19c: {  	(v2sf) =	vpush v12, $0x0;
	s10 =	sadd.s32 s10, s3  }
.Ltmp29:
0x19d: {  	p4 =	slt.s32 s10, $0x70;
	s3 =	smov.u32 s10;
	(pc) =	sbr.rel @p3 .LBB2_44-.Ltmp29, $4  }
0x19e: {  	s3 =	simm.s32 @!p4 $0x70  }
0x19f: {  	[tilespmem:s3+$0x11600] =	vst.msk vm0, v11  }
0x1a0: {  	s13 =	sadd.s32 $0x10, s13;
	[tilespmem:s3+$0x11700] =	vst.msk vm0, v13  }
0x1a1: {  	s22 =	sadd.s32 $0xFFFFFFFF, s22;
	v11 =	vld [tilespmem:s13+$0x0]  }
.LBB2_45:
0x1a2: {  	_ =	sdelay $0x2  }
0x1a3: {  	s3 =	sadd.s32 @p2 $0x10, s11;
	s11 =	simm.s32 $0x0  }
0x1a4: {  	s11 =	smov.u32 @p2 s3;
	v12 =	vshrl.u32 v11, $0x7  }
0x1a5: {  	vm0 =	vge.u32 v12, v9;
	vm1 =	vlt.u32 v12, v10;
	v9 =	vor.u32 s11, v2  }
0x1a6: {  	vm0 =	vmand vm0, vm1;
	vm15 =	vlt.s32 v9, v8  }
0x1a7: {  	vm0 =	vmand vm15, vm0  }
0x1a8: {  	v9 =	vmpcnt.ones.xlane vm0;
	_ =	sdelay $0x1  }
0x1a9: {  	(v2sf) =	vpush v9, $0x0;
	_ =	sdelay $0xc  }
0x1aa: {  	s2 =	sadd.s32 @p2 $0x10, s2;
	s3 =	spop @p2 (v2sf)  }
0x1ab: {  	s6 =	smov.u32 @p2 s2;
	s2 =	sadd.s32 @p2 s10, s3  }
0x1ac: {  	s0 =	smov.u32 @p2 s2;
	s22 =	spop (v2sf)  }
0x1ad: {  	p2 =	slt.s32 s0, $0x70;
	s3 =	smov.u32 s0;
	s2 =	sadd.s32 s0, s22  }
0x1ae: {  	v9 =	vld [tilespmem:s6+$0x0];
	s3 =	simm.s32 @!p2 $0x70;
	p2 =	slt.s32 s2, $0x1  }
.Ltmp30:
0x1af: {  	_ = 	snop;
	(pc) =	sbr.rel @p2 .LBB2_54-.Ltmp30, $3  }
0x1b0: {  	_ =	sdelay $0x1  }
0x1b1: {  	[tilespmem:s3+$0x11600] =	vst.msk vm0, v11  }
0x1b2: {  	[tilespmem:s3+$0x11700] =	vst.msk vm0, v9  }
0x1b3: {  	p2 =	slt.s32 s2, $0x80  }
0x1b4: {  	s2 =	simm.s32 @!p2 $0x80  }
0x1b5: {  	p2 =	sne.s32 s2, $0x1  }
.Ltmp31:
0x1b6: {  	_ = 	snop;
	(pc) =	sbr.rel @!p2 .LBB2_47-.Ltmp31, $3  }
0x1b7: {  	_ =	sdelay $0x1  }
0x1b8: {  	s10 =	simm.s32 $0x11700;
	s3 =	simm.s32 $0x11600  }
0x1b9: {  	s0 =	simm.s32 $0x11800;
	p3 =	por $0x0, $0x0;
	v9 =	vld [tilespmem:s3+$0x0];
	s6 =	sadd.s32 $0xFFFFFFFF, s2  }
0x1ba: {  	_ =	sdelay $0x3  }
0x1bb: {  	(v2sf) =	vpush v9, $0x0;
	_ =	sdelay $0x8  }
0x1bc: {  	v9 =	vld [tilespmem:s10+$0x0];
	_ =	sdelay $0x4  }
0x1bd: {  	(v2sf) =	vpush v9, $0x0  }
0x1be: {  	s2 =	spop (v2sf)  }
0x1bf: {  	s2 =	ssub.s32 s2, s31  }
0x1c0: {  	v9 =	vmov s2  }
0x1c1: {  	v10 =	vshll.u32 v9, $0x3  }
0x1c2: {  	v9 =	vand.u32 $0x7F, v9;
	v10 =	vand.u32 $0xFFFFFC00, v10  }
0x1c3: {  	v9 =	vor.u32 v9, v10  }
0x1c4: {  	v10 =	vadd.s32 v5, v9  }
0x1c5: {  	v9 =	vadd.s32 v6, v9;
	_ =	sdelay $0x3  }
0x1c6: {  	v10 =	vld.idx.msk [tilespmem:v10+s19+$0x0], $0xffff  }
0x1c7: {  	v9 =	vld.idx.msk [tilespmem:v9+s19+$0x0], $0xffff;
	_ =	sdelay $0x1  }
0x1c8: {  	s22 =	spop (v2sf)  }
0x1c9: {  	p4 =	sne.s32 s6, $0x1;
	s2 =	sshll.u32 s22, $0x4  }
.Ltmp32:
0x1ca: {  	s2 =	sand.u32 $0x1FFFFFF0, s2;
	[tilespmem:s0+$0x0] =	vst v10;
	(pc) =	sbr.rel @!p4 .LBB2_49-.Ltmp32, $4  }
0x1cb: {  	s22 =	simm.s32 $0x11601;
	s2 =	sadd.s32 s9, s2;
	[tilespmem:s0+$0x10] =	vst v9  }
0x1cc: {  	[hbm4b:s2+s7] =	stream.linear.scatter [tilespmem:s0], [sflag:$0x3], $0x80, $0x38;
	[tilespmem:$0x15900] =	vst v63  }
0x1cd: {  	p3 =	por $0x1, $0x1;
	v9 =	vld [tilespmem:s22+$0x0]  }
0x1ce: {  	s13 =	simm.s32 $0x11700;
	s11 =	simm.s32 $0x11800;
	s2 =	sadd.s32 $0xFFFFFFFF, s6  }
.LBB2_50:
0x1cf: {  	p4 =	sne.s32 s2, $0x1;
	_ =	sdelay $0x2  }
0x1d0: {  	(v2sf) =	vpush v9, $0x0;
	_ =	sdelay $0x7  }
0x1d1: {  	s13 =	sadd.s32 $0x1, s13  }
0x1d2: {  	v9 =	vld [tilespmem:s13+$0x0];
	_ =	sdelay $0x4  }
0x1d3: {  	(v2sf) =	vpush v9, $0x0  }
0x1d4: {  	s3 =	spop (v2sf)  }
0x1d5: {  	s3 =	ssub.s32 s3, s31  }
0x1d6: {  	v9 =	vmov s3  }
0x1d7: {  	v10 =	vshll.u32 v9, $0x3  }
0x1d8: {  	v9 =	vand.u32 $0x7F, v9;
	v10 =	vand.u32 $0xFFFFFC00, v10  }
0x1d9: {  	v9 =	vor.u32 v9, v10  }
0x1da: {  	v10 =	vadd.s32 v5, v9  }
0x1db: {  	v9 =	vadd.s32 v6, v9;
	_ =	sdelay $0x3  }
0x1dc: {  	v10 =	vld.idx.msk [tilespmem:v10+s19+$0x0], $0xffff  }
0x1dd: {  	v9 =	vld.idx.msk [tilespmem:v9+s19+$0x0], $0xffff;
	_ =	sdelay $0x1  }
0x1de: {  	s3 =	spop (v2sf)  }
0x1df: {  	s3 =	sshll.u32 s3, $0x4  }
.Ltmp33:
0x1e0: {  	s11 =	sadd.s32 $0x80, s11;
	s3 =	sand.u32 $0x1FFFFFF0, s3;
	(pc) =	sbr.rel @p4 .LBB2_50-.Ltmp33, $4  }
0x1e1: {  	s22 =	sadd.s32 $0x1, s22;
	[tilespmem:s11+$0x0] =	vst v10;
	s3 =	sadd.s32 s9, s3  }
0x1e2: {  	[tilespmem:s11+$0x10] =	vst v9;
	[hbm4b:s3+s7] =	stream.linear.scatter [tilespmem:s11], [sflag:$0x3], $0x80, $0x38  }
0x1e3: {  	v9 =	vld [tilespmem:s22+$0x0]  }
0x1e4: {  	s2 =	sadd.s32 $0xFFFFFFFF, s2  }
.LBB2_51:
0x1e5: {  	_ =	sdelay $0x2  }
0x1e6: {  	(v2sf) =	vpush v9, $0x0;
	_ =	sdelay $0x6  }
0x1e7: {  	s2 =	sadd.s32 @p3 $0x1, s13  }
0x1e8: {  	s10 =	smov.u32 @p3 s2  }
0x1e9: {  	v9 =	vld [tilespmem:s10+$0x0];
	_ =	sdelay $0x4  }
0x1ea: {  	(v2sf) =	vpush v9, $0x0  }
0x1eb: {  	s22 =	spop (v2sf)  }
0x1ec: {  	s2 =	ssub.s32 s22, s31  }
0x1ed: {  	v9 =	vmov s2  }
0x1ee: {  	v10 =	vshll.u32 v9, $0x3  }
0x1ef: {  	v9 =	vand.u32 $0x7F, v9;
	v10 =	vand.u32 $0xFFFFFC00, v10  }
0x1f0: {  	v9 =	vor.u32 v9, v10  }
0x1f1: {  	v10 =	vadd.s32 v5, v9  }
0x1f2: {  	v9 =	vadd.s32 v6, v9;
	_ =	sdelay $0x3  }
0x1f3: {  	v10 =	vld.idx.msk [tilespmem:v10+s19+$0x0], $0xffff  }
0x1f4: {  	v9 =	vld.idx.msk [tilespmem:v9+s19+$0x0], $0xffff;
	_ =	sdelay $0x1  }
0x1f5: {  	s3 =	sadd.s32 @p3 $0x80, s11;
	s31 =	spop (v2sf)  }
0x1f6: {  	s0 =	smov.u32 @p3 s3;
	s2 =	sshll.u32 s31, $0x4  }
.Ltmp34:
0x1f7: {  	s2 =	sand.u32 $0x1FFFFFF0, s2;
	[tilespmem:s0+$0x0] =	vst v10;
	(pc) =	sbr.rel @!p2 .LBB2_53-.Ltmp34, $4  }
0x1f8: {  	s2 =	sadd.s32 s9, s2;
	[tilespmem:s0+$0x10] =	vst v9  }
0x1f9: {  	[hbm4b:s2+s7] =	stream.linear.scatter [tilespmem:s0], [sflag:$0x3], $0x80, $0x38;
	[tilespmem:$0x15900] =	vst v63  }
0x1fa: {  	_ =	swait.ge [sflag:s18], $0x80  }
0x1fb: {  	[sflag:s18] =	ssyncset.done $0x0  }
.LBB2_52:
0x1fc: {  	p2 =	sne.s32 s6, $0x1;
	s6 =	sadd.s32 $0xFFFFFFFF, s6;
	[sflag:s18] =	ssyncadd.s32 $0xFFFFFF80  }
.Ltmp35:
0x1fd: {  	(pc) =	sbr.rel @p2 .LBB2_52-.Ltmp35, $3  }
0x1fe: {  	_ =	sdelay $0x1  }
0x1ff: {  	_ =	swait.ge [sflag:s18], $0x80  }
0x200: {  	[sflag:s18] =	ssyncset.done $0x0  }
.LBB2_53:
0x201: {  	[sflag:s18] =	ssyncadd.s32 $0xFFFFFF80  }
.LBB2_54:
0x202: {  	s0 =	sadd.s32 $0x2, s30;
	p2 =	seq.s32 s25, $0x1E  }
0x203: {  	v9 =	vld @!p2 [tilespmem:s0+$0x15800];
	_ =	sdelay $0x4  }
0x204: {  	(v2sf) =	vpush @!p2 v9, $0x0;
	_ =	sdelay $0xe  }
0x205: {  	s2 =	sshll.u32 @!p2 s0, $0x2;
	s3 =	spop @!p2 (v2sf)  }
0x206: {  	s2 =	sadd.s32 @!p2 s1, s2;
	p3 =	slt.s32 @!p2 s3, $0x1  }
0x207: {  	s2 =	smin.u32 @!p2 s2, $0x1E81;
	p3 =	por p3, p2  }
0x208: {  	s3 =	sshll.u32 @!p3 s2, $0x7  }
0x209: {  	s6 =	simm.s32 @!p3 $0x1000;
	s3 =	sand.u32 @!p3 $0xFFC80, s3  }
0x20a: {  	s10 =	simm.s32 @!p3 $0x7A1400;
	s11 =	simm.s32 @!p3 $0x1600;
	s3 =	sadd.s32 @!p3 s4, s3  }
0x20b: {  	[tilespmem:s11], [sflag:$0x1] =	stream.strided.gather @!p3 [hbm4b:s3+s6], $0x4000, s10, s6, $0x38;
	[tilespmem:$0x15900] =	vst v63  }
0x20c: {  	v9 =	vld @!p2 [tilespmem:s0+$0x15880];
	_ =	sdelay $0x4  }
0x20d: {  	(v2sf) =	vpush @!p2 v9, $0x0;
	_ =	sdelay $0xe  }
0x20e: {  	s0 =	spop @!p2 (v2sf)  }
0x20f: {  	p3 =	slt.s32 @!p2 s0, $0x1  }
0x210: {  	p2 =	por p3, p2  }
0x211: {  	s0 =	sshll.u32 @!p2 s2, $0x7  }
0x212: {  	s2 =	simm.s32 @!p2 $0x1000;
	s0 =	sand.u32 @!p2 $0xFFC80, s0  }
0x213: {  	s3 =	simm.s32 @!p2 $0x7A1400;
	s6 =	simm.s32 @!p2 $0x5600;
	s0 =	sadd.s32 @!p2 s5, s0  }
0x214: {  	[tilespmem:s6], [sflag:$0x1] =	stream.strided.gather @!p2 [hbm4b:s0+s2], $0x4000, s3, s2, $0x38;
	[tilespmem:$0x15900] =	vst v63  }
0x215: {  	v9 =	vld [tilespmem:s28+$0x15800];
	_ =	sdelay $0x4  }
0x216: {  	(v2sf) =	vpush v9, $0x0;
	_ =	sdelay $0xe  }
0x217: {  	s30 =	spop (v2sf)  }
0x218: {  	p2 =	slt.s32 s30, $0x1  }
0x219: {  	p3 =	slt.s32 @!p2 s23, $0x1  }
0x21a: {  	p3 =	por p2, p3  }
.Ltmp36:
0x21b: {  	_ = 	snop;
	(pc) =	sbr.rel @p3 .LBB2_69-.Ltmp36, $4  }
0x21c: {  	s0 =	simm.s32 @!p2 $0x2  }
0x21d: {  	_ =	swait.ge @!p2 [sflag:s0], $0x4000  }
0x21e: {  	s31 =	sadd.s32 $0x4, s29;
	[sflag:s0] =	ssyncset.done @!p2 $0x0  }
0x21f: {  	v10 =	vmov s31;
	v9 =	vmov s29;
	[sflag:s0] =	ssyncadd.s32 @!p2 $0xFFFFC000  }
.Ltmp37:
0x220: {  	(pc) =	sbr.rel @!p0 .LBB2_56-.Ltmp37, $3  }
0x221: {  	_ =	sdelay $0x1  }
0x222: {  	s2 =	simm.s32 $0x400;
	s6 =	simm.s32 $0x880  }
0x223: {  	s0 =	simm.s32 $0x0;
	p2 =	por $0x0, $0x0;
	v11 =	vld [tilespmem:s2+$0x0];
	s2 =	sadd.s32 $0xFFFFFFFF, s23  }
0x224: {  	_ =	sdelay $0x3  }
0x225: {  	v12 =	vshrl.u32 v11, $0x7  }
0x226: {  	v62 =	vor.u32 s0, v2;
	vm0 =	vge.u32 v12, v9;
	vm1 =	vlt.u32 v12, v10  }
0x227: {  	vm15 =	vlt.s32 v62, v7;
	vm0 =	vmand vm0, vm1  }
0x228: {  	vm0 =	vmand vm15, vm0  }
0x229: {  	v63 =	vmpcnt.ones.xlane vm0  }
0x22a: {  	v13 =	vld [tilespmem:s6+$0x0]  }
0x22b: {  	p3 =	sne.s32 s2, $0x1;
	(v2sf) =	vpush v63, $0x0  }
.Ltmp38:
0x22c: {  	p2 =	por $0x1, $0x1;
	s3 =	simm.s32 $0x0;
	(pc) =	sbr.rel @!p3 .LBB2_58-.Ltmp38, $4  }
0x22d: {  	s3 =	simm.s32 @!p2 $0x70  }
0x22e: {  	[tilespmem:s3+$0x11600] =	vst.msk vm0, v11  }
0x22f: {  	s13 =	simm.s32 $0x410;
	s22 =	sadd.s32 $0xFFFFFFFF, s2;
	s11 =	simm.s32 $0x0;
	[tilespmem:s3+$0x11700] =	vst.msk vm0, v13  }
0x230: {  	s2 =	simm.s32 $0x880;
	s10 =	simm.s32 $0x0;
	p2 =	por $0x1, $0x1;
	v11 =	vld [tilespmem:s13+$0x0]  }
.LBB2_59:
0x231: {  	p3 =	sne.s32 s22, $0x1;
	_ =	sdelay $0x3  }
0x232: {  	s11 =	sadd.s32 $0x10, s11;
	v12 =	vshrl.u32 v11, $0x7  }
0x233: {  	vm0 =	vge.u32 v12, v9;
	vm1 =	vlt.u32 v12, v10;
	v12 =	vor.u32 s11, v2  }
0x234: {  	vm0 =	vmand vm0, vm1;
	vm1 =	vlt.s32 v12, v7  }
0x235: {  	vm0 =	vmand vm1, vm0  }
0x236: {  	s2 =	sadd.s32 $0x10, s2;
	v12 =	vmpcnt.ones.xlane vm0  }
0x237: {  	v13 =	vld [tilespmem:s2+$0x0];
	s3 =	spop (v2sf)  }
0x238: {  	(v2sf) =	vpush v12, $0x0;
	s10 =	sadd.s32 s10, s3  }
.Ltmp39:
0x239: {  	p4 =	slt.s32 s10, $0x70;
	s3 =	smov.u32 s10;
	(pc) =	sbr.rel @p3 .LBB2_59-.Ltmp39, $4  }
0x23a: {  	s3 =	simm.s32 @!p4 $0x70  }
0x23b: {  	[tilespmem:s3+$0x11600] =	vst.msk vm0, v11  }
0x23c: {  	s13 =	sadd.s32 $0x10, s13;
	[tilespmem:s3+$0x11700] =	vst.msk vm0, v13  }
0x23d: {  	s22 =	sadd.s32 $0xFFFFFFFF, s22;
	v11 =	vld [tilespmem:s13+$0x0]  }
.LBB2_60:
0x23e: {  	_ =	sdelay $0x2  }
0x23f: {  	s3 =	sadd.s32 @p2 $0x10, s11;
	s11 =	simm.s32 $0x0  }
0x240: {  	s11 =	smov.u32 @p2 s3;
	v12 =	vshrl.u32 v11, $0x7  }
0x241: {  	v61 =	vor.u32 s11, v2;
	vm0 =	vge.u32 v12, v9;
	vm1 =	vlt.u32 v12, v10  }
0x242: {  	vm15 =	vlt.s32 v61, v7;
	vm0 =	vmand vm0, vm1  }
0x243: {  	vm0 =	vmand vm15, vm0  }
0x244: {  	v62 =	vmpcnt.ones.xlane vm0;
	_ =	sdelay $0x1  }
0x245: {  	(v2sf) =	vpush v62, $0x0;
	_ =	sdelay $0xc  }
0x246: {  	s2 =	sadd.s32 @p2 $0x10, s2;
	s3 =	spop @p2 (v2sf)  }
0x247: {  	s6 =	smov.u32 @p2 s2;
	s2 =	sadd.s32 @p2 s10, s3  }
0x248: {  	s0 =	smov.u32 @p2 s2;
	s31 =	spop (v2sf)  }
0x249: {  	p2 =	slt.s32 s0, $0x70;
	s3 =	smov.u32 s0;
	s2 =	sadd.s32 s0, s31  }
0x24a: {  	v63 =	vld [tilespmem:s6+$0x0];
	s3 =	simm.s32 @!p2 $0x70;
	p2 =	slt.s32 s2, $0x1  }
.Ltmp40:
0x24b: {  	_ = 	snop;
	(pc) =	sbr.rel @p2 .LBB2_69-.Ltmp40, $3  }
0x24c: {  	_ =	sdelay $0x1  }
0x24d: {  	[tilespmem:s3+$0x11600] =	vst.msk vm0, v11  }
0x24e: {  	[tilespmem:s3+$0x11700] =	vst.msk vm0, v63  }
0x24f: {  	p2 =	slt.s32 s2, $0x80  }
0x250: {  	s2 =	simm.s32 @!p2 $0x80  }
0x251: {  	p2 =	sne.s32 s2, $0x1  }
.Ltmp41:
0x252: {  	_ = 	snop;
	(pc) =	sbr.rel @!p2 .LBB2_62-.Ltmp41, $3  }
0x253: {  	_ =	sdelay $0x1  }
0x254: {  	s10 =	simm.s32 $0x11700;
	s3 =	simm.s32 $0x11600  }
0x255: {  	s0 =	simm.s32 $0x11800;
	p3 =	por $0x0, $0x0;
	v11 =	vld [tilespmem:s3+$0x0];
	s6 =	sadd.s32 $0xFFFFFFFF, s2  }
0x256: {  	_ =	sdelay $0x3  }
0x257: {  	(v2sf) =	vpush v11, $0x0;
	_ =	sdelay $0x8  }
0x258: {  	v11 =	vld [tilespmem:s10+$0x0];
	_ =	sdelay $0x4  }
0x259: {  	(v2sf) =	vpush v11, $0x0  }
0x25a: {  	s2 =	spop (v2sf)  }
0x25b: {  	s2 =	ssub.s32 s2, s26  }
0x25c: {  	v11 =	vmov s2  }
0x25d: {  	v12 =	vshll.u32 v11, $0x3  }
0x25e: {  	v11 =	vand.u32 $0x7F, v11;
	v12 =	vand.u32 $0xFFFFFC00, v12  }
0x25f: {  	v11 =	vor.u32 v11, v12  }
0x260: {  	v12 =	vadd.s32 v5, v11  }
0x261: {  	v11 =	vadd.s32 v6, v11;
	_ =	sdelay $0x3  }
0x262: {  	v12 =	vld.idx.msk [tilespmem:v12+s20+$0x0], $0xffff  }
0x263: {  	v11 =	vld.idx.msk [tilespmem:v11+s20+$0x0], $0xffff;
	_ =	sdelay $0x1  }
0x264: {  	s31 =	spop (v2sf)  }
0x265: {  	p4 =	sne.s32 s6, $0x1;
	s2 =	sshll.u32 s31, $0x4  }
.Ltmp42:
0x266: {  	s2 =	sand.u32 $0x1FFFFFF0, s2;
	[tilespmem:s0+$0x0] =	vst v12;
	(pc) =	sbr.rel @!p4 .LBB2_64-.Ltmp42, $4  }
0x267: {  	s22 =	simm.s32 $0x11601;
	s2 =	sadd.s32 s8, s2;
	[tilespmem:s0+$0x10] =	vst v11  }
0x268: {  	[hbm4b:s2+s7] =	stream.linear.scatter [tilespmem:s0], [sflag:$0x3], $0x80, $0x38;
	[tilespmem:$0x15900] =	vst v63  }
0x269: {  	p3 =	por $0x1, $0x1;
	v11 =	vld [tilespmem:s22+$0x0]  }
0x26a: {  	s13 =	simm.s32 $0x11700;
	s11 =	simm.s32 $0x11800;
	s2 =	sadd.s32 $0xFFFFFFFF, s6  }
.LBB2_65:
0x26b: {  	p4 =	sne.s32 s2, $0x1;
	_ =	sdelay $0x2  }
0x26c: {  	(v2sf) =	vpush v11, $0x0;
	_ =	sdelay $0x7  }
0x26d: {  	s13 =	sadd.s32 $0x1, s13  }
0x26e: {  	v11 =	vld [tilespmem:s13+$0x0];
	_ =	sdelay $0x4  }
0x26f: {  	(v2sf) =	vpush v11, $0x0  }
0x270: {  	s3 =	spop (v2sf)  }
0x271: {  	s3 =	ssub.s32 s3, s26  }
0x272: {  	v11 =	vmov s3  }
0x273: {  	v12 =	vshll.u32 v11, $0x3  }
0x274: {  	v11 =	vand.u32 $0x7F, v11;
	v12 =	vand.u32 $0xFFFFFC00, v12  }
0x275: {  	v11 =	vor.u32 v11, v12  }
0x276: {  	v12 =	vadd.s32 v5, v11  }
0x277: {  	v11 =	vadd.s32 v6, v11;
	_ =	sdelay $0x3  }
0x278: {  	v12 =	vld.idx.msk [tilespmem:v12+s20+$0x0], $0xffff  }
0x279: {  	v11 =	vld.idx.msk [tilespmem:v11+s20+$0x0], $0xffff;
	_ =	sdelay $0x1  }
0x27a: {  	s3 =	spop (v2sf)  }
0x27b: {  	s3 =	sshll.u32 s3, $0x4  }
.Ltmp43:
0x27c: {  	s11 =	sadd.s32 $0x80, s11;
	s3 =	sand.u32 $0x1FFFFFF0, s3;
	(pc) =	sbr.rel @p4 .LBB2_65-.Ltmp43, $4  }
0x27d: {  	s22 =	sadd.s32 $0x1, s22;
	[tilespmem:s11+$0x0] =	vst v12;
	s3 =	sadd.s32 s8, s3  }
0x27e: {  	[tilespmem:s11+$0x10] =	vst v11;
	[hbm4b:s3+s7] =	stream.linear.scatter [tilespmem:s11], [sflag:$0x3], $0x80, $0x38  }
0x27f: {  	v11 =	vld [tilespmem:s22+$0x0]  }
0x280: {  	s2 =	sadd.s32 $0xFFFFFFFF, s2  }
.LBB2_66:
0x281: {  	_ =	sdelay $0x2  }
0x282: {  	(v2sf) =	vpush v11, $0x0;
	_ =	sdelay $0x6  }
0x283: {  	s2 =	sadd.s32 @p3 $0x1, s13  }
0x284: {  	s10 =	smov.u32 @p3 s2  }
0x285: {  	v11 =	vld [tilespmem:s10+$0x0];
	_ =	sdelay $0x4  }
0x286: {  	(v2sf) =	vpush v11, $0x0  }
0x287: {  	s30 =	spop (v2sf)  }
0x288: {  	s2 =	ssub.s32 s30, s26  }
0x289: {  	v11 =	vmov s2  }
0x28a: {  	v12 =	vshll.u32 v11, $0x3  }
0x28b: {  	v11 =	vand.u32 $0x7F, v11;
	v12 =	vand.u32 $0xFFFFFC00, v12  }
0x28c: {  	v11 =	vor.u32 v11, v12  }
0x28d: {  	v12 =	vadd.s32 v5, v11  }
0x28e: {  	v11 =	vadd.s32 v6, v11;
	_ =	sdelay $0x3  }
0x28f: {  	v12 =	vld.idx.msk [tilespmem:v12+s20+$0x0], $0xffff  }
0x290: {  	v11 =	vld.idx.msk [tilespmem:v11+s20+$0x0], $0xffff;
	_ =	sdelay $0x1  }
0x291: {  	s3 =	sadd.s32 @p3 $0x80, s11;
	s31 =	spop (v2sf)  }
0x292: {  	s0 =	smov.u32 @p3 s3;
	s2 =	sshll.u32 s31, $0x4  }
.Ltmp44:
0x293: {  	s2 =	sand.u32 $0x1FFFFFF0, s2;
	[tilespmem:s0+$0x0] =	vst v12;
	(pc) =	sbr.rel @!p2 .LBB2_68-.Ltmp44, $4  }
0x294: {  	s2 =	sadd.s32 s8, s2;
	[tilespmem:s0+$0x10] =	vst v11  }
0x295: {  	[hbm4b:s2+s7] =	stream.linear.scatter [tilespmem:s0], [sflag:$0x3], $0x80, $0x38;
	[tilespmem:$0x15900] =	vst v63  }
0x296: {  	_ =	swait.ge [sflag:s18], $0x80  }
0x297: {  	[sflag:s18] =	ssyncset.done $0x0  }
.LBB2_67:
0x298: {  	p2 =	sne.s32 s6, $0x1;
	s6 =	sadd.s32 $0xFFFFFFFF, s6;
	[sflag:s18] =	ssyncadd.s32 $0xFFFFFF80  }
.Ltmp45:
0x299: {  	(pc) =	sbr.rel @p2 .LBB2_67-.Ltmp45, $3  }
0x29a: {  	_ =	sdelay $0x1  }
0x29b: {  	_ =	swait.ge [sflag:s18], $0x80  }
0x29c: {  	[sflag:s18] =	ssyncset.done $0x0  }
.LBB2_68:
0x29d: {  	[sflag:s18] =	ssyncadd.s32 $0xFFFFFF80  }
.LBB2_69:
0x29e: {  	v11 =	vld [tilespmem:s28+$0x15880];
	_ =	sdelay $0x4  }
0x29f: {  	(v2sf) =	vpush v11, $0x0;
	_ =	sdelay $0xe  }
0x2a0: {  	s0 =	spop (v2sf)  }
0x2a1: {  	p2 =	slt.s32 s0, $0x1  }
0x2a2: {  	p3 =	slt.s32 @!p2 s24, $0x1  }
0x2a3: {  	p3 =	por p2, p3  }
.Ltmp46:
0x2a4: {  	_ = 	snop;
	(pc) =	sbr.rel @p3 .LBB2_84-.Ltmp46, $4  }
0x2a5: {  	s0 =	simm.s32 @!p2 $0x2  }
0x2a6: {  	_ =	swait.ge @!p2 [sflag:s0], $0x4000  }
0x2a7: {  	[sflag:s0] =	ssyncset.done @!p2 $0x0  }
0x2a8: {  	[sflag:s0] =	ssyncadd.s32 @!p2 $0xFFFFC000  }
.Ltmp47:
0x2a9: {  	(pc) =	sbr.rel @!p1 .LBB2_71-.Ltmp47, $3  }
0x2aa: {  	_ =	sdelay $0x1  }
0x2ab: {  	s2 =	simm.s32 $0xD00;
	s6 =	simm.s32 $0x1180  }
0x2ac: {  	s0 =	simm.s32 $0x0;
	p2 =	por $0x0, $0x0;
	v11 =	vld [tilespmem:s2+$0x0];
	s2 =	sadd.s32 $0xFFFFFFFF, s24  }
0x2ad: {  	_ =	sdelay $0x3  }
0x2ae: {  	v12 =	vshrl.u32 v11, $0x7  }
0x2af: {  	v62 =	vor.u32 s0, v2;
	vm0 =	vge.u32 v12, v9;
	vm1 =	vlt.u32 v12, v10  }
0x2b0: {  	vm15 =	vlt.s32 v62, v8;
	vm0 =	vmand vm0, vm1  }
0x2b1: {  	vm0 =	vmand vm15, vm0  }
0x2b2: {  	v63 =	vmpcnt.ones.xlane vm0  }
0x2b3: {  	v13 =	vld [tilespmem:s6+$0x0]  }
0x2b4: {  	p3 =	sne.s32 s2, $0x1;
	(v2sf) =	vpush v63, $0x0  }
.Ltmp48:
0x2b5: {  	p2 =	por $0x1, $0x1;
	s3 =	simm.s32 $0x0;
	(pc) =	sbr.rel @!p3 .LBB2_73-.Ltmp48, $4  }
0x2b6: {  	s3 =	simm.s32 @!p2 $0x70  }
0x2b7: {  	[tilespmem:s3+$0x11600] =	vst.msk vm0, v11  }
0x2b8: {  	s13 =	simm.s32 $0xD10;
	s22 =	sadd.s32 $0xFFFFFFFF, s2;
	s11 =	simm.s32 $0x0;
	[tilespmem:s3+$0x11700] =	vst.msk vm0, v13  }
0x2b9: {  	s2 =	simm.s32 $0x1180;
	s10 =	simm.s32 $0x0;
	p2 =	por $0x1, $0x1;
	v11 =	vld [tilespmem:s13+$0x0]  }
.LBB2_74:
0x2ba: {  	p3 =	sne.s32 s22, $0x1;
	_ =	sdelay $0x3  }
0x2bb: {  	s11 =	sadd.s32 $0x10, s11;
	v12 =	vshrl.u32 v11, $0x7  }
0x2bc: {  	vm0 =	vge.u32 v12, v9;
	vm1 =	vlt.u32 v12, v10;
	v12 =	vor.u32 s11, v2  }
0x2bd: {  	vm0 =	vmand vm0, vm1;
	vm1 =	vlt.s32 v12, v8  }
0x2be: {  	vm0 =	vmand vm1, vm0  }
0x2bf: {  	s2 =	sadd.s32 $0x10, s2;
	v12 =	vmpcnt.ones.xlane vm0  }
0x2c0: {  	v13 =	vld [tilespmem:s2+$0x0];
	s3 =	spop (v2sf)  }
0x2c1: {  	(v2sf) =	vpush v12, $0x0;
	s10 =	sadd.s32 s10, s3  }
.Ltmp49:
0x2c2: {  	p4 =	slt.s32 s10, $0x70;
	s3 =	smov.u32 s10;
	(pc) =	sbr.rel @p3 .LBB2_74-.Ltmp49, $4  }
0x2c3: {  	s3 =	simm.s32 @!p4 $0x70  }
0x2c4: {  	[tilespmem:s3+$0x11600] =	vst.msk vm0, v11  }
0x2c5: {  	s13 =	sadd.s32 $0x10, s13;
	[tilespmem:s3+$0x11700] =	vst.msk vm0, v13  }
0x2c6: {  	s22 =	sadd.s32 $0xFFFFFFFF, s22;
	v11 =	vld [tilespmem:s13+$0x0]  }
.LBB2_75:
0x2c7: {  	_ =	sdelay $0x2  }
0x2c8: {  	s3 =	sadd.s32 @p2 $0x10, s11;
	s11 =	simm.s32 $0x0  }
0x2c9: {  	s11 =	smov.u32 @p2 s3;
	v12 =	vshrl.u32 v11, $0x7  }
0x2ca: {  	vm0 =	vge.u32 v12, v9;
	vm1 =	vlt.u32 v12, v10;
	v9 =	vor.u32 s11, v2  }
0x2cb: {  	vm0 =	vmand vm0, vm1;
	vm15 =	vlt.s32 v9, v8  }
0x2cc: {  	vm0 =	vmand vm15, vm0  }
0x2cd: {  	v9 =	vmpcnt.ones.xlane vm0;
	_ =	sdelay $0x1  }
0x2ce: {  	(v2sf) =	vpush v9, $0x0;
	_ =	sdelay $0xc  }
0x2cf: {  	s2 =	sadd.s32 @p2 $0x10, s2;
	s3 =	spop @p2 (v2sf)  }
0x2d0: {  	s6 =	smov.u32 @p2 s2;
	s2 =	sadd.s32 @p2 s10, s3  }
0x2d1: {  	s0 =	smov.u32 @p2 s2;
	s31 =	spop (v2sf)  }
0x2d2: {  	p2 =	slt.s32 s0, $0x70;
	s3 =	smov.u32 s0;
	s2 =	sadd.s32 s0, s31  }
0x2d3: {  	v9 =	vld [tilespmem:s6+$0x0];
	s3 =	simm.s32 @!p2 $0x70;
	p2 =	slt.s32 s2, $0x1  }
.Ltmp50:
0x2d4: {  	_ = 	snop;
	(pc) =	sbr.rel @p2 .LBB2_84-.Ltmp50, $3  }
0x2d5: {  	_ =	sdelay $0x1  }
0x2d6: {  	[tilespmem:s3+$0x11600] =	vst.msk vm0, v11  }
0x2d7: {  	[tilespmem:s3+$0x11700] =	vst.msk vm0, v9  }
0x2d8: {  	p2 =	slt.s32 s2, $0x80  }
0x2d9: {  	s2 =	simm.s32 @!p2 $0x80  }
0x2da: {  	p2 =	sne.s32 s2, $0x1  }
.Ltmp51:
0x2db: {  	_ = 	snop;
	(pc) =	sbr.rel @!p2 .LBB2_77-.Ltmp51, $3  }
0x2dc: {  	_ =	sdelay $0x1  }
0x2dd: {  	s10 =	simm.s32 $0x11700;
	s3 =	simm.s32 $0x11600  }
0x2de: {  	s0 =	simm.s32 $0x11800;
	p3 =	por $0x0, $0x0;
	v9 =	vld [tilespmem:s3+$0x0];
	s6 =	sadd.s32 $0xFFFFFFFF, s2  }
0x2df: {  	_ =	sdelay $0x3  }
0x2e0: {  	(v2sf) =	vpush v9, $0x0;
	_ =	sdelay $0x8  }
0x2e1: {  	v9 =	vld [tilespmem:s10+$0x0];
	_ =	sdelay $0x4  }
0x2e2: {  	(v2sf) =	vpush v9, $0x0  }
0x2e3: {  	s2 =	spop (v2sf)  }
0x2e4: {  	s2 =	ssub.s32 s2, s26  }
0x2e5: {  	v9 =	vmov s2  }
0x2e6: {  	v10 =	vshll.u32 v9, $0x3  }
0x2e7: {  	v9 =	vand.u32 $0x7F, v9;
	v10 =	vand.u32 $0xFFFFFC00, v10  }
0x2e8: {  	v9 =	vor.u32 v9, v10  }
0x2e9: {  	v10 =	vadd.s32 v5, v9  }
0x2ea: {  	v9 =	vadd.s32 v6, v9;
	_ =	sdelay $0x3  }
0x2eb: {  	v10 =	vld.idx.msk [tilespmem:v10+s21+$0x0], $0xffff  }
0x2ec: {  	v9 =	vld.idx.msk [tilespmem:v9+s21+$0x0], $0xffff;
	_ =	sdelay $0x1  }
0x2ed: {  	s31 =	spop (v2sf)  }
0x2ee: {  	p4 =	sne.s32 s6, $0x1;
	s2 =	sshll.u32 s31, $0x4  }
.Ltmp52:
0x2ef: {  	s2 =	sand.u32 $0x1FFFFFF0, s2;
	[tilespmem:s0+$0x0] =	vst v10;
	(pc) =	sbr.rel @!p4 .LBB2_79-.Ltmp52, $4  }
0x2f0: {  	s22 =	simm.s32 $0x11601;
	s2 =	sadd.s32 s9, s2;
	[tilespmem:s0+$0x10] =	vst v9  }
0x2f1: {  	[hbm4b:s2+s7] =	stream.linear.scatter [tilespmem:s0], [sflag:$0x3], $0x80, $0x38;
	[tilespmem:$0x15900] =	vst v63  }
0x2f2: {  	p3 =	por $0x1, $0x1;
	v9 =	vld [tilespmem:s22+$0x0]  }
0x2f3: {  	s13 =	simm.s32 $0x11700;
	s11 =	simm.s32 $0x11800;
	s2 =	sadd.s32 $0xFFFFFFFF, s6  }
.LBB2_80:
0x2f4: {  	p4 =	sne.s32 s2, $0x1;
	_ =	sdelay $0x2  }
0x2f5: {  	(v2sf) =	vpush v9, $0x0;
	_ =	sdelay $0x7  }
0x2f6: {  	s13 =	sadd.s32 $0x1, s13  }
0x2f7: {  	v9 =	vld [tilespmem:s13+$0x0];
	_ =	sdelay $0x4  }
0x2f8: {  	(v2sf) =	vpush v9, $0x0  }
0x2f9: {  	s3 =	spop (v2sf)  }
0x2fa: {  	s3 =	ssub.s32 s3, s26  }
0x2fb: {  	v9 =	vmov s3  }
0x2fc: {  	v10 =	vshll.u32 v9, $0x3  }
0x2fd: {  	v9 =	vand.u32 $0x7F, v9;
	v10 =	vand.u32 $0xFFFFFC00, v10  }
0x2fe: {  	v9 =	vor.u32 v9, v10  }
0x2ff: {  	v10 =	vadd.s32 v5, v9  }
0x300: {  	v9 =	vadd.s32 v6, v9;
	_ =	sdelay $0x3  }
0x301: {  	v10 =	vld.idx.msk [tilespmem:v10+s21+$0x0], $0xffff  }
0x302: {  	v9 =	vld.idx.msk [tilespmem:v9+s21+$0x0], $0xffff;
	_ =	sdelay $0x1  }
0x303: {  	s3 =	spop (v2sf)  }
0x304: {  	s3 =	sshll.u32 s3, $0x4  }
.Ltmp53:
0x305: {  	s11 =	sadd.s32 $0x80, s11;
	s3 =	sand.u32 $0x1FFFFFF0, s3;
	(pc) =	sbr.rel @p4 .LBB2_80-.Ltmp53, $4  }
0x306: {  	s22 =	sadd.s32 $0x1, s22;
	[tilespmem:s11+$0x0] =	vst v10;
	s3 =	sadd.s32 s9, s3  }
0x307: {  	[tilespmem:s11+$0x10] =	vst v9;
	[hbm4b:s3+s7] =	stream.linear.scatter [tilespmem:s11], [sflag:$0x3], $0x80, $0x38  }
0x308: {  	v9 =	vld [tilespmem:s22+$0x0]  }
0x309: {  	s2 =	sadd.s32 $0xFFFFFFFF, s2  }
.LBB2_81:
0x30a: {  	_ =	sdelay $0x2  }
0x30b: {  	(v2sf) =	vpush v9, $0x0;
	_ =	sdelay $0x6  }
0x30c: {  	s2 =	sadd.s32 @p3 $0x1, s13  }
0x30d: {  	s10 =	smov.u32 @p3 s2  }
0x30e: {  	v9 =	vld [tilespmem:s10+$0x0];
	_ =	sdelay $0x4  }
0x30f: {  	(v2sf) =	vpush v9, $0x0  }
0x310: {  	s30 =	spop (v2sf)  }
0x311: {  	s2 =	ssub.s32 s30, s26  }
0x312: {  	v9 =	vmov s2  }
0x313: {  	v10 =	vshll.u32 v9, $0x3  }
0x314: {  	v9 =	vand.u32 $0x7F, v9;
	v10 =	vand.u32 $0xFFFFFC00, v10  }
0x315: {  	v9 =	vor.u32 v9, v10  }
0x316: {  	v10 =	vadd.s32 v5, v9  }
0x317: {  	v9 =	vadd.s32 v6, v9;
	_ =	sdelay $0x3  }
0x318: {  	v10 =	vld.idx.msk [tilespmem:v10+s21+$0x0], $0xffff  }
0x319: {  	v9 =	vld.idx.msk [tilespmem:v9+s21+$0x0], $0xffff;
	_ =	sdelay $0x1  }
0x31a: {  	s3 =	sadd.s32 @p3 $0x80, s11;
	s31 =	spop (v2sf)  }
0x31b: {  	s0 =	smov.u32 @p3 s3;
	s2 =	sshll.u32 s31, $0x4  }
.Ltmp54:
0x31c: {  	s2 =	sand.u32 $0x1FFFFFF0, s2;
	[tilespmem:s0+$0x0] =	vst v10;
	(pc) =	sbr.rel @!p2 .LBB2_83-.Ltmp54, $4  }
0x31d: {  	s2 =	sadd.s32 s9, s2;
	[tilespmem:s0+$0x10] =	vst v9  }
0x31e: {  	[hbm4b:s2+s7] =	stream.linear.scatter [tilespmem:s0], [sflag:$0x3], $0x80, $0x38;
	[tilespmem:$0x15900] =	vst v63  }
0x31f: {  	_ =	swait.ge [sflag:s18], $0x80  }
0x320: {  	[sflag:s18] =	ssyncset.done $0x0  }
.LBB2_82:
0x321: {  	p2 =	sne.s32 s6, $0x1;
	s6 =	sadd.s32 $0xFFFFFFFF, s6;
	[sflag:s18] =	ssyncadd.s32 $0xFFFFFF80  }
.Ltmp55:
0x322: {  	(pc) =	sbr.rel @p2 .LBB2_82-.Ltmp55, $3  }
0x323: {  	_ =	sdelay $0x1  }
0x324: {  	_ =	swait.ge [sflag:s18], $0x80  }
0x325: {  	[sflag:s18] =	ssyncset.done $0x0  }
.Ltmp56:
0x326: {  	_ = 	snop;
	(pc) =	sbr.rel .LBB2_83-.Ltmp56, $1  }
0x327: {  	_ =	sdelay $0x3  }
.LBB2_26:
.Ltmp57:
0x328: {  	(pc) =	sbr.rel .LBB2_30-.Ltmp57, $2  }
0x329: {  	_ =	sdelay $0x2  }
0x32a: {  	s11 =	simm.s32 $0x0;
	s2 =	simm.s32 $0x880;
	s10 =	simm.s32 $0x0  }
.LBB2_41:
.Ltmp58:
0x32b: {  	(pc) =	sbr.rel .LBB2_45-.Ltmp58, $2  }
0x32c: {  	_ =	sdelay $0x2  }
0x32d: {  	s11 =	simm.s32 $0x0;
	s2 =	simm.s32 $0x1180;
	s10 =	simm.s32 $0x0  }
.LBB2_56:
.Ltmp59:
0x32e: {  	(pc) =	sbr.rel .LBB2_60-.Ltmp59, $2  }
0x32f: {  	_ =	sdelay $0x2  }
0x330: {  	s11 =	simm.s32 $0x0;
	s2 =	simm.s32 $0x880;
	s10 =	simm.s32 $0x0  }
.LBB2_71:
.Ltmp60:
0x331: {  	(pc) =	sbr.rel .LBB2_75-.Ltmp60, $2  }
0x332: {  	_ =	sdelay $0x2  }
0x333: {  	s11 =	simm.s32 $0x0;
	s2 =	simm.s32 $0x1180;
	s10 =	simm.s32 $0x0  }
.LBB2_28:
.Ltmp61:
0x334: {  	(pc) =	sbr.rel .LBB2_30-.Ltmp61, $2  }
0x335: {  	_ =	sdelay $0x2  }
0x336: {  	s11 =	simm.s32 $0x0;
	s2 =	simm.s32 $0x880;
	s10 =	simm.s32 $0x0  }
.LBB2_43:
.Ltmp62:
0x337: {  	(pc) =	sbr.rel .LBB2_45-.Ltmp62, $2  }
0x338: {  	_ =	sdelay $0x2  }
0x339: {  	s11 =	simm.s32 $0x0;
	s2 =	simm.s32 $0x1180;
	s10 =	simm.s32 $0x0  }
.LBB2_58:
.Ltmp63:
0x33a: {  	(pc) =	sbr.rel .LBB2_60-.Ltmp63, $2  }
0x33b: {  	_ =	sdelay $0x2  }
0x33c: {  	s11 =	simm.s32 $0x0;
	s2 =	simm.s32 $0x880;
	s10 =	simm.s32 $0x0  }
.LBB2_73:
.Ltmp64:
0x33d: {  	(pc) =	sbr.rel .LBB2_75-.Ltmp64, $2  }
0x33e: {  	_ =	sdelay $0x2  }
0x33f: {  	s11 =	simm.s32 $0x0;
	s2 =	simm.s32 $0x1180;
	s10 =	simm.s32 $0x0  }
.LBB2_32:
.Ltmp65:
0x340: {  	(pc) =	sbr.rel .LBB2_36-.Ltmp65, $2  }
0x341: {  	_ =	sdelay $0x2  }
0x342: {  	s13 =	simm.s32 $0x11700;
	s11 =	simm.s32 $0x11800  }
.LBB2_47:
.Ltmp66:
0x343: {  	(pc) =	sbr.rel .LBB2_51-.Ltmp66, $2  }
0x344: {  	_ =	sdelay $0x2  }
0x345: {  	s13 =	simm.s32 $0x11700;
	s11 =	simm.s32 $0x11800  }
.LBB2_62:
.Ltmp67:
0x346: {  	(pc) =	sbr.rel .LBB2_66-.Ltmp67, $2  }
0x347: {  	_ =	sdelay $0x2  }
0x348: {  	s13 =	simm.s32 $0x11700;
	s11 =	simm.s32 $0x11800  }
.LBB2_77:
.Ltmp68:
0x349: {  	(pc) =	sbr.rel .LBB2_81-.Ltmp68, $2  }
0x34a: {  	_ =	sdelay $0x2  }
0x34b: {  	s13 =	simm.s32 $0x11700;
	s11 =	simm.s32 $0x11800  }
.LBB2_34:
.Ltmp69:
0x34c: {  	(pc) =	sbr.rel .LBB2_36-.Ltmp69, $2  }
0x34d: {  	_ =	sdelay $0x2  }
0x34e: {  	s13 =	simm.s32 $0x11700;
	s11 =	simm.s32 $0x11800  }
.LBB2_49:
.Ltmp70:
0x34f: {  	(pc) =	sbr.rel .LBB2_51-.Ltmp70, $2  }
0x350: {  	_ =	sdelay $0x2  }
0x351: {  	s13 =	simm.s32 $0x11700;
	s11 =	simm.s32 $0x11800  }
.LBB2_64:
.Ltmp71:
0x352: {  	(pc) =	sbr.rel .LBB2_66-.Ltmp71, $2  }
0x353: {  	_ =	sdelay $0x2  }
0x354: {  	s13 =	simm.s32 $0x11700;
	s11 =	simm.s32 $0x11800  }
.LBB2_79:
.Ltmp72:
0x355: {  	(pc) =	sbr.rel .LBB2_81-.Ltmp72, $2  }
0x356: {  	_ =	sdelay $0x2  }
0x357: {  	s13 =	simm.s32 $0x11700;
	s11 =	simm.s32 $0x11800  }
.LBB2_11:
.Ltmp73:
0x358: {  	(pc) =	sbr.rel .LBB2_15-.Ltmp73, $2  }
0x359: {  	_ =	sdelay $0x2  }
0x35a: {  	s2 =	simm.s32 $0x0  }
.LBB2_18:
.Ltmp74:
0x35b: {  	(pc) =	sbr.rel .LBB2_22-.Ltmp74, $2  }
0x35c: {  	_ =	sdelay $0x2  }
0x35d: {  	s2 =	simm.s32 $0x0  }
.LBB2_13:
.Ltmp75:
0x35e: {  	(pc) =	sbr.rel .LBB2_15-.Ltmp75, $2  }
0x35f: {  	_ =	sdelay $0x2  }
0x360: {  	s2 =	simm.s32 $0x0  }
.LBB2_20:
.Ltmp76:
0x361: {  	(pc) =	sbr.rel .LBB2_22-.Ltmp76, $2  }
0x362: {  	_ =	sdelay $0x2  }
0x363: {  	s2 =	simm.s32 $0x0  }
.LBB2_86:
0x364: {  	_ =	sfence.sel $0x180000  }
0x365: {  	[bflag:$0x0] =	sbarrier.arrive $0xFFFF  }
0x366: {  	_ =	strace $0x90000047  }
0x367: {  	s0 =	stileid.u32;
	[bflag:$0x2] =	sbarrier.arrive $0xFFFF  }
0x368: {  	p0 =	sne.s32 s0, $0x0;
	s0 =	rddreg [dreg:$0x5]  }
0x369: {  	s0 =	sadd.s32 @!p0 $0x100000, s0  }
0x36a: {  	[sflag:s0] =	ssyncadd.tile.s32 @!p0 $0x1;
	_ =	shalt  }
.Lfunc_end2:
_tile_overlayer_lowered:
.L_overlay_start_2:
0x36b: {  	(tag) =	ssettag $0x2  }
0x36c: {  	s0 =	rddreg [dreg:$0x0];
	s2 =	stileid.u32  }
0x36d: {  	s1 =	rddreg [dreg:$0x1];
	p0 =	sne.s32 s2, $0x0  }
0x36e: {  	s3 =	rddreg [dreg:$0x2];
	[bflag:$0x3] =	sbarrier.arrive $0xFFFF;
	s2 =	simm.s32 @!p0 $0x1C04  }
0x36f: {  	[timem:s3], [sflag:s2] =	dma.local @!p0 [hbm:s0], s1  }
0x370: {  	s0 =	simm.s32 @!p0 $0x4  }
0x371: {  	_ =	swait.ge @!p0 [sflag:s0], s1  }
0x372: {  	s1 =	ssub.s32 @!p0 $0x0, s1;
	[sflag:s0] =	ssyncset.done @!p0 $0x0  }
0x373: {  	[sflag:s0] =	ssyncadd.s32 @!p0 s1  }
0x374: {  	[bflag:$0x3] =	sbarrier.arrive $0xFFFF  }
0x375: {  	_ =	shalt  }

// kernel: kernel.7.cloned.1.call-start
scs
__scs_entry_jumppad:
0x0: {  	(pc) =	sbr.rel $0x88, $3  }
0x1: {  	(tag) =	ssettag $0x0;
	lr =	simm.s32 $0x1  }
0x2: {  	[smem:$0x3F9D] =	sst lr;
	_ =	strace $0xD0000000  }
0x3: {  	_ = 	snop  }
0x4: {  	_ = 	snop  }
0x5: {  	_ = 	snop  }
0x6: {  	_ = 	snop  }
0x7: {  	_ = 	snop  }
__scs_overlays_trampoline_lowered:
0x8: {  	[smem:$0x3FAC] =	sst s0  }
0x9: {  	[smem:$0x3FAD] =	sst s1  }
0xa: {  	[smem:$0x3FAE] =	sst s2  }
0xb: {  	[smem:$0x3FAF] =	sst s3  }
0xc: {  	[smem:$0x3FB0] =	sst s4  }
0xd: {  	[smem:$0x3FB1] =	sst s5  }
0xe: {  	[smem:$0x3FB2] =	sst s6  }
0xf: {  	[smem:$0x3FB3] =	sst s7  }
0x10: {  	[smem:$0x3FB4] =	sst s8  }
0x11: {  	[smem:$0x3FB5] =	sst s9;
	s0 =	simm.s32 @!p0 $0x0  }
0x12: {  	s1 =	sld [smem:$0x3F9B];
	s0 =	simm.s32 @p0 $0x1  }
0x13: {  	[smem:$0x3FB6] =	sst s0;
	s0 =	simm.s32 @!p1 $0x0  }
0x14: {  	s2 =	sld [smem:$0x3F9A];
	s0 =	simm.s32 @p1 $0x1  }
0x15: {  	[smem:$0x3FB7] =	sst s0;
	s0 =	simm.s32 @!p2 $0x0  }
0x16: {  	s3 =	sld [smem:$0x3FDB];
	s0 =	simm.s32 @p2 $0x1  }
0x17: {  	s4 =	simm.s32 $0x1BF5;
	[smem:$0x3FB9] =	sst s0  }
0x18: {  	s0 =	sld [smem:$0x3F9C];
	_ =	swait.ge [sflag:s4], $0x0  }
0x19: {  	s7 =	sld [smem:$0x3F9D]  }
0x1a: {  	s8 =	sadd.s32 $0xFFFFE003, lr  }
0x1b: {  	s9 =	sadd.s32 $0xFFFFFEF7, lr;
	s5 =	simm.s32 $0xFFFFFFFF;
	p2 =	slt.u32 s8, $0xFFFFF086  }
0x1c: {  	p1 =	slt.u32 s9, $0xF7A;
	s5 =	simm.s32 @!p2 $0x0  }
0x1d: {  	s5 =	simm.s32 @p1 $0x1;
	p0 =	seq.s32 s7, s2  }
0x1e: {  	s7 =	smul.u32 @!p0 $0xF7A, s2;
	p2 =	seq.s32 @!p0 s5, $0x0  }
0x1f: {  	s9 =	smul.u32 $0xF7A, s1;
	s8 =	simm.s32 @!p0 $0x1BF5;
	p2 =	por !p2, p0  }
0x20: {  	[sflag:s8] =	ssyncset.s32 @!p0 $0xFFFFF086;
	s6 =	sadd.s32 @!p0 s3, s7;
	s7 =	simm.s32 @!p0 $0x108  }
0x21: {  	s3 =	sadd.s32 s3, s9;
	s6 =	sadd.s32 @!p0 $0x88, s6;
	s7 =	simm.s32 @p2 $0x1082  }
0x22: {  	[simem:s7], [sflag:s8] =	dma.local @!p0 [hbm:s6], $0xF7A  }
0x23: {  	s9 =	sor.u32 $0xD0000000, s2;
	s6 =	simm.s32 $0x108;
	_ =	swait.ge @!p0 [sflag:s8], $0x0  }
0x24: {  	s3 =	sadd.s32 $0x88, s3;
	s6 =	simm.s32 @!p1 $0x1082;
	[sflag:s4] =	ssyncset.s32 $0xFFFFF086  }
0x25: {  	[simem:s6], [sflag:s4] =	dma.local [hbm:s3], $0xF7A  }
0x26: {  	[smem:$0x3F9D] =	sst s1;
	(tag) =	ssettag s2;
	_ =	strace s9  }
0x27: {  	s1 =	sld [smem:$0x3FAD]  }
0x28: {  	s2 =	sld [smem:$0x3FAE]  }
0x29: {  	s4 =	sld [smem:$0x3FB0]  }
0x2a: {  	p0 =	seq.s32 s5, $0x0;
	s5 =	sld [smem:$0x3FB1]  }
0x2b: {  	s6 =	sld [smem:$0x3FB2]  }
0x2c: {  	s7 =	sld [smem:$0x3FB3]  }
0x2d: {  	s3 =	simm.s32 $0x108;
	s8 =	sld [smem:$0x3FB4]  }
0x2e: {  	s3 =	simm.s32 @!p0 $0x1082;
	s9 =	sld [smem:$0x3FB5]  }
0x2f: {  	lr =	sadd.s32 s0, s3;
	s0 =	sld [smem:$0x3FAC]  }
0x30: {  	s3 =	sld [smem:$0x3FAF]  }
0x31: {  	[smem:$0x3FB8] =	sst s10  }
0x32: {  	s10 =	sld [smem:$0x3FB6];
	_ =	sdelay $0x3  }
0x33: {  	p0 =	seq.s32 s10, $0x1;
	s10 =	sld [smem:$0x3FB8];
	_ =	sdelay $0x3  }
0x34: {  	[smem:$0x3FB8] =	sst s10  }
0x35: {  	s10 =	sld [smem:$0x3FB7];
	_ =	sdelay $0x3  }
0x36: {  	p1 =	seq.s32 s10, $0x1;
	s10 =	sld [smem:$0x3FB8];
	_ =	sdelay $0x3  }
0x37: {  	[smem:$0x3FB8] =	sst s10  }
0x38: {  	s10 =	sld [smem:$0x3FB9]  }
0x39: {  	_ = 	snop;
	(pc) =	sbr.ind lr, $3  }
0x3a: {  	_ = 	snop  }
0x3b: {  	_ = 	snop  }
0x3c: {  	p2 =	seq.s32 s10, $0x1;
	s10 =	sld [smem:$0x3FB8]  }
0x3d: {  	_ =	shalt  }
0x3e: {  	_ =	shalt  }
0x3f: {  	_ =	shalt  }
0x40: {  	_ =	shalt  }
0x41: {  	_ =	shalt  }
0x42: {  	_ =	shalt  }
0x43: {  	_ =	shalt  }
0x44: {  	_ =	shalt  }
0x45: {  	_ =	shalt  }
0x46: {  	_ =	shalt  }
0x47: {  	_ =	shalt  }
0x48: {  	_ =	shalt  }
0x49: {  	_ =	shalt  }
0x4a: {  	_ =	shalt  }
0x4b: {  	_ =	shalt  }
0x4c: {  	_ =	shalt  }
0x4d: {  	_ =	shalt  }
0x4e: {  	_ =	shalt  }
0x4f: {  	_ =	shalt  }
0x50: {  	_ =	shalt  }
0x51: {  	_ =	shalt  }
0x52: {  	_ =	shalt  }
0x53: {  	_ =	shalt  }
0x54: {  	_ =	shalt  }
0x55: {  	_ =	shalt  }
0x56: {  	_ =	shalt  }
0x57: {  	_ =	shalt  }
0x58: {  	_ =	shalt  }
0x59: {  	_ =	shalt  }
0x5a: {  	_ =	shalt  }
0x5b: {  	_ =	shalt  }
0x5c: {  	_ =	shalt  }
0x5d: {  	_ =	shalt  }
0x5e: {  	_ =	shalt  }
0x5f: {  	_ =	shalt  }
0x60: {  	_ =	shalt  }
0x61: {  	_ =	shalt  }
0x62: {  	_ =	shalt  }
0x63: {  	_ =	shalt  }
0x64: {  	_ =	shalt  }
0x65: {  	_ =	shalt  }
0x66: {  	_ =	shalt  }
0x67: {  	_ =	shalt  }
0x68: {  	_ =	shalt  }
0x69: {  	_ =	shalt  }
0x6a: {  	_ =	shalt  }
0x6b: {  	_ =	shalt  }
0x6c: {  	_ =	shalt  }
0x6d: {  	_ =	shalt  }
0x6e: {  	_ =	shalt  }
0x6f: {  	_ =	shalt  }
0x70: {  	_ =	shalt  }
0x71: {  	_ =	shalt  }
0x72: {  	_ =	shalt  }
0x73: {  	_ =	shalt  }
0x74: {  	_ =	shalt  }
0x75: {  	_ =	shalt  }
0x76: {  	_ =	shalt  }
0x77: {  	_ =	shalt  }
0x78: {  	_ =	shalt  }
0x79: {  	_ =	shalt  }
0x7a: {  	_ =	shalt  }
0x7b: {  	_ =	shalt  }
0x7c: {  	_ =	shalt  }
0x7d: {  	_ =	shalt  }
0x7e: {  	_ =	shalt  }
0x7f: {  	_ =	shalt  }
0x80: {  	_ =	shalt  }
0x81: {  	_ =	shalt  }
0x82: {  	_ =	shalt  }
0x83: {  	_ =	shalt  }
0x84: {  	_ =	shalt  }
0x85: {  	_ =	shalt  }
0x86: {  	_ =	shalt  }
0x87: {  	_ =	shalt  }
.Lfunc_end0:
.L_simem_size_0:
called_computation.1_lowered:
.L_overlay_start_0:
0x88: {  	s2 =	sld [smem:$0x3FD9]  }
0x89: {  	s3 =	sld [smem:$0x3FFE];
	_ =	sdelay $0x1  }
0x8a: {  	s1 =	srdreg.scid  }
0x8b: {  	s0 =	sand.u32 $0x1, s1  }
0x8c: {  	s17 =	sshll.u32 s0, $0xA;
	s2 =	sadd.s32 s3, s2  }
0x8d: {  	s2 =	sadd.s32 s2, s17  }
0x8e: {  	[smem:$0x3FC4] =	sst s2  }
0x8f: {  	_ = 	snop  }
0x90: {  	s2 =	sld [smem:$0x3FD0];
	(tm) =	ssettm $0x1  }
0x91: {  	s18 =	sld [smem:$0x3FFB];
	_ =	sdelay $0x3  }
0x92: {  	_ =	strace s18  }
0x93: {  	s3 =	sld [smem:$0x3FFC];
	_ =	sdelay $0x3  }
0x94: {  	_ =	strace s3  }
0x95: {  	s3 =	sld [smem:$0x3FFD];
	_ =	sdelay $0x3  }
0x96: {  	_ =	strace s3  }
0x97: {  	_ =	strace $0x8FFFFFFF  }
0x98: {  	s19 =	sld [smem:$0x3FDB];
	_ =	sdelay $0x1  }
0x99: {  	s4 =	simm.s32 $_scs_section_size  }
0x9a: {  	s5 =	simm.s32 $_size__tile_overlayer_lowered;
	s6 =	simm.s32 $_tile_overlayer_lowered  }
0x9b: {  	s22 =	simm.s32 $0x1BFF;
	s21 =	sshll.u32 s6, $0x1;
	s3 =	sadd.s32 s4, s19  }
0x9c: {  	s7 =	simm.s32 $0x0;
	s20 =	sshll.u32 s5, $0x1;
	s5 =	sadd.s32 s21, s3  }
0x9d: {  	[timem:s7], [sflag:s22] =	dma.local [hbm:s5], s20  }
0x9e: {  	_ =	swait.ge [sflag:s22], s20  }
0x9f: {  	s4 =	ssub.s32 $0x0, s20;
	[sflag:s22] =	ssyncset.done $0x0  }
0xa0: {  	[sflag:s22] =	ssyncadd.s32 s4;
	_ =	sdelay $0x1  }
0xa1: {  	s23 =	simm.s32 $0x1B8B  }
0xa2: {  	_ =	swait.ge [sflag:s23], $0x1  }
0xa3: {  	[sflag:s23] =	ssyncset.done $0x0  }
0xa4: {  	s25 =	simm.s32 $0x1B8E;
	s24 =	sld [smem:$0x3FFE];
	[sflag:s23] =	ssyncadd.s32 $0xFFFFFFFF  }
0xa5: {  	s26 =	simm.s32 $execute0_lowered;
	[smem:$0x3FD2] =	sst s25  }
0xa6: {  	s5 =	sshll.u32 s26, $0x1;
	_ =	strace $0x80000049;
	[dreg:$0x1] =	wrdreg $0xFFFFFFFF  }
0xa7: {  	s28 =	simm.s32 $_size_execute0_lowered;
	s3 =	sadd.s32 s3, s5;
	[dreg:$0x0] =	wrdreg $0x0  }
0xa8: {  	s5 =	sshll.u32 s28, $0x1;
	[dreg:$0x2] =	wrdreg s3  }
0xa9: {  	[dreg:$0x3] =	wrdreg s5  }
0xaa: {  	[dreg:$0x4] =	wrdreg $0xC0  }
0xab: {  	_ =	task [dreg:s7], $0x5FFFF  }
0xac: {  	[dreg:$0x1] =	wrdreg $0xFFFFFFFF  }
0xad: {  	[dreg:$0x0] =	wrdreg $0x60  }
0xae: {  	[dreg:$0x2] =	wrdreg s24  }
0xaf: {  	[dreg:$0x3] =	wrdreg s2  }
0xb0: {  	[dreg:$0x4] =	wrdreg $0x9  }
0xb1: {  	_ =	task.clear_ibuf [dreg:s7], $0x5FFFF;
	_ =	strace $0x90000049  }
0xb2: {  	s29 =	simm.s32 $0x9;
	_ =	strace $0x8000004B  }
0xb3: {  	_ =	swait.ge [sflag:s29], $0x1  }
0xb4: {  	[sflag:s29] =	ssyncadd.s32 $0xFFFFFFFF  }
0xb5: {  	_ =	strace $0x9000004B  }
0xb6: {  	_ =	sfence  }
0xb7: {  	s30 =	sld [smem:$0x0];
	_ =	sdelay $0x2  }
0xb8: {  	s31 =	sshll.u32 s1, $0xD;
	s1 =	sshrl.u32 s1, $0x2  }
0xb9: {  	s3 =	sand.u32 $0x4000, s31;
	s1 =	sadd.s32 s1, s30  }
0xba: {  	s0 =	sor.u32 s3, s0;
	s1 =	sshll.u32 s1, $0x11  }
0xbb: {  	s0 =	sor.u32 s1, s0  }
0xbc: {  	s0 =	sadd.s32 $0x8F2B, s0  }
0xbd: {  	[sflag:s0] =	ssyncadd.remote.s32 $0x1  }
0xbe: {  	_ =	sfence.sel $0xFFFF  }
0xbf: {  	[dreg:$0x0] =	wrdreg $0xFFFFFFFF;
	(pc) =	sbr.abs _section_cstart, $3  }
0xc0: {  	[dreg:$0x1] =	wrdreg $0xFFFFFFFF  }
0xc1: {  	_ =	task.clear_ibuf [dreg:s7], $0x2FFFF;
	_ =	strace $0x9FFFFFFF  }
0xc2: {  	(tm) =	ssettm $0x7FFFFFFF  }
0xc3: {  	_ =	shalt  }
tec
execute0_lowered:
.L_overlay_start_1:
0x0: {  	(tag) =	ssettag $0x1  }
0x1: {  	s4 =	rddreg [dreg:$0x0]  }
0x2: {  	s1 =	rddreg [dreg:$0x1]  }
0x3: {  	s0 =	rddreg [dreg:$0x2];
	s2 =	simm.s32 $0x0  }
0x4: {  	s3 =	srdreg.scid;
	s9 =	simm.s32 $0x8000;
	s10 =	simm.s32 $0x10000  }
0x5: {  	vm0 =	vmmov $0x1;
	vm1 =	vmmov $0x3;
	vm2 =	vmmov $0x7;
	s11 =	simm.s32 $0x0;
	[smem:$0x7FF] =	sst s2;
	s6 =	sand.u32 $0x1, s3  }
0x6: {  	vm3 =	vmmov $0xf;
	vm4 =	vmmov $0x1f;
	vm5 =	vmmov $0x3f;
	s3 =	sadd.s32 $0xC00, s4;
	s5 =	sadd.s32 $0x40C00, s4;
	s7 =	ssub.s32 $0x2, s6  }
0x7: {  	vm6 =	vmmov $0x7f;
	vm7 =	vmmov $0xff;
	vm8 =	vmmov $0x1ff;
	s4 =	stileid.u32;
	_ =	strace $0x8000004A;
	s8 =	sshrl.u32 s7, $0x1  }
0x8: {  	vm9 =	vmmov $0x3ff;
	vm10 =	vmmov $0x7ff;
	vm11 =	vmmov $0xfff;
	s31 =	sshll.u32 s4, $0xA;
	s6 =	sshll.u32 s6, $0x9;
	s7 =	ssub.s32 s7, s8  }
0x9: {  	vm12 =	vmmov $0x1fff;
	vm13 =	vmmov $0x3fff;
	vm14 =	vmmov $0x7fff;
	s6 =	sor.u32 s6, s31;
	s8 =	simm.s32 $0x1;
	s7 =	smax.u32 s7, $0x1  }
.LBB2_1:
0xa: {  	p1 =	por $0x1, $0x1;
	s12 =	simm.s32 $0x0  }
.LBB2_2:
0xb: {  	s12 =	sor.u32 s6, s12  }
0xc: {  	s13 =	sshll.u32 s12, $0x4  }
0xd: {  	s15 =	simm.s32 $0x0;
	s14 =	sadd.s32 s3, s13  }
0xe: {  	[tilespmem:s15], [sflag:$0x1] =	stream.linear.gather [hbm4b:s14+s15], $0x8000, $0x38;
	[tilespmem:$0x10100] =	vst v63  }
0xf: {  	_ =	swait.ge [sflag:s8], $0x8000  }
0x10: {  	[sflag:s8] =	ssyncset.done $0x0  }
0x11: {  	s13 =	sadd.s32 s5, s13;
	[sflag:s8] =	ssyncadd.s32 $0xFFFF8000  }
0x12: {  	[tilespmem:s9], [sflag:$0x1] =	stream.linear.gather [hbm4b:s13+s15], $0x8000, $0x38;
	[tilespmem:$0x10100] =	vst v63  }
0x13: {  	_ =	swait.ge [sflag:s8], $0x8000  }
0x14: {  	[sflag:s8] =	ssyncset.done $0x0  }
0x15: {  	s31 =	simm.s32 $0x0;
	[sflag:s8] =	ssyncadd.s32 $0xFFFF8000  }
0x16: {  	v0 =	vld [tilespmem:s31+$0x700]  }
0x17: {  	v1 =	vld [tilespmem:s31+$0x8700]  }
0x18: {  	v2 =	vld [tilespmem:s31+$0x710]  }
0x19: {  	v3 =	vld [tilespmem:s31+$0x8710]  }
0x1a: {  	v4 =	vld [tilespmem:s31+$0x680]  }
0x1b: {  	v5 =	vld [tilespmem:s31+$0x600]  }
0x1c: {  	v6 =	vld [tilespmem:s31+$0x8600]  }
0x1d: {  	v7 =	vld [tilespmem:s31+$0x610]  }
0x1e: {  	v8 =	vld [tilespmem:s31+$0x8610]  }
0x1f: {  	v9 =	vld [tilespmem:s31+$0x580]  }
0x20: {  	v10 =	vld [tilespmem:s31+$0x8580]  }
0x21: {  	v11 =	vld [tilespmem:s31+$0x590]  }
0x22: {  	v12 =	vld [tilespmem:s31+$0x8590]  }
0x23: {  	v13 =	vld [tilespmem:s31+$0x500]  }
0x24: {  	v14 =	vld [tilespmem:s31+$0x480]  }
0x25: {  	v15 =	vld [tilespmem:s31+$0x8480]  }
0x26: {  	v16 =	vld [tilespmem:s31+$0x490]  }
0x27: {  	v17 =	vld [tilespmem:s31+$0x8490]  }
0x28: {  	v18 =	vld [tilespmem:s31+$0x400]  }
0x29: {  	v19 =	vld [tilespmem:s31+$0x8400]  }
0x2a: {  	v20 =	vld [tilespmem:s31+$0x410]  }
0x2b: {  	v21 =	vld [tilespmem:s31+$0x8410]  }
0x2c: {  	v22 =	vld [tilespmem:s31+$0x380]  }
0x2d: {  	v23 =	vld [tilespmem:s31+$0x300]  }
0x2e: {  	v24 =	vld [tilespmem:s31+$0x8300]  }
0x2f: {  	v25 =	vld [tilespmem:s31+$0x310]  }
0x30: {  	v26 =	vld [tilespmem:s31+$0x8310]  }
0x31: {  	v27 =	vld [tilespmem:s31+$0x280]  }
0x32: {  	v28 =	vld [tilespmem:s31+$0x8280]  }
0x33: {  	v29 =	vld [tilespmem:s31+$0x290]  }
0x34: {  	v30 =	vld [tilespmem:s31+$0x8290]  }
0x35: {  	v31 =	vld [tilespmem:s31+$0x200]  }
0x36: {  	v32 =	vld [tilespmem:s31+$0x180]  }
0x37: {  	v33 =	vld [tilespmem:s31+$0x8180]  }
0x38: {  	v34 =	vld [tilespmem:s31+$0x190]  }
0x39: {  	v35 =	vld [tilespmem:s31+$0x8190]  }
0x3a: {  	v36 =	vld [tilespmem:s31+$0x100]  }
0x3b: {  	v37 =	vld [tilespmem:s31+$0x8100]  }
0x3c: {  	v38 =	vld [tilespmem:s31+$0x110]  }
0x3d: {  	v39 =	vld [tilespmem:s31+$0x8110]  }
0x3e: {  	v40 =	vld [tilespmem:s31+$0x8000]  }
0x3f: {  	v41 =	vld [tilespmem:s31+$0x0]  }
0x40: {  	v0 =	vmul.f32 v1, v0;
	v1 =	vmul.f32 v3, v2;
	v2 =	vld [tilespmem:s31+$0x10]  }
0x41: {  	v3 =	vmul.f32 v6, v5;
	v5 =	vmul.f32 v8, v7;
	v6 =	vld [tilespmem:s31+$0x8010]  }
0x42: {  	v7 =	vmul.f32 v12, v11;
	v8 =	vld [tilespmem:s31+$0x80];
	v0 =	vadd.f32 v1, v0;
	v1 =	vmul.f32 v10, v9  }
0x43: {  	v11 =	vld [tilespmem:s31+$0x90];
	v3 =	vadd.f32 v5, v3;
	v5 =	vmul.f32 v15, v14;
	v9 =	vmul.f32 v17, v16  }
0x44: {  	v12 =	vld [tilespmem:s31+$0x8090];
	(xrf2) =	vadd.scan.msk.f32 $0xffff, v0;
	v0 =	vadd.f32 v7, v1;
	v1 =	vmul.f32 v19, v18;
	v7 =	vmul.f32 v21, v20  }
0x45: {  	v10 =	vld [tilespmem:s31+$0x8080];
	(xrf2) =	vadd.scan.msk.f32 $0xffff, v3;
	v3 =	vadd.f32 v9, v5;
	v5 =	vmul.f32 v24, v23;
	v9 =	vmul.f32 v26, v25  }
0x46: {  	v14 =	vld [tilespmem:s31+$0x8200];
	(xrf2) =	vadd.scan.msk.f32 $0xffff, v0;
	v0 =	vadd.f32 v7, v1;
	v1 =	vmul.f32 v28, v27;
	v7 =	vmul.f32 v30, v29  }
0x47: {  	v15 =	vld [tilespmem:s31+$0x210];
	(xrf2) =	vadd.scan.msk.f32 $0xffff, v3;
	v3 =	vadd.f32 v9, v5;
	v5 =	vmul.f32 v33, v32;
	v9 =	vmul.f32 v35, v34  }
0x48: {  	v16 =	vld [tilespmem:s31+$0x8210];
	(xrf2) =	vadd.scan.msk.f32 $0xffff, v0;
	v0 =	vadd.f32 v7, v1;
	v1 =	vmul.f32 v37, v36;
	v7 =	vmul.f32 v39, v38  }
0x49: {  	v2 =	vmul.f32 v6, v2;
	v6 =	vld [tilespmem:s31+$0x8380];
	(xrf2) =	vadd.scan.msk.f32 $0xffff, v3;
	v3 =	vadd.f32 v9, v5  }
0x4a: {  	v5 =	vmul.f32 v40, v41;
	(xrf2) =	vadd.scan.msk.f32 $0xffff, v0;
	v0 =	vadd.f32 v7, v1;
	v1 =	vmul.f32 v10, v8;
	v8 =	vld [tilespmem:s31+$0x390]  }
0x4b: {  	v7 =	vmul.f32 v12, v11;
	v10 =	vld [tilespmem:s31+$0x8510]  }
0x4c: {  	(xrf2) =	vadd.scan.msk.f32 $0xffff, v3;
	v2 =	vadd.f32 v2, v5;
	v3 =	vld [tilespmem:s31+$0x8390]  }
0x4d: {  	(xrf2) =	vadd.scan.msk.f32 $0xffff, v0;
	v0 =	vadd.f32 v7, v1;
	v1 =	vld [tilespmem:s31+$0x8500]  }
0x4e: {  	v5 =	vmul.f32 v16, v15;
	v7 =	vld [tilespmem:s31+$0x510];
	(xrf2) =	vadd.scan.msk.f32 $0xffff, v2;
	v2 =	vmul.f32 v14, v31  }
0x4f: {  	v14 =	vld [tilespmem:s31+$0x8690]  }
0x50: {  	v9, _, _ =	vpop (xrf2);
	(xrf2) =	vadd.scan.msk.f32 $0xffff, v0;
	v2 =	vadd.f32 v5, v2;
	v5 =	vld [tilespmem:s31+$0x8680]  }
0x51: {  	v6 =	vmul.f32 v6, v22;
	v0, _, _ =	vpop (xrf2);
	v3 =	vmul.f32 v3, v8;
	v8 =	vld [tilespmem:s31+$0x690]  }
0x52: {  	v11, _, _ =	vpop (xrf2)  }
0x53: {  	v12, _, _ =	vpop (xrf2);
	v3 =	vadd.f32 v3, v6  }
0x54: {  	(xrf2) =	vadd.scan.msk.f32 $0xffff, v2;
	v2, _, _ =	vpop (xrf2)  }
0x55: {  	v1 =	vmul.f32 v1, v13;
	v7 =	vmul.f32 v10, v7;
	v15, _, _ =	vpop (xrf2)  }
0x56: {  	v4 =	vmul.f32 v5, v4;
	v13, _, _ =	vpop (xrf2);
	v5 =	vmul.f32 v14, v8  }
0x57: {  	v10 =	vld [tilespmem:s31+$0x8780];
	(xrf2) =	vadd.scan.msk.f32 $0xffff, v3;
	v3, _, _ =	vpop (xrf2)  }
0x58: {  	v6 =	vld [tilespmem:s31+$0x780];
	v1 =	vadd.f32 v7, v1;
	v17, _, _ =	vpop (xrf2)  }
0x59: {  	v16 =	vld [tilespmem:s31+$0x790];
	v8, _, _ =	vpop (xrf2)  }
0x5a: {  	v7 =	vld [tilespmem:s31+$0x8790];
	(xrf2) =	vadd.scan.msk.f32 $0xffff, v1;
	v1 =	vadd.f32 v5, v4;
	v5, _, _ =	vpop (xrf2)  }
0x5b: {  	v5 =	vbroadcast v5, $0xF;
	_ =	sdelay $0x1  }
0x5c: {  	v4 =	vmul.f32 v10, v6;
	v6 =	vbroadcast v8, $0xF  }
0x5d: {  	v8 =	vbroadcast v17, $0xF  }
0x5e: {  	v3 =	vbroadcast v3, $0xF;
	v7 =	vmul.f32 v7, v16;
	(xrf2) =	vadd.scan.msk.f32 $0xffff, v1;
	v1 =	vsel vm0, v6, v5;
	v5, _, _ =	vpop (xrf2)  }
0x5f: {  	v1 =	vsel vm1, v1, v8;
	v5 =	vbroadcast v5, $0xF  }
0x60: {  	v4 =	vadd.f32 v7, v4;
	v1 =	vsel vm2, v1, v3;
	v3 =	vbroadcast v13, $0xF  }
0x61: {  	v6, _, _ =	vpop (xrf2);
	v1 =	vsel vm3, v1, v5;
	v5 =	vbroadcast v15, $0xF  }
0x62: {  	v1 =	vsel vm4, v1, v3;
	v3 =	vbroadcast v6, $0xF  }
0x63: {  	v2 =	vbroadcast v2, $0xF;
	(xrf2) =	vadd.scan.msk.f32 $0xffff, v4;
	v1 =	vsel vm5, v1, v5  }
0x64: {  	v4, _, _ =	vpop (xrf2);
	v1 =	vsel vm6, v1, v3;
	v3 =	vbroadcast v12, $0xF  }
0x65: {  	v1 =	vsel vm7, v1, v2;
	v2 =	vbroadcast v4, $0xF  }
0x66: {  	v1 =	vsel vm8, v1, v3;
	v3 =	vbroadcast v11, $0xF  }
0x67: {  	v0 =	vbroadcast v0, $0xF;
	v1 =	vsel vm9, v1, v2  }
0x68: {  	v1 =	vsel vm10, v1, v3  }
0x69: {  	v2, _, _ =	vpop (xrf2);
	v0 =	vsel vm11, v1, v0;
	v1 =	vbroadcast v9, $0xF  }
0x6a: {  	v2 =	vbroadcast v2, $0xF;
	_ =	sdelay $0x1  }
0x6b: {  	v0 =	vsel vm12, v0, v2  }
0x6c: {  	v0 =	vsel vm13, v0, v1;
	v1, _, _ =	vpop (xrf2)  }
0x6d: {  	s13 =	simm.s32 $0x10000;
	v0 =	vsel vm14, v0, v1  }
0x6e: {  	s14 =	simm.s32 $0x800;
	[tilespmem:s13+$0x0] =	vst v0  }
0x6f: {  	v2 =	vld [tilespmem:s14+$0x700]  }
0x70: {  	v3 =	vld [tilespmem:s14+$0x8700]  }
0x71: {  	v5 =	vld [tilespmem:s14+$0x710]  }
0x72: {  	v6 =	vld [tilespmem:s14+$0x8710]  }
0x73: {  	v0 =	vld [tilespmem:s14+$0x680]  }
0x74: {  	v7 =	vld [tilespmem:s14+$0x600]  }
0x75: {  	v8 =	vld [tilespmem:s14+$0x8600]  }
0x76: {  	v9 =	vld [tilespmem:s14+$0x610]  }
0x77: {  	v10 =	vld [tilespmem:s14+$0x8610]  }
0x78: {  	v11 =	vld [tilespmem:s14+$0x580]  }
0x79: {  	v12 =	vld [tilespmem:s14+$0x8580]  }
0x7a: {  	v13 =	vld [tilespmem:s14+$0x590]  }
0x7b: {  	v14 =	vld [tilespmem:s14+$0x8590]  }
0x7c: {  	v1 =	vld [tilespmem:s14+$0x500]  }
0x7d: {  	v15 =	vld [tilespmem:s14+$0x480]  }
0x7e: {  	v16 =	vld [tilespmem:s14+$0x8480]  }
0x7f: {  	v17 =	vld [tilespmem:s14+$0x490]  }
0x80: {  	v18 =	vld [tilespmem:s14+$0x8490]  }
0x81: {  	v19 =	vld [tilespmem:s14+$0x400]  }
0x82: {  	v54 =	vld [tilespmem:s14+$0x8400]  }
0x83: {  	v55 =	vld [tilespmem:s14+$0x410]  }
0x84: {  	v56 =	vld [tilespmem:s14+$0x8410]  }
0x85: {  	v4 =	vld [tilespmem:s14+$0x380]  }
0x86: {  	v57 =	vld [tilespmem:s14+$0x300]  }
0x87: {  	v58 =	vld [tilespmem:s14+$0x8300];
	v2 =	vmul.f32 v3, v2;
	v3 =	vmul.f32 v6, v5  }
0x88: {  	v59 =	vld [tilespmem:s14+$0x310]  }
0x89: {  	v60 =	vld [tilespmem:s14+$0x8310];
	v2 =	vadd.f32 v3, v2  }
0x8a: {  	v61 =	vld [tilespmem:s14+$0x280];
	v6 =	vmul.f32 v8, v7;
	v8 =	vmul.f32 v10, v9  }
0x8b: {  	v62 =	vld [tilespmem:s14+$0x8280];
	(xrf2) =	vadd.scan.msk.f32 $0xffff, v2  }
0x8c: {  	v63 =	vld [tilespmem:s14+$0x8110];
	v9 =	vmul.f32 v14, v13;
	v3 =	vmul.f32 v12, v11;
	v6 =	vadd.f32 v8, v6  }
0x8d: {  	v5 =	vld [tilespmem:s14+$0x290];
	v8 =	vmul.f32 v16, v15;
	v11 =	vmul.f32 v18, v17  }
0x8e: {  	v10 =	vld [tilespmem:s14+$0x8290];
	v2 =	vadd.f32 v9, v3;
	(xrf2) =	vadd.scan.msk.f32 $0xffff, v6  }
0x8f: {  	v7 =	vld [tilespmem:s14+$0x200];
	v3 =	vadd.f32 v11, v8  }
0x90: {  	v13 =	vld [tilespmem:s14+$0x180];
	(xrf2) =	vadd.scan.msk.f32 $0xffff, v2  }
0x91: {  	v14 =	vld [tilespmem:s14+$0x8180];
	v2 =	vmul.f32 v54, v19;
	(xrf2) =	vadd.scan.msk.f32 $0xffff, v3;
	v3 =	vmul.f32 v56, v55  }
0x92: {  	v16 =	vld [tilespmem:s14+$0x100]  }
0x93: {  	v11 =	vld [tilespmem:s14+$0x8190];
	v3 =	vadd.f32 v3, v2  }
0x94: {  	v12 =	vmul.f32 v58, v57;
	v15 =	vmul.f32 v60, v59;
	v6 =	vld [tilespmem:s14+$0x190]  }
0x95: {  	v17 =	vld [tilespmem:s14+$0x8100];
	v2, _, _ =	vpop (xrf2);
	(xrf2) =	vadd.scan.msk.f32 $0xffff, v3  }
0x96: {  	v18 =	vld [tilespmem:s14+$0x110];
	v15 =	vadd.f32 v15, v12  }
0x97: {  	v8 =	vld [tilespmem:s14+$0x8000];
	v5 =	vmul.f32 v10, v5;
	v19 =	vmul.f32 v62, v61  }
0x98: {  	v9 =	vld [tilespmem:s14+$0x0];
	v3, _, _ =	vpop (xrf2);
	(xrf2) =	vadd.scan.msk.f32 $0xffff, v15  }
0x99: {  	v12 =	vld [tilespmem:s14+$0x8010];
	v19 =	vadd.f32 v5, v19;
	v6 =	vmul.f32 v11, v6  }
0x9a: {  	v10 =	vld [tilespmem:s14+$0x10];
	v14 =	vmul.f32 v14, v13  }
0x9b: {  	v13 =	vld [tilespmem:s14+$0x8080];
	v5, _, _ =	vpop (xrf2);
	(xrf2) =	vadd.scan.msk.f32 $0xffff, v19  }
0x9c: {  	v11 =	vld [tilespmem:s14+$0x80];
	v15 =	vadd.f32 v6, v14  }
0x9d: {  	p0 =	por p1, p1;
	s15 =	simm.s32 $0x4000;
	v16 =	vmul.f32 v17, v16;
	v17 =	vmul.f32 v63, v18;
	v14 =	vld [tilespmem:s14+$0x90];
	v6, _, _ =	vpop (xrf2)  }
.LBB2_3:
0x9e: {  	p1 =	sne.s32 s15, $0x1E000;
	v18 =	vld [tilespmem:s14+$0x8090];
	(xrf2) =	vadd.scan.msk.f32 $0xffff, v15  }
0x9f: {  	v19 =	vadd.f32 v17, v16;
	v16 =	vld [tilespmem:s14+$0x8200];
	v17, _, _ =	vpop (xrf2)  }
0xa0: {  	v8 =	vmul.f32 v8, v9;
	v9 =	vmul.f32 v12, v10;
	v10 =	vld [tilespmem:s14+$0x210]  }
0xa1: {  	v12 =	vld [tilespmem:s14+$0x8210];
	(xrf2) =	vadd.scan.msk.f32 $0xffff, v19  }
0xa2: {  	v8 =	vadd.f32 v9, v8;
	v9 =	vld [tilespmem:s14+$0x8380];
	v15, _, _ =	vpop (xrf2)  }
0xa3: {  	v11 =	vmul.f32 v13, v11;
	v19 =	vmul.f32 v18, v14;
	v14 =	vld [tilespmem:s14+$0x390]  }
0xa4: {  	v18 =	vld [tilespmem:s14+$0x8390];
	(xrf2) =	vadd.scan.msk.f32 $0xffff, v8  }
0xa5: {  	v8 =	vadd.f32 v19, v11;
	v11 =	vld [tilespmem:s14+$0x8500];
	v13, _, _ =	vpop (xrf2)  }
0xa6: {  	v7 =	vmul.f32 v16, v7;
	v19 =	vmul.f32 v12, v10;
	v12 =	vld [tilespmem:s14+$0x510]  }
0xa7: {  	v16 =	vld [tilespmem:s14+$0x8510];
	(xrf2) =	vadd.scan.msk.f32 $0xffff, v8  }
0xa8: {  	v7 =	vadd.f32 v19, v7;
	v8 =	vld [tilespmem:s14+$0x8680];
	v10, _, _ =	vpop (xrf2)  }
0xa9: {  	v4 =	vmul.f32 v9, v4;
	v19 =	vmul.f32 v18, v14;
	v14 =	vld [tilespmem:s14+$0x690]  }
0xaa: {  	v18 =	vld [tilespmem:s14+$0x8690];
	(xrf2) =	vadd.scan.msk.f32 $0xffff, v7  }
0xab: {  	v4 =	vadd.f32 v19, v4;
	v7 =	vld [tilespmem:s14+$0x780];
	v9, _, _ =	vpop (xrf2)  }
0xac: {  	v1 =	vmul.f32 v11, v1;
	v19 =	vmul.f32 v16, v12;
	v12 =	vld [tilespmem:s14+$0x8780]  }
0xad: {  	v16 =	vld [tilespmem:s14+$0x790];
	(xrf2) =	vadd.scan.msk.f32 $0xffff, v4  }
0xae: {  	v1 =	vadd.f32 v19, v1;
	v4 =	vld [tilespmem:s14+$0x8790];
	v11, _, _ =	vpop (xrf2)  }
0xaf: {  	v0 =	vmul.f32 v8, v0;
	v8 =	vmul.f32 v18, v14  }
0xb0: {  	(xrf2) =	vadd.scan.msk.f32 $0xffff, v1  }
0xb1: {  	v0 =	vadd.f32 v8, v0;
	v1 =	vmul.f32 v12, v7;
	v7, _, _ =	vpop (xrf2)  }
0xb2: {  	v11 =	vbroadcast v11, $0xF;
	v7 =	vbroadcast v7, $0xF  }
0xb3: {  	v9 =	vbroadcast v9, $0xF;
	v4 =	vmul.f32 v4, v16;
	(xrf2) =	vadd.scan.msk.f32 $0xffff, v0  }
0xb4: {  	v0 =	vsel vm0, v11, v7;
	v7 =	vbroadcast v10, $0xF;
	v8, _, _ =	vpop (xrf2)  }
0xb5: {  	v0 =	vsel vm1, v0, v9;
	v9 =	vbroadcast v8, $0xF;
	v1 =	vadd.f32 v4, v1  }
0xb6: {  	v4 =	vbroadcast v13, $0xF;
	v0 =	vsel vm2, v0, v7  }
0xb7: {  	v7 =	vbroadcast v15, $0xF;
	v0 =	vsel vm3, v0, v9;
	v8, _, _ =	vpop (xrf2);
	(xrf2) =	vadd.scan.msk.f32 $0xffff, v1  }
0xb8: {  	v0 =	vsel vm4, v0, v4;
	v1 =	vbroadcast v8, $0xF  }
0xb9: {  	v4 =	vbroadcast v17, $0xF;
	v0 =	vsel vm5, v0, v7  }
0xba: {  	v0 =	vsel vm6, v0, v1;
	v1 =	vbroadcast v6, $0xF;
	v6, _, _ =	vpop (xrf2)  }
0xbb: {  	v0 =	vsel vm7, v0, v4;
	v6 =	vbroadcast v6, $0xF  }
0xbc: {  	v0 =	vsel vm8, v0, v1;
	v1 =	vbroadcast v5, $0xF  }
0xbd: {  	v3 =	vbroadcast v3, $0xF;
	v0 =	vsel vm9, v0, v6;
	v4, _, _ =	vpop (xrf2)  }
0xbe: {  	v0 =	vsel vm10, v0, v1;
	v4 =	vbroadcast v4, $0xF  }
0xbf: {  	v2 =	vbroadcast v2, $0xF;
	v0 =	vsel vm11, v0, v3  }
0xc0: {  	v0 =	vsel vm12, v0, v4  }
0xc1: {  	v0 =	vsel vm13, v0, v2;
	v1, _, _ =	vpop (xrf2)  }
0xc2: {  	s13 =	sadd.s32 $0x10, s13;
	v0 =	vsel vm14, v0, v1  }
0xc3: {  	s14 =	sshra.s32 s15, $0x2;
	[tilespmem:s13+$0x0] =	vst v0  }
0xc4: {  	v2 =	vld [tilespmem:s14+$0x700]  }
0xc5: {  	v3 =	vld [tilespmem:s14+$0x8700]  }
0xc6: {  	v5 =	vld [tilespmem:s14+$0x710]  }
0xc7: {  	v6 =	vld [tilespmem:s14+$0x8710]  }
0xc8: {  	v0 =	vld [tilespmem:s14+$0x680]  }
0xc9: {  	v7 =	vld [tilespmem:s14+$0x600]  }
0xca: {  	v8 =	vld [tilespmem:s14+$0x8600]  }
0xcb: {  	v9 =	vld [tilespmem:s14+$0x610]  }
0xcc: {  	v10 =	vld [tilespmem:s14+$0x8610]  }
0xcd: {  	v11 =	vld [tilespmem:s14+$0x580]  }
0xce: {  	v12 =	vld [tilespmem:s14+$0x8580]  }
0xcf: {  	v13 =	vld [tilespmem:s14+$0x590]  }
0xd0: {  	v14 =	vld [tilespmem:s14+$0x8590]  }
0xd1: {  	v1 =	vld [tilespmem:s14+$0x500]  }
0xd2: {  	v15 =	vld [tilespmem:s14+$0x480]  }
0xd3: {  	v16 =	vld [tilespmem:s14+$0x8480]  }
0xd4: {  	v17 =	vld [tilespmem:s14+$0x490]  }
0xd5: {  	v18 =	vld [tilespmem:s14+$0x8490]  }
0xd6: {  	v19 =	vld [tilespmem:s14+$0x400]  }
0xd7: {  	v20 =	vld [tilespmem:s14+$0x8400]  }
0xd8: {  	v21 =	vld [tilespmem:s14+$0x410]  }
0xd9: {  	v22 =	vld [tilespmem:s14+$0x8410]  }
0xda: {  	v2 =	vmul.f32 v3, v2;
	v3 =	vmul.f32 v6, v5;
	v4 =	vld [tilespmem:s14+$0x380]  }
0xdb: {  	v5 =	vld [tilespmem:s14+$0x300]  }
0xdc: {  	v2 =	vadd.f32 v3, v2;
	v6 =	vld [tilespmem:s14+$0x8300]  }
0xdd: {  	v7 =	vmul.f32 v8, v7;
	v8 =	vmul.f32 v10, v9;
	v3 =	vld [tilespmem:s14+$0x310]  }
0xde: {  	v9 =	vld [tilespmem:s14+$0x8310];
	(xrf2) =	vadd.scan.msk.f32 $0xffff, v2  }
0xdf: {  	v2 =	vadd.f32 v8, v7;
	v10 =	vld [tilespmem:s14+$0x280]  }
0xe0: {  	v7 =	vmul.f32 v12, v11;
	v8 =	vmul.f32 v14, v13;
	v23 =	vld [tilespmem:s14+$0x8280]  }
0xe1: {  	v11 =	vld [tilespmem:s14+$0x290];
	(xrf2) =	vadd.scan.msk.f32 $0xffff, v2  }
0xe2: {  	v2 =	vadd.f32 v8, v7;
	v12 =	vld [tilespmem:s14+$0x8290]  }
0xe3: {  	v13 =	vmul.f32 v18, v17;
	v8 =	vmul.f32 v16, v15;
	v7 =	vld [tilespmem:s14+$0x200]  }
0xe4: {  	v14 =	vld [tilespmem:s14+$0x180];
	(xrf2) =	vadd.scan.msk.f32 $0xffff, v2  }
0xe5: {  	v24 =	vadd.f32 v13, v8;
	v15 =	vld [tilespmem:s14+$0x8180]  }
0xe6: {  	v16 =	vmul.f32 v22, v21;
	v8 =	vmul.f32 v20, v19;
	v13 =	vld [tilespmem:s14+$0x190]  }
0xe7: {  	v17 =	vld [tilespmem:s14+$0x8190];
	(xrf2) =	vadd.scan.msk.f32 $0xffff, v24  }
0xe8: {  	v8 =	vadd.f32 v16, v8;
	v18 =	vld [tilespmem:s14+$0x100];
	v2, _, _ =	vpop (xrf2)  }
0xe9: {  	v5 =	vmul.f32 v6, v5;
	v6 =	vmul.f32 v9, v3;
	v16 =	vld [tilespmem:s14+$0x8100]  }
0xea: {  	v19 =	vld [tilespmem:s14+$0x110];
	(xrf2) =	vadd.scan.msk.f32 $0xffff, v8  }
0xeb: {  	v21 =	vadd.f32 v6, v5;
	v20 =	vld [tilespmem:s14+$0x8110];
	v3, _, _ =	vpop (xrf2)  }
0xec: {  	v6 =	vmul.f32 v23, v10;
	v11 =	vmul.f32 v12, v11;
	v8 =	vld [tilespmem:s14+$0x8000]  }
0xed: {  	v9 =	vld [tilespmem:s14+$0x0];
	(xrf2) =	vadd.scan.msk.f32 $0xffff, v21  }
.Ltmp0:
0xee: {  	v21 =	vadd.f32 v11, v6;
	v10 =	vld [tilespmem:s14+$0x10];
	v5, _, _ =	vpop (xrf2);
	(pc) =	sbr.rel @p1 .LBB2_3-.Ltmp0, $4  }
0xef: {  	v14 =	vmul.f32 v15, v14;
	v15 =	vmul.f32 v17, v13;
	v12 =	vld [tilespmem:s14+$0x8010]  }
0xf0: {  	v11 =	vld [tilespmem:s14+$0x80];
	(xrf2) =	vadd.scan.msk.f32 $0xffff, v21  }
0xf1: {  	v15 =	vadd.f32 v15, v14;
	v13 =	vld [tilespmem:s14+$0x8080];
	v6, _, _ =	vpop (xrf2)  }
0xf2: {  	s15 =	sadd.s32 $0x2000, s15;
	v16 =	vmul.f32 v16, v18;
	v17 =	vmul.f32 v20, v19;
	v14 =	vld [tilespmem:s14+$0x90]  }
0xf3: {  	v18 =	vld [tilespmem:s14+$0x8090]  }
0xf4: {  	v19 =	vld [tilespmem:s14+$0x8200]  }
0xf5: {  	v20 =	vld [tilespmem:s14+$0x210]  }
0xf6: {  	v21 =	vld [tilespmem:s14+$0x8210]  }
0xf7: {  	v8 =	vmul.f32 v8, v9;
	v63 =	vld [tilespmem:s14+$0x8380];
	v62 =	vmul.f32 v12, v10  }
0xf8: {  	v24 =	vld [tilespmem:s14+$0x390];
	v22 =	vadd.f32 v17, v16;
	v11 =	vmul.f32 v13, v11;
	v23 =	vmul.f32 v18, v14  }
0xf9: {  	(xrf2) =	vadd.scan.msk.f32 $0xffff, v15;
	v25 =	vld [tilespmem:s14+$0x8390];
	v8 =	vadd.f32 v62, v8  }
0xfa: {  	v26 =	vld [tilespmem:s14+$0x8500];
	(xrf2) =	vadd.scan.msk.f32 $0xffff, v22;
	v11 =	vadd.f32 v23, v11  }
0xfb: {  	v28 =	vld [tilespmem:s14+$0x510];
	(xrf2) =	vadd.scan.msk.f32 $0xffff, v8;
	v7 =	vmul.f32 v19, v7;
	v27 =	vmul.f32 v21, v20  }
0xfc: {  	v29 =	vld [tilespmem:s14+$0x8510];
	(xrf2) =	vadd.scan.msk.f32 $0xffff, v11  }
0xfd: {  	v30 =	vld [tilespmem:s14+$0x8680];
	v7 =	vadd.f32 v27, v7  }
0xfe: {  	v31 =	vld [tilespmem:s14+$0x690];
	v4 =	vmul.f32 v63, v4;
	v9 =	vmul.f32 v25, v24  }
0xff: {  	v32 =	vld [tilespmem:s14+$0x8690];
	(xrf2) =	vadd.scan.msk.f32 $0xffff, v7  }
0x100: {  	v34 =	vld [tilespmem:s14+$0x780];
	v33, _, _ =	vpop (xrf2);
	v4 =	vadd.f32 v9, v4  }
0x101: {  	v37 =	vld [tilespmem:s14+$0x8780];
	v35, _, _ =	vpop (xrf2);
	v1 =	vmul.f32 v26, v1;
	v36 =	vmul.f32 v29, v28  }
0x102: {  	v39 =	vld [tilespmem:s14+$0x790];
	v38, _, _ =	vpop (xrf2);
	(xrf2) =	vadd.scan.msk.f32 $0xffff, v4  }
0x103: {  	v41 =	vld [tilespmem:s14+$0x8790];
	v1 =	vadd.f32 v36, v1;
	v40, _, _ =	vpop (xrf2)  }
0x104: {  	v0 =	vmul.f32 v30, v0;
	v43 =	vmul.f32 v32, v31;
	v42, _, _ =	vpop (xrf2)  }
0x105: {  	(xrf2) =	vadd.scan.msk.f32 $0xffff, v1;
	v44, _, _ =	vpop (xrf2)  }
0x106: {  	v45 =	vmul.f32 v37, v34;
	v0 =	vadd.f32 v43, v0;
	v46, _, _ =	vpop (xrf2)  }
0x107: {  	v47 =	vbroadcast v44, $0xF;
	v8 =	vbroadcast v46, $0xF  }
0x108: {  	v49 =	vmul.f32 v41, v39;
	(xrf2) =	vadd.scan.msk.f32 $0xffff, v0;
	v48 =	vbroadcast v42, $0xF  }
0x109: {  	v4 =	vbroadcast v40, $0xF;
	v51, _, _ =	vpop (xrf2);
	v50 =	vsel vm0, v47, v8  }
0x10a: {  	v1 =	vadd.f32 v49, v45;
	v8 =	vbroadcast v51, $0xF;
	v0 =	vsel vm1, v50, v48  }
0x10b: {  	v52 =	vbroadcast v38, $0xF;
	v0 =	vsel vm2, v0, v4  }
0x10c: {  	v53 =	vbroadcast v35, $0xF;
	v54, _, _ =	vpop (xrf2);
	(xrf2) =	vadd.scan.msk.f32 $0xffff, v1;
	v0 =	vsel vm3, v0, v8  }
0x10d: {  	v55 =	vbroadcast v54, $0xF;
	v0 =	vsel vm4, v0, v52  }
0x10e: {  	v56 =	vbroadcast v33, $0xF;
	v0 =	vsel vm5, v0, v53  }
0x10f: {  	v57 =	vbroadcast v6, $0xF;
	v58, _, _ =	vpop (xrf2);
	v0 =	vsel vm6, v0, v55  }
0x110: {  	v59 =	vbroadcast v58, $0xF;
	v0 =	vsel vm7, v0, v56  }
0x111: {  	v60 =	vbroadcast v5, $0xF;
	v0 =	vsel vm8, v0, v57  }
0x112: {  	v3 =	vbroadcast v3, $0xF;
	v61, _, _ =	vpop (xrf2);
	v0 =	vsel vm9, v0, v59  }
0x113: {  	v62 =	vbroadcast v61, $0xF;
	v0 =	vsel vm10, v0, v60  }
0x114: {  	v2 =	vbroadcast v2, $0xF;
	v0 =	vsel vm11, v0, v3  }
0x115: {  	v0 =	vsel vm12, v0, v62  }
0x116: {  	v63, _, _ =	vpop (xrf2);
	v0 =	vsel vm13, v0, v2  }
0x117: {  	s13 =	sadd.s32 $0x10, s13;
	s12 =	sshrl.u32 s12, $0x3;
	v0 =	vsel vm14, v0, v63  }
.Ltmp1:
0x118: {  	s12 =	sadd.s32 s1, s12;
	[tilespmem:s13+$0x0] =	vst v0;
	(pc) =	sbr.rel @p0 .LBB2_2-.Ltmp1, $4  }
0x119: {  	[hbm4b:s12+s2] =	stream.linear.scatter [tilespmem:s10], [sflag:$0x1], $0x100, $0x38;
	[tilespmem:$0x10100] =	vst v63  }
0x11a: {  	_ =	swait.ge [sflag:s8], $0x100  }
0x11b: {  	[sflag:s8] =	ssyncset.done $0x0  }
0x11c: {  	p1 =	por $0x0, $0x0;
	s12 =	simm.s32 $0x100;
	[sflag:s8] =	ssyncadd.s32 $0xFFFFFF00  }
0x11d: {  	s11 =	sadd.s32 $0x1, s11  }
0x11e: {  	p0 =	sne.s32 s11, s7  }
.Ltmp2:
0x11f: {  	_ = 	snop;
	(pc) =	sbr.rel @p0 .LBB2_1-.Ltmp2, $1  }
0x120: {  	_ =	sdelay $0x3  }
0x121: {  	_ =	sfence.sel $0x180000  }
0x122: {  	[bflag:$0x0] =	sbarrier.arrive $0xFFFF  }
0x123: {  	p0 =	sne.s32 s4, $0x0;
	_ =	strace $0x9000004A  }
0x124: {  	s0 =	sadd.s32 @!p0 $0x100000, s0;
	[bflag:$0x2] =	sbarrier.arrive $0xFFFF  }
0x125: {  	[sflag:s0] =	ssyncadd.tile.s32 @!p0 $0x1;
	_ =	shalt  }
.Lfunc_end2:
_tile_overlayer_lowered:
.L_overlay_start_2:
0x126: {  	(tag) =	ssettag $0x2  }
0x127: {  	s0 =	rddreg [dreg:$0x0];
	s2 =	stileid.u32  }
0x128: {  	s1 =	rddreg [dreg:$0x1];
	p0 =	sne.s32 s2, $0x0  }
0x129: {  	s3 =	rddreg [dreg:$0x2];
	[bflag:$0x3] =	sbarrier.arrive $0xFFFF;
	s2 =	simm.s32 @!p0 $0x1C01  }
0x12a: {  	[timem:s3], [sflag:s2] =	dma.local @!p0 [hbm:s0], s1  }
0x12b: {  	s0 =	simm.s32 @!p0 $0x1  }
0x12c: {  	_ =	swait.ge @!p0 [sflag:s0], s1  }
0x12d: {  	s1 =	ssub.s32 @!p0 $0x0, s1;
	[sflag:s0] =	ssyncset.done @!p0 $0x0  }
0x12e: {  	[sflag:s0] =	ssyncadd.s32 @!p0 s1  }
0x12f: {  	[bflag:$0x3] =	sbarrier.arrive $0xFFFF  }
0x130: {  	_ =	shalt  }

</sc_bundles>
